<compile_context>
chip_gen: v7x
topology: tpu7x:2x2x1
jax: 0.10.2.dev20260603
libtpu: 0.0.44.dev20260713+nightly
codegen_flags: <defaults>
</compile_context>

<pallas_src>
import functools

import jax
import jax.numpy as jnp
from jax import lax
from jax.experimental import pallas as pl
from jax.experimental.pallas import tpu as pltpu
from jax.experimental.pallas import tpu_sc as plsc

N = 10000
E = 320000
D = 128
K1 = 8000
K2 = 6400
OUT_DIM = 40000
NPAD = 10240

NC = 2
NS = 16
NW = NC * NS
CHUNK = 96
CHUNK_D = 128
NCHUNK_D = 80
EPT_D = NCHUNK_D * CHUNK_D
EPAD_D = NW * EPT_D
NCHUNK_A = 210
EPT_A = NCHUNK_A * CHUNK
EPAD_A = NS * EPT_A
DH = 64
RPT = NPAD // NS
DW = 16
SRC_PAD = N
DST_PAD = N + 1


def _f32_sort_key(bits):
    return jnp.where(bits < 0, (~bits) ^ (-2147483648), bits)



def _sc_mesh():
    return plsc.VectorSubcoreMesh(
        core_axis_name="c", subcore_axis_name="s", num_cores=NC, num_subcores=NS)


def _agg_body(w, nchunk, ck, u_hbm, src_hbm, dst_hbm, out_hbm, sidx_v, didx_v,
              buf0, buf1, shared, sem0, sem1):
    c = lax.axis_index("c")
    s = lax.axis_index("s")
    wid = c * NS + s

    pltpu.sync_copy(src_hbm.at[wid], sidx_v)
    pltpu.sync_copy(dst_hbm.at[wid], didx_v)

    def zrow(i, carry):
        def zcol(j, carry2):
            buf0[i, pl.ds(j * 16, 16)] = jnp.zeros((16,), jnp.float32)
            return carry2
        return lax.fori_loop(0, w // 16, zcol, carry)

    lax.fori_loop(0, ck, zrow, 0)
    off = s * RPT
    for t in range(RPT // ck):
        pltpu.sync_copy(buf0, shared.at[pl.ds(off + t * ck, ck)])
    rem = RPT - (RPT // ck) * ck
    if rem:
        pltpu.sync_copy(buf0.at[pl.ds(0, rem)],
                        shared.at[pl.ds(off + (RPT // ck) * ck, rem)])
    plsc.subcore_barrier()

    pltpu.async_copy(u_hbm.at[sidx_v.at[0]], buf0, sem0)

    def pair(j, carry):
        i0 = 2 * j
        pltpu.async_copy(u_hbm.at[sidx_v.at[i0 + 1]], buf1, sem1)
        pltpu.make_async_copy(u_hbm.at[sidx_v.at[i0]], buf0, sem0).wait()
        pltpu.sync_copy(buf0, shared.at[didx_v.at[i0]], add=True)

        @pl.when(j < nchunk // 2 - 1)
        def _():
            pltpu.async_copy(u_hbm.at[sidx_v.at[i0 + 2]], buf0, sem0)

        pltpu.make_async_copy(u_hbm.at[sidx_v.at[i0 + 1]], buf1, sem1).wait()
        pltpu.sync_copy(buf1, shared.at[didx_v.at[i0 + 1]], add=True)
        return carry

    lax.fori_loop(0, nchunk // 2, pair, 0)
    plsc.subcore_barrier()
    pltpu.sync_copy(shared.at[pl.ds(off, RPT)],
                    out_hbm.at[pl.ds(c * NPAD + off, RPT)])


def _sc_agg(u, src3, dst3):
    w = u.shape[1]
    nchunk = src3.shape[1]
    ck = src3.shape[2]
    f = pl.kernel(
        functools.partial(_agg_body, w, nchunk, ck),
        out_type=jax.ShapeDtypeStruct((2 * NPAD, w), jnp.float32),
        mesh=_sc_mesh(),
        scratch_types=[
            pltpu.VMEM((nchunk, ck), jnp.int32),
            pltpu.VMEM((nchunk, ck), jnp.int32),
            pltpu.VMEM((ck, w), jnp.float32),
            pltpu.VMEM((ck, w), jnp.float32),
            pltpu.VMEM_SHARED((NPAD, w), jnp.float32),
            pltpu.SemaphoreType.DMA,
            pltpu.SemaphoreType.DMA,
        ],
        compiler_params=pltpu.CompilerParams(use_tc_tiling_on_sc=False),
    )
    return f(u, src3, dst3)


def _sc_deg(mask_pad, src3, dst3):
    table = jnp.broadcast_to(mask_pad[:, None], (NPAD, DW))
    return _sc_agg(table, src3, dst3)



_RB = 1024
_GRID_R = NPAD // _RB


def _scale_body(x_ref, rs_ref, w_ref, d0_ref, d1_ref, u_ref, dis_ref):
    xw = jnp.dot(x_ref[...] * rs_ref[...], w_ref[...],
                 preferred_element_type=jnp.float32)
    deg = d0_ref[...][:, 0:1] + d1_ref[...][:, 0:1] + 1.0
    dis = lax.rsqrt(jnp.maximum(deg, 1.0))
    u_ref[...] = xw * dis
    dis_ref[...] = dis


def _tc_scale(x, rs, w, degp):
    return pl.pallas_call(
        _scale_body,
        grid=(_GRID_R,),
        in_specs=[
            pl.BlockSpec((_RB, D), lambda i: (i, 0)),
            pl.BlockSpec((_RB, 1), lambda i: (i, 0)),
            pl.BlockSpec((D, D), lambda i: (0, 0)),
            pl.BlockSpec((_RB, DW), lambda i: (i, 0)),
            pl.BlockSpec((_RB, DW), lambda i: (i + _GRID_R, 0)),
        ],
        out_specs=[
            pl.BlockSpec((_RB, D), lambda i: (i, 0)),
            pl.BlockSpec((_RB, 1), lambda i: (i, 0)),
        ],
        out_shape=[
            jax.ShapeDtypeStruct((NPAD, D), jnp.float32),
            jax.ShapeDtypeStruct((NPAD, 1), jnp.float32),
        ],
    )(x, rs, w, degp, degp)


def _post_body(alo_ref, ahi_ref, u_ref, dis_ref, b_ref, p_ref, m_ref, h_ref, sc_ref):
    u = u_ref[...]
    dis = dis_ref[...]
    b = b_ref[...]
    h_lo = jnp.maximum(
        (alo_ref[...] + u[:, :DH]) * dis + b[None, :DH], 0.0)
    h_hi = jnp.maximum(
        (ahi_ref[...] + u[:, DH:]) * dis + b[None, DH:], 0.0)
    h_ref[:, :DH] = h_lo
    h_ref[:, DH:] = h_hi
    pv = p_ref[...]
    inv = lax.rsqrt(jnp.sum(pv * pv))
    s = (jnp.sum(h_lo * pv[None, :DH], axis=1, keepdims=True)
         + jnp.sum(h_hi * pv[None, DH:], axis=1, keepdims=True)) * inv
    sc = jnp.tanh(s)
    sc_ref[...] = jnp.where(m_ref[...] > 0, sc, -2.0)


def _tc_post(aggf, u, dis, b, p, m):
    return pl.pallas_call(
        _post_body,
        grid=(_GRID_R,),
        in_specs=[
            pl.BlockSpec((_RB, DH), lambda i: (i, 0)),
            pl.BlockSpec((_RB, DH), lambda i: (i + _GRID_R, 0)),
            pl.BlockSpec((_RB, D), lambda i: (i, 0)),
            pl.BlockSpec((_RB, 1), lambda i: (i, 0)),
            pl.BlockSpec((D,), lambda i: (0,)),
            pl.BlockSpec((D,), lambda i: (0,)),
            pl.BlockSpec((_RB, 1), lambda i: (i, 0)),
        ],
        out_specs=[
            pl.BlockSpec((_RB, D), lambda i: (i, 0)),
            pl.BlockSpec((_RB, 1), lambda i: (i, 0)),
        ],
        out_shape=[
            jax.ShapeDtypeStruct((NPAD, D), jnp.float32),
            jax.ShapeDtypeStruct((NPAD, 1), jnp.float32),
        ],
    )(aggf, aggf, u, dis, b, p, m)


_LO0 = -1080033281
_HI0 = 1069547520


def _select_mask(s, k):
    key = _f32_sort_key(lax.bitcast_convert_type(s, jnp.int32))

    def bis(_, lohi):
        lo, hi = lohi
        mid = (lo >> 1) + (hi >> 1) + (lo & hi & 1)
        cnt = jnp.sum((key >= mid).astype(jnp.int32))
        ok = cnt >= k
        return jnp.where(ok, mid, lo), jnp.where(ok, hi, mid)

    lo, _ = lax.fori_loop(0, 32, bis, (jnp.int32(_LO0), jnp.int32(_HI0)))
    thr = lo
    gt = key > thr
    cnt_gt = jnp.sum(gt.astype(jnp.int32))
    need = k - cnt_gt
    tie = key == thr
    idx = (lax.broadcasted_iota(jnp.int32, (NPAD // 128, 128), 0) * 128
           + lax.broadcasted_iota(jnp.int32, (NPAD // 128, 128), 1))

    def bis2(_, lohi):
        lo2, hi2 = lohi
        mid = (lo2 + hi2) >> 1
        cnt = jnp.sum((tie & (idx < mid)).astype(jnp.int32))
        ok = cnt >= need
        return jnp.where(ok, lo2, mid), jnp.where(ok, mid, hi2)

    _, cut = lax.fori_loop(0, 14, bis2, (jnp.int32(0), jnp.int32(NPAD)))
    return (gt | (tie & (idx < cut))).astype(jnp.float32)


def _gated_rowsum(g_ref, h_ref):
    def body(r, acc):
        gr = g_ref[pl.ds(r, 1), :]
        hb = h_ref[pl.ds(r * 128, 128), :]
        return acc + jnp.dot(gr, hb, preferred_element_type=jnp.float32)

    return lax.fori_loop(0, NPAD // 128, body, jnp.zeros((1, D), jnp.float32))


def _pool1_body(s_ref, h_ref, m_ref, g_ref, xs_ref):
    s = s_ref[...]
    m = _select_mask(s, K1)
    m_ref[...] = m
    g_ref[...] = m * s
    xs_ref[...] = _gated_rowsum(g_ref, h_ref)


def _tc_pool1(sp, h):
    return pl.pallas_call(
        _pool1_body,
        out_shape=[
            jax.ShapeDtypeStruct((NPAD // 128, 128), jnp.float32),
            jax.ShapeDtypeStruct((NPAD // 128, 128), jnp.float32),
            jax.ShapeDtypeStruct((1, D), jnp.float32),
        ],
    )(sp, h)


def _pool2_body(s_ref, h_ref, xs1_ref, w1_ref, b1_ref, w2_ref, b2_ref,
                wv_ref, bv_ref, z_ref, v_ref, g_scr):
    s = s_ref[...]
    m = _select_mask(s, K2)
    g_scr[...] = m * s
    xs2 = _gated_rowsum(g_scr, h_ref)
    z0 = xs1_ref[...] * (1.0 / K1) + xs2 * (1.0 / K2)
    z1 = jnp.dot(z0, w1_ref[...], preferred_element_type=jnp.float32) + b1_ref[...][None, :]
    z2 = jnp.dot(z1, w2_ref[...], preferred_element_type=jnp.float32) + b2_ref[...][None, :]
    z_ref[...] = z2
    v_ref[...] = (jnp.dot(z2, wv_ref[...], preferred_element_type=jnp.float32)
                  + bv_ref[...][None, :])


def _tc_pool2(sp, h2, xs1, w1, b1, w2, b2, wv, bv):
    return pl.pallas_call(
        _pool2_body,
        out_shape=[
            jax.ShapeDtypeStruct((1, 64), jnp.float32),
            jax.ShapeDtypeStruct((1, 1), jnp.float32),
        ],
        scratch_shapes=[pltpu.VMEM((NPAD // 128, 128), jnp.float32)],
    )(sp, h2, xs1, w1, b1, w2, b2, wv, bv)


_CB = 2048
_GRID_C = (OUT_DIM + _CB - 1) // _CB


def _out_body(z_ref, w_ref, b_ref, o_ref):
    o_ref[...] = jnp.tanh(
        jnp.dot(z_ref[...], w_ref[...], preferred_element_type=jnp.float32)
        + b_ref[...][None, :])


def _tc_out(z, w3, b3):
    return pl.pallas_call(
        _out_body,
        grid=(_GRID_C,),
        in_specs=[
            pl.BlockSpec((1, 64), lambda i: (0, 0)),
            pl.BlockSpec((64, _CB), lambda i: (0, i)),
            pl.BlockSpec((_CB,), lambda i: (i,)),
        ],
        out_specs=pl.BlockSpec((1, _CB), lambda i: (0, i)),
        out_shape=jax.ShapeDtypeStruct((1, OUT_DIM), jnp.float32),
    )(z, w3, b3)



def kernel(x, edge_index, W1, b1, p1, W2, b2, p2, lin1_W, lin1_b, lin2_W,
           lin2_b, lin3_W, lin3_b, linV_W, linV_b):
    src_d = jnp.reshape(
        jnp.concatenate(
            [edge_index[0], jnp.full((EPAD_D - E,), SRC_PAD, jnp.int32)]),
        (NW, NCHUNK_D, CHUNK_D))
    dst_d = jnp.reshape(
        jnp.concatenate(
            [edge_index[1], jnp.full((EPAD_D - E,), DST_PAD, jnp.int32)]),
        (NW, NCHUNK_D, CHUNK_D))
    src_a0 = jnp.reshape(
        jnp.concatenate(
            [edge_index[0], jnp.full((EPAD_A - E,), SRC_PAD, jnp.int32)]),
        (NS, NCHUNK_A, CHUNK))
    src_a = jnp.concatenate([src_a0, src_a0 + NPAD], axis=0)
    dst_a0 = jnp.reshape(
        jnp.concatenate(
            [edge_index[1], jnp.full((EPAD_A - E,), DST_PAD, jnp.int32)]),
        (NS, NCHUNK_A, CHUNK))
    dst_a = jnp.concatenate([dst_a0, dst_a0], axis=0)

    xp = jnp.pad(x, ((0, NPAD - N), (0, 0)))
    valid_n = jnp.pad(jnp.ones((N,), jnp.float32), (0, NPAD - N))
    valid_c = valid_n[:, None]
    ones_c = jnp.ones((NPAD, 1), jnp.float32)

    def lane_split(u):
        return jnp.concatenate([u[:, :DH], u[:, DH:]], axis=0)

    degp1 = _sc_deg(valid_n, src_d, dst_d)
    u1, dis1 = _tc_scale(xp, ones_c, W1, degp1)
    aggf1 = _sc_agg(lane_split(u1), src_a, dst_a)
    h, score1 = _tc_post(aggf1, u1, dis1, b1, p1, valid_c)

    m1p, g1p, xs1 = _tc_pool1(jnp.reshape(score1, (NPAD // 128, 128)), h)
    mask1 = jnp.reshape(m1p, (NPAD,))
    g1 = jnp.reshape(g1p, (NPAD, 1))

    degp2 = _sc_deg(mask1, src_d, dst_d)
    u2, dis2 = _tc_scale(h, g1, W2, degp2)
    aggf2 = _sc_agg(lane_split(u2), src_a, dst_a)
    h2, score2 = _tc_post(aggf2, u2, dis2, b2, p2, mask1[:, None])

    z, value = _tc_pool2(jnp.reshape(score2, (NPAD // 128, 128)), h2, xs1,
                         lin1_W, lin1_b, lin2_W, lin2_b, linV_W, linV_b)
    out = _tc_out(z, lin3_W, lin3_b)
    return (out, value)

# --- scband reference (transcript-rebuilt; emitter-appended) ---
"""Pipeline reference for scband-gnnnet-69002944577636 (READ-ONLY COPY).

The authoritative reference and input builder live on the scoring server;
editing this copy changes nothing except your own understanding.
"""

import jax, jax.numpy as jnp
import numpy as np

N = 10000
E = 320000
D = 128
K1 = 8000
K2 = 6400
OUT_DIM = 2 * N * 2


def gcn_conv(x, src, dst, ew, W, b, num_nodes):
    xw = x @ W
    loop = jnp.arange(num_nodes, dtype=src.dtype)
    src2 = jnp.concatenate([src, loop])
    dst2 = jnp.concatenate([dst, loop])
    ew2 = jnp.concatenate([ew, jnp.ones((num_nodes,), dtype=ew.dtype)])
    deg = jax.ops.segment_sum(ew2, dst2, num_segments=num_nodes)
    dis = jnp.where(deg > 0, deg ** -0.5, 0.0)
    norm = dis[src2] * ew2 * dis[dst2]
    out = jax.ops.segment_sum(xw[src2] * norm[:, None], dst2, num_segments=num_nodes)
    return out + b


def topk_pool(x, src, dst, ew, p, k, num_nodes):
    # PyG TopKPooling: score = tanh((x . p)/||p||); keep top-k nodes; gate x by score;
    # keep only edges with both endpoints selected (emulated with 0/1 edge weights and a dummy node slot).
    score = jnp.tanh((x @ p) / jnp.linalg.norm(p))
    topv, perm = jax.lax.top_k(score, k)
    x_p = x[perm] * topv[:, None]
    mask = jnp.zeros((num_nodes + 1,), dtype=x.dtype).at[perm].set(1.0)
    inv = jnp.full((num_nodes + 1,), k, dtype=jnp.int32).at[perm].set(jnp.arange(k, dtype=jnp.int32))
    return x_p, inv[src], inv[dst], ew * mask[src] * mask[dst]


def setup_inputs(seed: int = 0) -> dict:
    key = jax.random.key(seed)
    ks = jax.random.split(key, 12)
    s = 0.05
    return {
        "x": jax.random.normal(ks[0], (N, D), dtype=jnp.float32),
        "edge_index": jax.random.randint(ks[1], (2, E), 0, N, dtype=jnp.int32),
        "W1": jax.random.normal(ks[2], (D, 128), dtype=jnp.float32) * s,
        "b1": jnp.zeros((128,), dtype=jnp.float32),
        "p1": jax.random.normal(ks[3], (128,), dtype=jnp.float32) * s,
        "W2": jax.random.normal(ks[4], (128, 128), dtype=jnp.float32) * s,
        "b2": jnp.zeros((128,), dtype=jnp.float32),
        "p2": jax.random.normal(ks[5], (128,), dtype=jnp.float32) * s,
        "lin1_W": jax.random.normal(ks[6], (128, 128), dtype=jnp.float32) * s,
        "lin1_b": jnp.zeros((128,), dtype=jnp.float32),
        "lin2_W": jax.random.normal(ks[7], (128, 64), dtype=jnp.float32) * s,
        "lin2_b": jnp.zeros((64,), dtype=jnp.float32),
        "lin3_W": jax.random.normal(ks[8], (64, OUT_DIM), dtype=jnp.float32) * s,
        "lin3_b": jnp.zeros((OUT_DIM,), dtype=jnp.float32),
        "linV_W": jax.random.normal(ks[9], (64, 1), dtype=jnp.float32) * s,
        "linV_b": jnp.zeros((1,), dtype=jnp.float32),
    }


def reference(x, edge_index, W1, b1, p1, W2, b2, p2, lin1_W, lin1_b, lin2_W, lin2_b, lin3_W, lin3_b, linV_W, linV_b):
    src, dst = edge_index[0], edge_index[1]
    ew = jnp.ones((E,), dtype=jnp.float32)
    h = jax.nn.relu(gcn_conv(x, src, dst, ew, W1, b1, N))
    h1, src1, dst1, ew1 = topk_pool(h, src, dst, ew, p1, K1, N)
    x1 = jnp.mean(h1, axis=0, keepdims=True)  # global_mean_pool(x, None)
    h1d = jnp.concatenate([h1, jnp.zeros((1, h1.shape[1]), h1.dtype)], axis=0)  # dummy slot K1
    h2 = jax.nn.relu(gcn_conv(h1d, src1, dst1, ew1, W2, b2, K1 + 1))[:K1]
    h2p, _, _, _ = topk_pool(h2, src1, dst1, ew1, p2, K2, K1)
    x2 = jnp.mean(h2p, axis=0, keepdims=True)
    z = x1 + x2
    z = z @ lin1_W + lin1_b
    z = z @ lin2_W + lin2_b
    value = z @ linV_W + linV_b
    out = jnp.tanh(z @ lin3_W + lin3_b)
    return (out, value)

if __name__ == "__main__":
    import jax
    _d = setup_inputs()
    print(jax.jit(kernel)(*tuple(_d.values())))

</pallas_src>

<mosaic_0001>
#map = affine_map<(d0, d1) -> (0, 0)>
#map1 = affine_map<(d0, d1) -> (0, 0, 0)>
module attributes {stable_mosaic.version = 14 : i64} {
  func.func @_agg_body(%arg0: i32, %arg1: i32, %arg2: memref<10240x16xf32, #tpu.memory_space<hbm>>, %arg3: memref<32x80x128xi32, #tpu.memory_space<hbm>>, %arg4: memref<32x80x128xi32, #tpu.memory_space<hbm>>, %arg5: memref<20480x16xf32, #tpu.memory_space<hbm>>, %arg6: memref<80x128xi32, #tpu.memory_space<vmem>>, %arg7: memref<80x128xi32, #tpu.memory_space<vmem>>, %arg8: memref<128x16xf32, #tpu.memory_space<vmem>>, %arg9: memref<128x16xf32, #tpu.memory_space<vmem>>, %arg10: memref<10240x16xf32, #tpu.memory_space<vmem_shared>>, %arg11: memref<!tpu.dma_semaphore, #tpu.memory_space<semaphore_mem>>, %arg12: memref<!tpu.dma_semaphore, #tpu.memory_space<semaphore_mem>>) attributes {dimension_semantics = [#tpu.dimension_semantics<core_parallel>, #tpu.dimension_semantics<subcore_parallel>], iteration_bounds = array<i64: 2, 16>, scalar_prefetch = 0 : i64, scratch_operands = 7 : i64, tpu.core_type = #tpu.core_type<sc_vector_subcore>, window_params = [{transform_indices = #map}, {transform_indices = #map1}, {transform_indices = #map1}, {transform_indices = #map}]} {
    %mul3A = arith.constant 16 : i32
    %mul3A_0 = arith.muli %arg0, %mul3A : i32
    %add3A = arith.addi %mul3A_0, %arg1 : i32
    "tpu.region"() ({
      %run_scoped3A = tpu.sem_alloc : memref<!tpu.dma_semaphore, #tpu.memory_space<semaphore_mem>>
      %dma_start3A_34 = arith.constant 0 : i32
      %dma_start3A_35 = arith.constant 0 : i32
      %dma_start3A_36 = tpu.memref_slice %arg3[%add3A, %dma_start3A_34, %dma_start3A_35] : memref<32x80x128xi32, #tpu.memory_space<hbm>> -> memref<1x80x128xi32, #tpu.memory_space<hbm>>
      %dma_start3A_37 = tpu.memref_squeeze %dma_start3A_36 : memref<1x80x128xi32, #tpu.memory_space<hbm>> -> memref<80x128xi32, #tpu.memory_space<hbm>>
      %dma_start3A_38 = arith.constant 0 : i32
      %dma_start3A_39 = arith.constant 0 : i32
      %dma_start3A_40 = tpu.memref_slice %arg3[%add3A, %dma_start3A_38, %dma_start3A_39] : memref<32x80x128xi32, #tpu.memory_space<hbm>> -> memref<1x80x128xi32, #tpu.memory_space<hbm>>
      %dma_start3A_41 = tpu.memref_squeeze %dma_start3A_40 : memref<1x80x128xi32, #tpu.memory_space<hbm>> -> memref<80x128xi32, #tpu.memory_space<hbm>>
      tpu.enqueue_dma source(%dma_start3A_41 : memref<80x128xi32, #tpu.memory_space<hbm>>) target(%arg6 : memref<80x128xi32, #tpu.memory_space<vmem>>) target_semaphore(%run_scoped3A : memref<!tpu.dma_semaphore, #tpu.memory_space<semaphore_mem>>)
      %dma_wait3A = arith.constant 0 : i32
      %dma_wait3A_42 = arith.constant 0 : i32
      %dma_wait3A_43 = tpu.memref_slice %arg3[%add3A, %dma_wait3A, %dma_wait3A_42] : memref<32x80x128xi32, #tpu.memory_space<hbm>> -> memref<1x80x128xi32, #tpu.memory_space<hbm>>
      %dma_wait3A_44 = tpu.memref_squeeze %dma_wait3A_43 : memref<1x80x128xi32, #tpu.memory_space<hbm>> -> memref<80x128xi32, #tpu.memory_space<hbm>>
      %dma_wait3A_45 = arith.constant 0 : i32
      %dma_wait3A_46 = arith.constant 0 : i32
      %dma_wait3A_47 = tpu.memref_slice %arg3[%add3A, %dma_wait3A_45, %dma_wait3A_46] : memref<32x80x128xi32, #tpu.memory_space<hbm>> -> memref<1x80x128xi32, #tpu.memory_space<hbm>>
      %dma_wait3A_48 = tpu.memref_squeeze %dma_wait3A_47 : memref<1x80x128xi32, #tpu.memory_space<hbm>> -> memref<80x128xi32, #tpu.memory_space<hbm>>
      tpu.wait_dma2 semaphore(%run_scoped3A : memref<!tpu.dma_semaphore, #tpu.memory_space<semaphore_mem>>) src(%dma_wait3A_48 : memref<80x128xi32, #tpu.memory_space<hbm>>) dst(%arg6 : memref<80x128xi32, #tpu.memory_space<vmem>>)
      tpu.yield
    }) : () -> ()
    "tpu.region"() ({
      %run_scoped3A = tpu.sem_alloc : memref<!tpu.dma_semaphore, #tpu.memory_space<semaphore_mem>>
      %dma_start3A_34 = arith.constant 0 : i32
      %dma_start3A_35 = arith.constant 0 : i32
      %dma_start3A_36 = tpu.memref_slice %arg4[%add3A, %dma_start3A_34, %dma_start3A_35] : memref<32x80x128xi32, #tpu.memory_space<hbm>> -> memref<1x80x128xi32, #tpu.memory_space<hbm>>
      %dma_start3A_37 = tpu.memref_squeeze %dma_start3A_36 : memref<1x80x128xi32, #tpu.memory_space<hbm>> -> memref<80x128xi32, #tpu.memory_space<hbm>>
      %dma_start3A_38 = arith.constant 0 : i32
      %dma_start3A_39 = arith.constant 0 : i32
      %dma_start3A_40 = tpu.memref_slice %arg4[%add3A, %dma_start3A_38, %dma_start3A_39] : memref<32x80x128xi32, #tpu.memory_space<hbm>> -> memref<1x80x128xi32, #tpu.memory_space<hbm>>
      %dma_start3A_41 = tpu.memref_squeeze %dma_start3A_40 : memref<1x80x128xi32, #tpu.memory_space<hbm>> -> memref<80x128xi32, #tpu.memory_space<hbm>>
      tpu.enqueue_dma source(%dma_start3A_41 : memref<80x128xi32, #tpu.memory_space<hbm>>) target(%arg7 : memref<80x128xi32, #tpu.memory_space<vmem>>) target_semaphore(%run_scoped3A : memref<!tpu.dma_semaphore, #tpu.memory_space<semaphore_mem>>)
      %dma_wait3A = arith.constant 0 : i32
      %dma_wait3A_42 = arith.constant 0 : i32
      %dma_wait3A_43 = tpu.memref_slice %arg4[%add3A, %dma_wait3A, %dma_wait3A_42] : memref<32x80x128xi32, #tpu.memory_space<hbm>> -> memref<1x80x128xi32, #tpu.memory_space<hbm>>
      %dma_wait3A_44 = tpu.memref_squeeze %dma_wait3A_43 : memref<1x80x128xi32, #tpu.memory_space<hbm>> -> memref<80x128xi32, #tpu.memory_space<hbm>>
      %dma_wait3A_45 = arith.constant 0 : i32
      %dma_wait3A_46 = arith.constant 0 : i32
      %dma_wait3A_47 = tpu.memref_slice %arg4[%add3A, %dma_wait3A_45, %dma_wait3A_46] : memref<32x80x128xi32, #tpu.memory_space<hbm>> -> memref<1x80x128xi32, #tpu.memory_space<hbm>>
      %dma_wait3A_48 = tpu.memref_squeeze %dma_wait3A_47 : memref<1x80x128xi32, #tpu.memory_space<hbm>> -> memref<80x128xi32, #tpu.memory_space<hbm>>
      tpu.wait_dma2 semaphore(%run_scoped3A : memref<!tpu.dma_semaphore, #tpu.memory_space<semaphore_mem>>) src(%dma_wait3A_48 : memref<80x128xi32, #tpu.memory_space<hbm>>) dst(%arg7 : memref<80x128xi32, #tpu.memory_space<vmem>>)
      tpu.yield
    }) : () -> ()
    %scan3A = arith.constant 0 : i32
    %scan3A_1 = arith.constant 0 : i32
    %scan3A_2 = arith.constant 128 : i32
    %scan3A_3 = arith.addi %scan3A_1, %scan3A_2 : i32
    %scan3A_4 = arith.constant 1 : i32
    scf.for %scan3A_34 = %scan3A_1 to %scan3A_3 step %scan3A_4  : i32 {
      %scan3A_35 = arith.constant 0 : i32
      %broadcast_in_dim3A = arith.constant 0.000000e+00 : f32
      %broadcast_in_dim3A_36 = vector.broadcast %broadcast_in_dim3A : f32 to vector<16xf32>
      %mul3A_37 = arith.constant 16 : i32
      %mul3A_38 = arith.muli %scan3A_35, %mul3A_37 : i32
      %swap3A = arith.index_cast %scan3A_34 : i32 to index
      %swap3A_39 = arith.index_cast %mul3A_38 : i32 to index
      %swap3A_40 = tpu.vector_load %arg8[%swap3A, %swap3A_39] {strides = array<i32>} : memref<128x16xf32, #tpu.memory_space<vmem>>, vector<1x16xf32>,
      %swap3A_41 = vector.shape_cast %swap3A_40 : vector<1x16xf32> to vector<16xf32>
      %swap3A_42 = vector.shape_cast %broadcast_in_dim3A_36 : vector<16xf32> to vector<1x16xf32>
      tpu.vector_store %arg8[%swap3A, %swap3A_39], %swap3A_42 {strides = array<i32>} : memref<128x16xf32, #tpu.memory_space<vmem>>, vector<1x16xf32>,
      %scan3A_43 = arith.constant 1 : i32
    }
    %scan3A_5 = arith.constant 128 : i32
    %mul3A_6 = arith.constant 640 : i32
    %mul3A_7 = arith.muli %arg1, %mul3A_6 : i32
    %add3A_8 = arith.constant 0 : i32
    %add3A_9 = arith.addi %mul3A_7, %add3A_8 : i32
    "tpu.region"() ({
      %run_scoped3A = tpu.sem_alloc : memref<!tpu.dma_semaphore, #tpu.memory_space<semaphore_mem>>
      %dma_start3A_34 = arith.constant 0 : i32
      %dma_start3A_35 = tpu.memref_slice %arg10[%add3A_9, %dma_start3A_34] : memref<10240x16xf32, #tpu.memory_space<vmem_shared>> -> memref<128x16xf32, #tpu.memory_space<vmem_shared>>
      %dma_start3A_36 = arith.constant 0 : i32
      %dma_start3A_37 = tpu.memref_slice %arg10[%add3A_9, %dma_start3A_36] : memref<10240x16xf32, #tpu.memory_space<vmem_shared>> -> memref<128x16xf32, #tpu.memory_space<vmem_shared>>
      tpu.enqueue_dma source(%arg8 : memref<128x16xf32, #tpu.memory_space<vmem>>) target(%dma_start3A_37 : memref<128x16xf32, #tpu.memory_space<vmem_shared>>) target_semaphore(%run_scoped3A : memref<!tpu.dma_semaphore, #tpu.memory_space<semaphore_mem>>)
      %dma_wait3A = arith.constant 0 : i32
      %dma_wait3A_38 = tpu.memref_slice %arg10[%add3A_9, %dma_wait3A] : memref<10240x16xf32, #tpu.memory_space<vmem_shared>> -> memref<128x16xf32, #tpu.memory_space<vmem_shared>>
      %dma_wait3A_39 = arith.constant 0 : i32
      %dma_wait3A_40 = tpu.memref_slice %arg10[%add3A_9, %dma_wait3A_39] : memref<10240x16xf32, #tpu.memory_space<vmem_shared>> -> memref<128x16xf32, #tpu.memory_space<vmem_shared>>
      tpu.wait_dma2 semaphore(%run_scoped3A : memref<!tpu.dma_semaphore, #tpu.memory_space<semaphore_mem>>) src(%arg8 : memref<128x16xf32, #tpu.memory_space<vmem>>) dst(%dma_wait3A_40 : memref<128x16xf32, #tpu.memory_space<vmem_shared>>)
      tpu.yield
    }) : () -> ()
    %add3A_10 = arith.constant 128 : i32
    %add3A_11 = arith.addi %mul3A_7, %add3A_10 : i32
    "tpu.region"() ({
      %run_scoped3A = tpu.sem_alloc : memref<!tpu.dma_semaphore, #tpu.memory_space<semaphore_mem>>
      %dma_start3A_34 = arith.constant 0 : i32
      %dma_start3A_35 = tpu.memref_slice %arg10[%add3A_11, %dma_start3A_34] : memref<10240x16xf32, #tpu.memory_space<vmem_shared>> -> memref<128x16xf32, #tpu.memory_space<vmem_shared>>
      %dma_start3A_36 = arith.constant 0 : i32
      %dma_start3A_37 = tpu.memref_slice %arg10[%add3A_11, %dma_start3A_36] : memref<10240x16xf32, #tpu.memory_space<vmem_shared>> -> memref<128x16xf32, #tpu.memory_space<vmem_shared>>
      tpu.enqueue_dma source(%arg8 : memref<128x16xf32, #tpu.memory_space<vmem>>) target(%dma_start3A_37 : memref<128x16xf32, #tpu.memory_space<vmem_shared>>) target_semaphore(%run_scoped3A : memref<!tpu.dma_semaphore, #tpu.memory_space<semaphore_mem>>)
      %dma_wait3A = arith.constant 0 : i32
      %dma_wait3A_38 = tpu.memref_slice %arg10[%add3A_11, %dma_wait3A] : memref<10240x16xf32, #tpu.memory_space<vmem_shared>> -> memref<128x16xf32, #tpu.memory_space<vmem_shared>>
      %dma_wait3A_39 = arith.constant 0 : i32
      %dma_wait3A_40 = tpu.memref_slice %arg10[%add3A_11, %dma_wait3A_39] : memref<10240x16xf32, #tpu.memory_space<vmem_shared>> -> memref<128x16xf32, #tpu.memory_space<vmem_shared>>
      tpu.wait_dma2 semaphore(%run_scoped3A : memref<!tpu.dma_semaphore, #tpu.memory_space<semaphore_mem>>) src(%arg8 : memref<128x16xf32, #tpu.memory_space<vmem>>) dst(%dma_wait3A_40 : memref<128x16xf32, #tpu.memory_space<vmem_shared>>)
      tpu.yield
    }) : () -> ()
    %add3A_12 = arith.constant 256 : i32
    %add3A_13 = arith.addi %mul3A_7, %add3A_12 : i32
    "tpu.region"() ({
      %run_scoped3A = tpu.sem_alloc : memref<!tpu.dma_semaphore, #tpu.memory_space<semaphore_mem>>
      %dma_start3A_34 = arith.constant 0 : i32
      %dma_start3A_35 = tpu.memref_slice %arg10[%add3A_13, %dma_start3A_34] : memref<10240x16xf32, #tpu.memory_space<vmem_shared>> -> memref<128x16xf32, #tpu.memory_space<vmem_shared>>
      %dma_start3A_36 = arith.constant 0 : i32
      %dma_start3A_37 = tpu.memref_slice %arg10[%add3A_13, %dma_start3A_36] : memref<10240x16xf32, #tpu.memory_space<vmem_shared>> -> memref<128x16xf32, #tpu.memory_space<vmem_shared>>
      tpu.enqueue_dma source(%arg8 : memref<128x16xf32, #tpu.memory_space<vmem>>) target(%dma_start3A_37 : memref<128x16xf32, #tpu.memory_space<vmem_shared>>) target_semaphore(%run_scoped3A : memref<!tpu.dma_semaphore, #tpu.memory_space<semaphore_mem>>)
      %dma_wait3A = arith.constant 0 : i32
      %dma_wait3A_38 = tpu.memref_slice %arg10[%add3A_13, %dma_wait3A] : memref<10240x16xf32, #tpu.memory_space<vmem_shared>> -> memref<128x16xf32, #tpu.memory_space<vmem_shared>>
      %dma_wait3A_39 = arith.constant 0 : i32
      %dma_wait3A_40 = tpu.memref_slice %arg10[%add3A_13, %dma_wait3A_39] : memref<10240x16xf32, #tpu.memory_space<vmem_shared>> -> memref<128x16xf32, #tpu.memory_space<vmem_shared>>
      tpu.wait_dma2 semaphore(%run_scoped3A : memref<!tpu.dma_semaphore, #tpu.memory_space<semaphore_mem>>) src(%arg8 : memref<128x16xf32, #tpu.memory_space<vmem>>) dst(%dma_wait3A_40 : memref<128x16xf32, #tpu.memory_space<vmem_shared>>)
      tpu.yield
    }) : () -> ()
    %add3A_14 = arith.constant 384 : i32
    %add3A_15 = arith.addi %mul3A_7, %add3A_14 : i32
    "tpu.region"() ({
      %run_scoped3A = tpu.sem_alloc : memref<!tpu.dma_semaphore, #tpu.memory_space<semaphore_mem>>
      %dma_start3A_34 = arith.constant 0 : i32
      %dma_start3A_35 = tpu.memref_slice %arg10[%add3A_15, %dma_start3A_34] : memref<10240x16xf32, #tpu.memory_space<vmem_shared>> -> memref<128x16xf32, #tpu.memory_space<vmem_shared>>
      %dma_start3A_36 = arith.constant 0 : i32
      %dma_start3A_37 = tpu.memref_slice %arg10[%add3A_15, %dma_start3A_36] : memref<10240x16xf32, #tpu.memory_space<vmem_shared>> -> memref<128x16xf32, #tpu.memory_space<vmem_shared>>
      tpu.enqueue_dma source(%arg8 : memref<128x16xf32, #tpu.memory_space<vmem>>) target(%dma_start3A_37 : memref<128x16xf32, #tpu.memory_space<vmem_shared>>) target_semaphore(%run_scoped3A : memref<!tpu.dma_semaphore, #tpu.memory_space<semaphore_mem>>)
      %dma_wait3A = arith.constant 0 : i32
      %dma_wait3A_38 = tpu.memref_slice %arg10[%add3A_15, %dma_wait3A] : memref<10240x16xf32, #tpu.memory_space<vmem_shared>> -> memref<128x16xf32, #tpu.memory_space<vmem_shared>>
      %dma_wait3A_39 = arith.constant 0 : i32
      %dma_wait3A_40 = tpu.memref_slice %arg10[%add3A_15, %dma_wait3A_39] : memref<10240x16xf32, #tpu.memory_space<vmem_shared>> -> memref<128x16xf32, #tpu.memory_space<vmem_shared>>
      tpu.wait_dma2 semaphore(%run_scoped3A : memref<!tpu.dma_semaphore, #tpu.memory_space<semaphore_mem>>) src(%arg8 : memref<128x16xf32, #tpu.memory_space<vmem>>) dst(%dma_wait3A_40 : memref<128x16xf32, #tpu.memory_space<vmem_shared>>)
      tpu.yield
    }) : () -> ()
    %add3A_16 = arith.constant 512 : i32
    %add3A_17 = arith.addi %mul3A_7, %add3A_16 : i32
    "tpu.region"() ({
      %run_scoped3A = tpu.sem_alloc : memref<!tpu.dma_semaphore, #tpu.memory_space<semaphore_mem>>
      %dma_start3A_34 = arith.constant 0 : i32
      %dma_start3A_35 = tpu.memref_slice %arg10[%add3A_17, %dma_start3A_34] : memref<10240x16xf32, #tpu.memory_space<vmem_shared>> -> memref<128x16xf32, #tpu.memory_space<vmem_shared>>
      %dma_start3A_36 = arith.constant 0 : i32
      %dma_start3A_37 = tpu.memref_slice %arg10[%add3A_17, %dma_start3A_36] : memref<10240x16xf32, #tpu.memory_space<vmem_shared>> -> memref<128x16xf32, #tpu.memory_space<vmem_shared>>
      tpu.enqueue_dma source(%arg8 : memref<128x16xf32, #tpu.memory_space<vmem>>) target(%dma_start3A_37 : memref<128x16xf32, #tpu.memory_space<vmem_shared>>) target_semaphore(%run_scoped3A : memref<!tpu.dma_semaphore, #tpu.memory_space<semaphore_mem>>)
      %dma_wait3A = arith.constant 0 : i32
      %dma_wait3A_38 = tpu.memref_slice %arg10[%add3A_17, %dma_wait3A] : memref<10240x16xf32, #tpu.memory_space<vmem_shared>> -> memref<128x16xf32, #tpu.memory_space<vmem_shared>>
      %dma_wait3A_39 = arith.constant 0 : i32
      %dma_wait3A_40 = tpu.memref_slice %arg10[%add3A_17, %dma_wait3A_39] : memref<10240x16xf32, #tpu.memory_space<vmem_shared>> -> memref<128x16xf32, #tpu.memory_space<vmem_shared>>
      tpu.wait_dma2 semaphore(%run_scoped3A : memref<!tpu.dma_semaphore, #tpu.memory_space<semaphore_mem>>) src(%arg8 : memref<128x16xf32, #tpu.memory_space<vmem>>) dst(%dma_wait3A_40 : memref<128x16xf32, #tpu.memory_space<vmem_shared>>)
      tpu.yield
    }) : () -> ()
    %barrier3A = arith.constant 0 : index
    tpu.barrier barrier_id(%barrier3A)
    %dma_start3A = arith.constant 0 : i32
    %dma_start3A_18 = arith.constant 0 : i32
    %dma_start3A_19 = tpu.memref_slice %arg6[%dma_start3A, %dma_start3A_18] : memref<80x128xi32, #tpu.memory_space<vmem>> -> memref<1x128xi32, #tpu.memory_space<vmem>>
    %dma_start3A_20 = tpu.memref_squeeze %dma_start3A_19 : memref<1x128xi32, #tpu.memory_space<vmem>> -> memref<128xi32, #tpu.memory_space<vmem>>
    %dma_start3A_21 = arith.constant 0 : i32
    %dma_start3A_22 = arith.constant 0 : i32
    %dma_start3A_23 = tpu.memref_slice %arg2[%dma_start3A_21, %dma_start3A_22] : memref<10240x16xf32, #tpu.memory_space<hbm>> -> memref<10240x16xf32, #tpu.memory_space<hbm>>
    tpu.enqueue_indirect_dma source(%dma_start3A_23 : memref<10240x16xf32, #tpu.memory_space<hbm>>) target(%arg8 : memref<128x16xf32, #tpu.memory_space<vmem>>) offsets(%dma_start3A_20 : memref<128xi32, #tpu.memory_space<vmem>>) semaphore(%arg11 : memref<!tpu.dma_semaphore, #tpu.memory_space<semaphore_mem>>)
    %scan3A_24 = arith.constant 0 : i32
    %scan3A_25 = arith.constant 0 : i32
    %scan3A_26 = arith.constant 40 : i32
    %scan3A_27 = arith.addi %scan3A_25, %scan3A_26 : i32
    %scan3A_28 = arith.constant 1 : i32
    scf.for %scan3A_34 = %scan3A_25 to %scan3A_27 step %scan3A_28  : i32 {
      %mul3A_35 = arith.constant 2 : i32
      %mul3A_36 = arith.muli %mul3A_35, %scan3A_34 : i32
      %add3A_37 = arith.constant 1 : i32
      %add3A_38 = arith.addi %mul3A_36, %add3A_37 : i32
      %dma_start3A_39 = arith.constant 0 : i32
      %dma_start3A_40 = tpu.memref_slice %arg6[%add3A_38, %dma_start3A_39] : memref<80x128xi32, #tpu.memory_space<vmem>> -> memref<1x128xi32, #tpu.memory_space<vmem>>
      %dma_start3A_41 = tpu.memref_squeeze %dma_start3A_40 : memref<1x128xi32, #tpu.memory_space<vmem>> -> memref<128xi32, #tpu.memory_space<vmem>>
      %dma_start3A_42 = arith.constant 0 : i32
      %dma_start3A_43 = arith.constant 0 : i32
      %dma_start3A_44 = tpu.memref_slice %arg2[%dma_start3A_42, %dma_start3A_43] : memref<10240x16xf32, #tpu.memory_space<hbm>> -> memref<10240x16xf32, #tpu.memory_space<hbm>>
      tpu.enqueue_indirect_dma source(%dma_start3A_44 : memref<10240x16xf32, #tpu.memory_space<hbm>>) target(%arg9 : memref<128x16xf32, #tpu.memory_space<vmem>>) offsets(%dma_start3A_41 : memref<128xi32, #tpu.memory_space<vmem>>) semaphore(%arg12 : memref<!tpu.dma_semaphore, #tpu.memory_space<semaphore_mem>>)
      %dma_wait3A = arith.constant 0 : i32
      %dma_wait3A_45 = tpu.memref_slice %arg6[%mul3A_36, %dma_wait3A] : memref<80x128xi32, #tpu.memory_space<vmem>> -> memref<1x128xi32, #tpu.memory_space<vmem>>
      %dma_wait3A_46 = tpu.memref_squeeze %dma_wait3A_45 : memref<1x128xi32, #tpu.memory_space<vmem>> -> memref<128xi32, #tpu.memory_space<vmem>>
      %dma_wait3A_47 = arith.constant 0 : i32
      %dma_wait3A_48 = arith.constant 0 : i32
      %dma_wait3A_49 = tpu.memref_slice %arg2[%dma_wait3A_47, %dma_wait3A_48] : memref<10240x16xf32, #tpu.memory_space<hbm>> -> memref<10240x16xf32, #tpu.memory_space<hbm>>
      tpu.wait_indirect_dma semaphore(%arg11 : memref<!tpu.dma_semaphore, #tpu.memory_space<semaphore_mem>>) src(%dma_wait3A_49 : memref<10240x16xf32, #tpu.memory_space<hbm>>) dst(%arg8 : memref<128x16xf32, #tpu.memory_space<vmem>>)
      "tpu.region"() ({
        %run_scoped3A = tpu.sem_alloc : memref<!tpu.dma_semaphore, #tpu.memory_space<semaphore_mem>>
        %dma_start3A_62 = arith.constant 0 : i32
        %dma_start3A_63 = tpu.memref_slice %arg7[%mul3A_36, %dma_start3A_62] : memref<80x128xi32, #tpu.memory_space<vmem>> -> memref<1x128xi32, #tpu.memory_space<vmem>>
        %dma_start3A_64 = tpu.memref_squeeze %dma_start3A_63 : memref<1x128xi32, #tpu.memory_space<vmem>> -> memref<128xi32, #tpu.memory_space<vmem>>
        %dma_start3A_65 = arith.constant 0 : i32
        %dma_start3A_66 = arith.constant 0 : i32
        %dma_start3A_67 = tpu.memref_slice %arg10[%dma_start3A_65, %dma_start3A_66] : memref<10240x16xf32, #tpu.memory_space<vmem_shared>> -> memref<10240x16xf32, #tpu.memory_space<vmem_shared>>
        tpu.enqueue_indirect_dma source(%arg8 : memref<128x16xf32, #tpu.memory_space<vmem>>) target(%dma_start3A_67 : memref<10240x16xf32, #tpu.memory_space<vmem_shared>>) offsets(%dma_start3A_64 : memref<128xi32, #tpu.memory_space<vmem>>) semaphore(%run_scoped3A : memref<!tpu.dma_semaphore, #tpu.memory_space<semaphore_mem>>) {add = true}
        %dma_wait3A_68 = arith.constant 0 : i32
        %dma_wait3A_69 = tpu.memref_slice %arg7[%mul3A_36, %dma_wait3A_68] : memref<80x128xi32, #tpu.memory_space<vmem>> -> memref<1x128xi32, #tpu.memory_space<vmem>>
        %dma_wait3A_70 = tpu.memref_squeeze %dma_wait3A_69 : memref<1x128xi32, #tpu.memory_space<vmem>> -> memref<128xi32, #tpu.memory_space<vmem>>
        %dma_wait3A_71 = arith.constant 0 : i32
        %dma_wait3A_72 = arith.constant 0 : i32
        %dma_wait3A_73 = tpu.memref_slice %arg10[%dma_wait3A_71, %dma_wait3A_72] : memref<10240x16xf32, #tpu.memory_space<vmem_shared>> -> memref<10240x16xf32, #tpu.memory_space<vmem_shared>>
        tpu.wait_indirect_dma semaphore(%run_scoped3A : memref<!tpu.dma_semaphore, #tpu.memory_space<semaphore_mem>>) src(%arg8 : memref<128x16xf32, #tpu.memory_space<vmem>>) dst(%dma_wait3A_73 : memref<10240x16xf32, #tpu.memory_space<vmem_shared>>)
        tpu.yield
      }) : () -> ()
      %lt3A = arith.constant 39 : i32
      %lt3A_50 = arith.cmpi slt, %scan3A_34, %lt3A : i32
      %convert_element_type3A = arith.extui %lt3A_50 : i1 to i32
      %cond3A = arith.constant 0 : i32
      %cond3A_51 = arith.cmpi ne, %convert_element_type3A, %cond3A : i32
      scf.if %cond3A_51 {
        %add3A_62 = arith.constant 2 : i32
        %add3A_63 = arith.addi %mul3A_36, %add3A_62 : i32
        %dma_start3A_64 = arith.constant 0 : i32
        %dma_start3A_65 = tpu.memref_slice %arg6[%add3A_63, %dma_start3A_64] : memref<80x128xi32, #tpu.memory_space<vmem>> -> memref<1x128xi32, #tpu.memory_space<vmem>>
        %dma_start3A_66 = tpu.memref_squeeze %dma_start3A_65 : memref<1x128xi32, #tpu.memory_space<vmem>> -> memref<128xi32, #tpu.memory_space<vmem>>
        %dma_start3A_67 = arith.constant 0 : i32
        %dma_start3A_68 = arith.constant 0 : i32
        %dma_start3A_69 = tpu.memref_slice %arg2[%dma_start3A_67, %dma_start3A_68] : memref<10240x16xf32, #tpu.memory_space<hbm>> -> memref<10240x16xf32, #tpu.memory_space<hbm>>
        tpu.enqueue_indirect_dma source(%dma_start3A_69 : memref<10240x16xf32, #tpu.memory_space<hbm>>) target(%arg8 : memref<128x16xf32, #tpu.memory_space<vmem>>) offsets(%dma_start3A_66 : memref<128xi32, #tpu.memory_space<vmem>>) semaphore(%arg11 : memref<!tpu.dma_semaphore, #tpu.memory_space<semaphore_mem>>)
      } else {
      }
      %add3A_52 = arith.constant 1 : i32
      %add3A_53 = arith.addi %mul3A_36, %add3A_52 : i32
      %dma_wait3A_54 = arith.constant 0 : i32
      %dma_wait3A_55 = tpu.memref_slice %arg6[%add3A_53, %dma_wait3A_54] : memref<80x128xi32, #tpu.memory_space<vmem>> -> memref<1x128xi32, #tpu.memory_space<vmem>>
      %dma_wait3A_56 = tpu.memref_squeeze %dma_wait3A_55 : memref<1x128xi32, #tpu.memory_space<vmem>> -> memref<128xi32, #tpu.memory_space<vmem>>
      %dma_wait3A_57 = arith.constant 0 : i32
      %dma_wait3A_58 = arith.constant 0 : i32
      %dma_wait3A_59 = tpu.memref_slice %arg2[%dma_wait3A_57, %dma_wait3A_58] : memref<10240x16xf32, #tpu.memory_space<hbm>> -> memref<10240x16xf32, #tpu.memory_space<hbm>>
      tpu.wait_indirect_dma semaphore(%arg12 : memref<!tpu.dma_semaphore, #tpu.memory_space<semaphore_mem>>) src(%dma_wait3A_59 : memref<10240x16xf32, #tpu.memory_space<hbm>>) dst(%arg9 : memref<128x16xf32, #tpu.memory_space<vmem>>)
      %add3A_60 = arith.constant 1 : i32
      %add3A_61 = arith.addi %mul3A_36, %add3A_60 : i32
      "tpu.region"() ({
        %run_scoped3A = tpu.sem_alloc : memref<!tpu.dma_semaphore, #tpu.memory_space<semaphore_mem>>
        %dma_start3A_62 = arith.constant 0 : i32
        %dma_start3A_63 = tpu.memref_slice %arg7[%add3A_61, %dma_start3A_62] : memref<80x128xi32, #tpu.memory_space<vmem>> -> memref<1x128xi32, #tpu.memory_space<vmem>>
        %dma_start3A_64 = tpu.memref_squeeze %dma_start3A_63 : memref<1x128xi32, #tpu.memory_space<vmem>> -> memref<128xi32, #tpu.memory_space<vmem>>
        %dma_start3A_65 = arith.constant 0 : i32
        %dma_start3A_66 = arith.constant 0 : i32
        %dma_start3A_67 = tpu.memref_slice %arg10[%dma_start3A_65, %dma_start3A_66] : memref<10240x16xf32, #tpu.memory_space<vmem_shared>> -> memref<10240x16xf32, #tpu.memory_space<vmem_shared>>
        tpu.enqueue_indirect_dma source(%arg9 : memref<128x16xf32, #tpu.memory_space<vmem>>) target(%dma_start3A_67 : memref<10240x16xf32, #tpu.memory_space<vmem_shared>>) offsets(%dma_start3A_64 : memref<128xi32, #tpu.memory_space<vmem>>) semaphore(%run_scoped3A : memref<!tpu.dma_semaphore, #tpu.memory_space<semaphore_mem>>) {add = true}
        %dma_wait3A_68 = arith.constant 0 : i32
        %dma_wait3A_69 = tpu.memref_slice %arg7[%add3A_61, %dma_wait3A_68] : memref<80x128xi32, #tpu.memory_space<vmem>> -> memref<1x128xi32, #tpu.memory_space<vmem>>
        %dma_wait3A_70 = tpu.memref_squeeze %dma_wait3A_69 : memref<1x128xi32, #tpu.memory_space<vmem>> -> memref<128xi32, #tpu.memory_space<vmem>>
        %dma_wait3A_71 = arith.constant 0 : i32
        %dma_wait3A_72 = arith.constant 0 : i32
        %dma_wait3A_73 = tpu.memref_slice %arg10[%dma_wait3A_71, %dma_wait3A_72] : memref<10240x16xf32, #tpu.memory_space<vmem_shared>> -> memref<10240x16xf32, #tpu.memory_space<vmem_shared>>
        tpu.wait_indirect_dma semaphore(%run_scoped3A : memref<!tpu.dma_semaphore, #tpu.memory_space<semaphore_mem>>) src(%arg9 : memref<128x16xf32, #tpu.memory_space<vmem>>) dst(%dma_wait3A_73 : memref<10240x16xf32, #tpu.memory_space<vmem_shared>>)
        tpu.yield
      }) : () -> ()
    }
    %scan3A_29 = arith.constant 40 : i32
    %barrier3A_30 = arith.constant 0 : index
    tpu.barrier barrier_id(%barrier3A_30)
    %mul3A_31 = arith.constant 10240 : i32
    %mul3A_32 = arith.muli %arg0, %mul3A_31 : i32
    %add3A_33 = arith.addi %mul3A_32, %mul3A_7 : i32
    "tpu.region"() ({
      %run_scoped3A = tpu.sem_alloc : memref<!tpu.dma_semaphore, #tpu.memory_space<semaphore_mem>>
      %dma_start3A_34 = arith.constant 0 : i32
      %dma_start3A_35 = tpu.memref_slice %arg5[%add3A_33, %dma_start3A_34] : memref<20480x16xf32, #tpu.memory_space<hbm>> -> memref<640x16xf32, #tpu.memory_space<hbm>>
      %dma_start3A_36 = arith.constant 0 : i32
      %dma_start3A_37 = tpu.memref_slice %arg10[%mul3A_7, %dma_start3A_36] : memref<10240x16xf32, #tpu.memory_space<vmem_shared>> -> memref<640x16xf32, #tpu.memory_space<vmem_shared>>
      tpu.enqueue_dma source(%dma_start3A_37 : memref<640x16xf32, #tpu.memory_space<vmem_shared>>) target(%dma_start3A_35 : memref<640x16xf32, #tpu.memory_space<hbm>>) target_semaphore(%run_scoped3A : memref<!tpu.dma_semaphore, #tpu.memory_space<semaphore_mem>>)
      %dma_wait3A = arith.constant 0 : i32
      %dma_wait3A_38 = tpu.memref_slice %arg5[%add3A_33, %dma_wait3A] : memref<20480x16xf32, #tpu.memory_space<hbm>> -> memref<640x16xf32, #tpu.memory_space<hbm>>
      %dma_wait3A_39 = arith.constant 0 : i32
      %dma_wait3A_40 = tpu.memref_slice %arg10[%mul3A_7, %dma_wait3A_39] : memref<10240x16xf32, #tpu.memory_space<vmem_shared>> -> memref<640x16xf32, #tpu.memory_space<vmem_shared>>
      tpu.wait_dma2 semaphore(%run_scoped3A : memref<!tpu.dma_semaphore, #tpu.memory_space<semaphore_mem>>) src(%dma_wait3A_40 : memref<640x16xf32, #tpu.memory_space<vmem_shared>>) dst(%dma_wait3A_38 : memref<640x16xf32, #tpu.memory_space<hbm>>)
      tpu.yield
    }) : () -> ()
    return
  }
}

#map = affine_map<(d0, d1) -> (0, 0)>
#map1 = affine_map<(d0, d1) -> (0, 0, 0)>
module attributes {stable_mosaic.version = 14 : i64} {
  func.func @_agg_body(%arg0: i32, %arg1: i32, %arg2: memref<20480x64xf32, #tpu.memory_space<hbm>>, %arg3: memref<32x210x96xi32, #tpu.memory_space<hbm>>, %arg4: memref<32x210x96xi32, #tpu.memory_space<hbm>>, %arg5: memref<20480x64xf32, #tpu.memory_space<hbm>>, %arg6: memref<210x96xi32, #tpu.memory_space<vmem>>, %arg7: memref<210x96xi32, #tpu.memory_space<vmem>>, %arg8: memref<96x64xf32, #tpu.memory_space<vmem>>, %arg9: memref<96x64xf32, #tpu.memory_space<vmem>>, %arg10: memref<10240x64xf32, #tpu.memory_space<vmem_shared>>, %arg11: memref<!tpu.dma_semaphore, #tpu.memory_space<semaphore_mem>>, %arg12: memref<!tpu.dma_semaphore, #tpu.memory_space<semaphore_mem>>) attributes {dimension_semantics = [#tpu.dimension_semantics<core_parallel>, #tpu.dimension_semantics<subcore_parallel>], iteration_bounds = array<i64: 2, 16>, scalar_prefetch = 0 : i64, scratch_operands = 7 : i64, tpu.core_type = #tpu.core_type<sc_vector_subcore>, window_params = [{transform_indices = #map}, {transform_indices = #map1}, {transform_indices = #map1}, {transform_indices = #map}]} {
    %mul3A = arith.constant 16 : i32
    %mul3A_0 = arith.muli %arg0, %mul3A : i32
    %add3A = arith.addi %mul3A_0, %arg1 : i32
    "tpu.region"() ({
      %run_scoped3A = tpu.sem_alloc : memref<!tpu.dma_semaphore, #tpu.memory_space<semaphore_mem>>
      %dma_start3A_38 = arith.constant 0 : i32
      %dma_start3A_39 = arith.constant 0 : i32
      %dma_start3A_40 = tpu.memref_slice %arg3[%add3A, %dma_start3A_38, %dma_start3A_39] : memref<32x210x96xi32, #tpu.memory_space<hbm>> -> memref<1x210x96xi32, #tpu.memory_space<hbm>>
      %dma_start3A_41 = tpu.memref_squeeze %dma_start3A_40 : memref<1x210x96xi32, #tpu.memory_space<hbm>> -> memref<210x96xi32, #tpu.memory_space<hbm>>
      %dma_start3A_42 = arith.constant 0 : i32
      %dma_start3A_43 = arith.constant 0 : i32
      %dma_start3A_44 = tpu.memref_slice %arg3[%add3A, %dma_start3A_42, %dma_start3A_43] : memref<32x210x96xi32, #tpu.memory_space<hbm>> -> memref<1x210x96xi32, #tpu.memory_space<hbm>>
      %dma_start3A_45 = tpu.memref_squeeze %dma_start3A_44 : memref<1x210x96xi32, #tpu.memory_space<hbm>> -> memref<210x96xi32, #tpu.memory_space<hbm>>
      tpu.enqueue_dma source(%dma_start3A_45 : memref<210x96xi32, #tpu.memory_space<hbm>>) target(%arg6 : memref<210x96xi32, #tpu.memory_space<vmem>>) target_semaphore(%run_scoped3A : memref<!tpu.dma_semaphore, #tpu.memory_space<semaphore_mem>>)
      %dma_wait3A = arith.constant 0 : i32
      %dma_wait3A_46 = arith.constant 0 : i32
      %dma_wait3A_47 = tpu.memref_slice %arg3[%add3A, %dma_wait3A, %dma_wait3A_46] : memref<32x210x96xi32, #tpu.memory_space<hbm>> -> memref<1x210x96xi32, #tpu.memory_space<hbm>>
      %dma_wait3A_48 = tpu.memref_squeeze %dma_wait3A_47 : memref<1x210x96xi32, #tpu.memory_space<hbm>> -> memref<210x96xi32, #tpu.memory_space<hbm>>
      %dma_wait3A_49 = arith.constant 0 : i32
      %dma_wait3A_50 = arith.constant 0 : i32
      %dma_wait3A_51 = tpu.memref_slice %arg3[%add3A, %dma_wait3A_49, %dma_wait3A_50] : memref<32x210x96xi32, #tpu.memory_space<hbm>> -> memref<1x210x96xi32, #tpu.memory_space<hbm>>
      %dma_wait3A_52 = tpu.memref_squeeze %dma_wait3A_51 : memref<1x210x96xi32, #tpu.memory_space<hbm>> -> memref<210x96xi32, #tpu.memory_space<hbm>>
      tpu.wait_dma2 semaphore(%run_scoped3A : memref<!tpu.dma_semaphore, #tpu.memory_space<semaphore_mem>>) src(%dma_wait3A_52 : memref<210x96xi32, #tpu.memory_space<hbm>>) dst(%arg6 : memref<210x96xi32, #tpu.memory_space<vmem>>)
      tpu.yield
    }) : () -> ()
    "tpu.region"() ({
      %run_scoped3A = tpu.sem_alloc : memref<!tpu.dma_semaphore, #tpu.memory_space<semaphore_mem>>
      %dma_start3A_38 = arith.constant 0 : i32
      %dma_start3A_39 = arith.constant 0 : i32
      %dma_start3A_40 = tpu.memref_slice %arg4[%add3A, %dma_start3A_38, %dma_start3A_39] : memref<32x210x96xi32, #tpu.memory_space<hbm>> -> memref<1x210x96xi32, #tpu.memory_space<hbm>>
      %dma_start3A_41 = tpu.memref_squeeze %dma_start3A_40 : memref<1x210x96xi32, #tpu.memory_space<hbm>> -> memref<210x96xi32, #tpu.memory_space<hbm>>
      %dma_start3A_42 = arith.constant 0 : i32
      %dma_start3A_43 = arith.constant 0 : i32
      %dma_start3A_44 = tpu.memref_slice %arg4[%add3A, %dma_start3A_42, %dma_start3A_43] : memref<32x210x96xi32, #tpu.memory_space<hbm>> -> memref<1x210x96xi32, #tpu.memory_space<hbm>>
      %dma_start3A_45 = tpu.memref_squeeze %dma_start3A_44 : memref<1x210x96xi32, #tpu.memory_space<hbm>> -> memref<210x96xi32, #tpu.memory_space<hbm>>
      tpu.enqueue_dma source(%dma_start3A_45 : memref<210x96xi32, #tpu.memory_space<hbm>>) target(%arg7 : memref<210x96xi32, #tpu.memory_space<vmem>>) target_semaphore(%run_scoped3A : memref<!tpu.dma_semaphore, #tpu.memory_space<semaphore_mem>>)
      %dma_wait3A = arith.constant 0 : i32
      %dma_wait3A_46 = arith.constant 0 : i32
      %dma_wait3A_47 = tpu.memref_slice %arg4[%add3A, %dma_wait3A, %dma_wait3A_46] : memref<32x210x96xi32, #tpu.memory_space<hbm>> -> memref<1x210x96xi32, #tpu.memory_space<hbm>>
      %dma_wait3A_48 = tpu.memref_squeeze %dma_wait3A_47 : memref<1x210x96xi32, #tpu.memory_space<hbm>> -> memref<210x96xi32, #tpu.memory_space<hbm>>
      %dma_wait3A_49 = arith.constant 0 : i32
      %dma_wait3A_50 = arith.constant 0 : i32
      %dma_wait3A_51 = tpu.memref_slice %arg4[%add3A, %dma_wait3A_49, %dma_wait3A_50] : memref<32x210x96xi32, #tpu.memory_space<hbm>> -> memref<1x210x96xi32, #tpu.memory_space<hbm>>
      %dma_wait3A_52 = tpu.memref_squeeze %dma_wait3A_51 : memref<1x210x96xi32, #tpu.memory_space<hbm>> -> memref<210x96xi32, #tpu.memory_space<hbm>>
      tpu.wait_dma2 semaphore(%run_scoped3A : memref<!tpu.dma_semaphore, #tpu.memory_space<semaphore_mem>>) src(%dma_wait3A_52 : memref<210x96xi32, #tpu.memory_space<hbm>>) dst(%arg7 : memref<210x96xi32, #tpu.memory_space<vmem>>)
      tpu.yield
    }) : () -> ()
    %scan3A = arith.constant 0 : i32
    %scan3A_1 = arith.constant 0 : i32
    %scan3A_2 = arith.constant 96 : i32
    %scan3A_3 = arith.addi %scan3A_1, %scan3A_2 : i32
    %scan3A_4 = arith.constant 1 : i32
    scf.for %scan3A_38 = %scan3A_1 to %scan3A_3 step %scan3A_4  : i32 {
      %scan3A_39 = arith.constant 0 : i32
      %scan3A_40 = arith.constant 4 : i32
      %scan3A_41 = arith.addi %scan3A_39, %scan3A_40 : i32
      %scan3A_42 = arith.constant 1 : i32
      scf.for %scan3A_44 = %scan3A_39 to %scan3A_41 step %scan3A_42  : i32 {
        %broadcast_in_dim3A = arith.constant 0.000000e+00 : f32
        %broadcast_in_dim3A_45 = vector.broadcast %broadcast_in_dim3A : f32 to vector<16xf32>
        %mul3A_46 = arith.constant 16 : i32
        %mul3A_47 = arith.muli %scan3A_44, %mul3A_46 : i32
        %swap3A = arith.index_cast %scan3A_38 : i32 to index
        %swap3A_48 = arith.index_cast %mul3A_47 : i32 to index
        %swap3A_49 = tpu.vector_load %arg8[%swap3A, %swap3A_48] {strides = array<i32>} : memref<96x64xf32, #tpu.memory_space<vmem>>, vector<1x16xf32>,
        %swap3A_50 = vector.shape_cast %swap3A_49 : vector<1x16xf32> to vector<16xf32>
        %swap3A_51 = vector.shape_cast %broadcast_in_dim3A_45 : vector<16xf32> to vector<1x16xf32>
        tpu.vector_store %arg8[%swap3A, %swap3A_48], %swap3A_51 {strides = array<i32>} : memref<96x64xf32, #tpu.memory_space<vmem>>, vector<1x16xf32>,
      }
      %scan3A_43 = arith.constant 4 : i32
    }
    %scan3A_5 = arith.constant 96 : i32
    %mul3A_6 = arith.constant 640 : i32
    %mul3A_7 = arith.muli %arg1, %mul3A_6 : i32
    %add3A_8 = arith.constant 0 : i32
    %add3A_9 = arith.addi %mul3A_7, %add3A_8 : i32
    "tpu.region"() ({
      %run_scoped3A = tpu.sem_alloc : memref<!tpu.dma_semaphore, #tpu.memory_space<semaphore_mem>>
      %dma_start3A_38 = arith.constant 0 : i32
      %dma_start3A_39 = tpu.memref_slice %arg10[%add3A_9, %dma_start3A_38] : memref<10240x64xf32, #tpu.memory_space<vmem_shared>> -> memref<96x64xf32, #tpu.memory_space<vmem_shared>>
      %dma_start3A_40 = arith.constant 0 : i32
      %dma_start3A_41 = tpu.memref_slice %arg10[%add3A_9, %dma_start3A_40] : memref<10240x64xf32, #tpu.memory_space<vmem_shared>> -> memref<96x64xf32, #tpu.memory_space<vmem_shared>>
      tpu.enqueue_dma source(%arg8 : memref<96x64xf32, #tpu.memory_space<vmem>>) target(%dma_start3A_41 : memref<96x64xf32, #tpu.memory_space<vmem_shared>>) target_semaphore(%run_scoped3A : memref<!tpu.dma_semaphore, #tpu.memory_space<semaphore_mem>>)
      %dma_wait3A = arith.constant 0 : i32
      %dma_wait3A_42 = tpu.memref_slice %arg10[%add3A_9, %dma_wait3A] : memref<10240x64xf32, #tpu.memory_space<vmem_shared>> -> memref<96x64xf32, #tpu.memory_space<vmem_shared>>
      %dma_wait3A_43 = arith.constant 0 : i32
      %dma_wait3A_44 = tpu.memref_slice %arg10[%add3A_9, %dma_wait3A_43] : memref<10240x64xf32, #tpu.memory_space<vmem_shared>> -> memref<96x64xf32, #tpu.memory_space<vmem_shared>>
      tpu.wait_dma2 semaphore(%run_scoped3A : memref<!tpu.dma_semaphore, #tpu.memory_space<semaphore_mem>>) src(%arg8 : memref<96x64xf32, #tpu.memory_space<vmem>>) dst(%dma_wait3A_44 : memref<96x64xf32, #tpu.memory_space<vmem_shared>>)
      tpu.yield
    }) : () -> ()
    %add3A_10 = arith.constant 96 : i32
    %add3A_11 = arith.addi %mul3A_7, %add3A_10 : i32
    "tpu.region"() ({
      %run_scoped3A = tpu.sem_alloc : memref<!tpu.dma_semaphore, #tpu.memory_space<semaphore_mem>>
      %dma_start3A_38 = arith.constant 0 : i32
      %dma_start3A_39 = tpu.memref_slice %arg10[%add3A_11, %dma_start3A_38] : memref<10240x64xf32, #tpu.memory_space<vmem_shared>> -> memref<96x64xf32, #tpu.memory_space<vmem_shared>>
      %dma_start3A_40 = arith.constant 0 : i32
      %dma_start3A_41 = tpu.memref_slice %arg10[%add3A_11, %dma_start3A_40] : memref<10240x64xf32, #tpu.memory_space<vmem_shared>> -> memref<96x64xf32, #tpu.memory_space<vmem_shared>>
      tpu.enqueue_dma source(%arg8 : memref<96x64xf32, #tpu.memory_space<vmem>>) target(%dma_start3A_41 : memref<96x64xf32, #tpu.memory_space<vmem_shared>>) target_semaphore(%run_scoped3A : memref<!tpu.dma_semaphore, #tpu.memory_space<semaphore_mem>>)
      %dma_wait3A = arith.constant 0 : i32
      %dma_wait3A_42 = tpu.memref_slice %arg10[%add3A_11, %dma_wait3A] : memref<10240x64xf32, #tpu.memory_space<vmem_shared>> -> memref<96x64xf32, #tpu.memory_space<vmem_shared>>
      %dma_wait3A_43 = arith.constant 0 : i32
      %dma_wait3A_44 = tpu.memref_slice %arg10[%add3A_11, %dma_wait3A_43] : memref<10240x64xf32, #tpu.memory_space<vmem_shared>> -> memref<96x64xf32, #tpu.memory_space<vmem_shared>>
      tpu.wait_dma2 semaphore(%run_scoped3A : memref<!tpu.dma_semaphore, #tpu.memory_space<semaphore_mem>>) src(%arg8 : memref<96x64xf32, #tpu.memory_space<vmem>>) dst(%dma_wait3A_44 : memref<96x64xf32, #tpu.memory_space<vmem_shared>>)
      tpu.yield
    }) : () -> ()
    %add3A_12 = arith.constant 192 : i32
    %add3A_13 = arith.addi %mul3A_7, %add3A_12 : i32
    "tpu.region"() ({
      %run_scoped3A = tpu.sem_alloc : memref<!tpu.dma_semaphore, #tpu.memory_space<semaphore_mem>>
      %dma_start3A_38 = arith.constant 0 : i32
      %dma_start3A_39 = tpu.memref_slice %arg10[%add3A_13, %dma_start3A_38] : memref<10240x64xf32, #tpu.memory_space<vmem_shared>> -> memref<96x64xf32, #tpu.memory_space<vmem_shared>>
      %dma_start3A_40 = arith.constant 0 : i32
      %dma_start3A_41 = tpu.memref_slice %arg10[%add3A_13, %dma_start3A_40] : memref<10240x64xf32, #tpu.memory_space<vmem_shared>> -> memref<96x64xf32, #tpu.memory_space<vmem_shared>>
      tpu.enqueue_dma source(%arg8 : memref<96x64xf32, #tpu.memory_space<vmem>>) target(%dma_start3A_41 : memref<96x64xf32, #tpu.memory_space<vmem_shared>>) target_semaphore(%run_scoped3A : memref<!tpu.dma_semaphore, #tpu.memory_space<semaphore_mem>>)
      %dma_wait3A = arith.constant 0 : i32
      %dma_wait3A_42 = tpu.memref_slice %arg10[%add3A_13, %dma_wait3A] : memref<10240x64xf32, #tpu.memory_space<vmem_shared>> -> memref<96x64xf32, #tpu.memory_space<vmem_shared>>
      %dma_wait3A_43 = arith.constant 0 : i32
      %dma_wait3A_44 = tpu.memref_slice %arg10[%add3A_13, %dma_wait3A_43] : memref<10240x64xf32, #tpu.memory_space<vmem_shared>> -> memref<96x64xf32, #tpu.memory_space<vmem_shared>>
      tpu.wait_dma2 semaphore(%run_scoped3A : memref<!tpu.dma_semaphore, #tpu.memory_space<semaphore_mem>>) src(%arg8 : memref<96x64xf32, #tpu.memory_space<vmem>>) dst(%dma_wait3A_44 : memref<96x64xf32, #tpu.memory_space<vmem_shared>>)
      tpu.yield
    }) : () -> ()
    %add3A_14 = arith.constant 288 : i32
    %add3A_15 = arith.addi %mul3A_7, %add3A_14 : i32
    "tpu.region"() ({
      %run_scoped3A = tpu.sem_alloc : memref<!tpu.dma_semaphore, #tpu.memory_space<semaphore_mem>>
      %dma_start3A_38 = arith.constant 0 : i32
      %dma_start3A_39 = tpu.memref_slice %arg10[%add3A_15, %dma_start3A_38] : memref<10240x64xf32, #tpu.memory_space<vmem_shared>> -> memref<96x64xf32, #tpu.memory_space<vmem_shared>>
      %dma_start3A_40 = arith.constant 0 : i32
      %dma_start3A_41 = tpu.memref_slice %arg10[%add3A_15, %dma_start3A_40] : memref<10240x64xf32, #tpu.memory_space<vmem_shared>> -> memref<96x64xf32, #tpu.memory_space<vmem_shared>>
      tpu.enqueue_dma source(%arg8 : memref<96x64xf32, #tpu.memory_space<vmem>>) target(%dma_start3A_41 : memref<96x64xf32, #tpu.memory_space<vmem_shared>>) target_semaphore(%run_scoped3A : memref<!tpu.dma_semaphore, #tpu.memory_space<semaphore_mem>>)
      %dma_wait3A = arith.constant 0 : i32
      %dma_wait3A_42 = tpu.memref_slice %arg10[%add3A_15, %dma_wait3A] : memref<10240x64xf32, #tpu.memory_space<vmem_shared>> -> memref<96x64xf32, #tpu.memory_space<vmem_shared>>
      %dma_wait3A_43 = arith.constant 0 : i32
      %dma_wait3A_44 = tpu.memref_slice %arg10[%add3A_15, %dma_wait3A_43] : memref<10240x64xf32, #tpu.memory_space<vmem_shared>> -> memref<96x64xf32, #tpu.memory_space<vmem_shared>>
      tpu.wait_dma2 semaphore(%run_scoped3A : memref<!tpu.dma_semaphore, #tpu.memory_space<semaphore_mem>>) src(%arg8 : memref<96x64xf32, #tpu.memory_space<vmem>>) dst(%dma_wait3A_44 : memref<96x64xf32, #tpu.memory_space<vmem_shared>>)
      tpu.yield
    }) : () -> ()
    %add3A_16 = arith.constant 384 : i32
    %add3A_17 = arith.addi %mul3A_7, %add3A_16 : i32
    "tpu.region"() ({
      %run_scoped3A = tpu.sem_alloc : memref<!tpu.dma_semaphore, #tpu.memory_space<semaphore_mem>>
      %dma_start3A_38 = arith.constant 0 : i32
      %dma_start3A_39 = tpu.memref_slice %arg10[%add3A_17, %dma_start3A_38] : memref<10240x64xf32, #tpu.memory_space<vmem_shared>> -> memref<96x64xf32, #tpu.memory_space<vmem_shared>>
      %dma_start3A_40 = arith.constant 0 : i32
      %dma_start3A_41 = tpu.memref_slice %arg10[%add3A_17, %dma_start3A_40] : memref<10240x64xf32, #tpu.memory_space<vmem_shared>> -> memref<96x64xf32, #tpu.memory_space<vmem_shared>>
      tpu.enqueue_dma source(%arg8 : memref<96x64xf32, #tpu.memory_space<vmem>>) target(%dma_start3A_41 : memref<96x64xf32, #tpu.memory_space<vmem_shared>>) target_semaphore(%run_scoped3A : memref<!tpu.dma_semaphore, #tpu.memory_space<semaphore_mem>>)
      %dma_wait3A = arith.constant 0 : i32
      %dma_wait3A_42 = tpu.memref_slice %arg10[%add3A_17, %dma_wait3A] : memref<10240x64xf32, #tpu.memory_space<vmem_shared>> -> memref<96x64xf32, #tpu.memory_space<vmem_shared>>
      %dma_wait3A_43 = arith.constant 0 : i32
      %dma_wait3A_44 = tpu.memref_slice %arg10[%add3A_17, %dma_wait3A_43] : memref<10240x64xf32, #tpu.memory_space<vmem_shared>> -> memref<96x64xf32, #tpu.memory_space<vmem_shared>>
      tpu.wait_dma2 semaphore(%run_scoped3A : memref<!tpu.dma_semaphore, #tpu.memory_space<semaphore_mem>>) src(%arg8 : memref<96x64xf32, #tpu.memory_space<vmem>>) dst(%dma_wait3A_44 : memref<96x64xf32, #tpu.memory_space<vmem_shared>>)
      tpu.yield
    }) : () -> ()
    %add3A_18 = arith.constant 480 : i32
    %add3A_19 = arith.addi %mul3A_7, %add3A_18 : i32
    "tpu.region"() ({
      %run_scoped3A = tpu.sem_alloc : memref<!tpu.dma_semaphore, #tpu.memory_space<semaphore_mem>>
      %dma_start3A_38 = arith.constant 0 : i32
      %dma_start3A_39 = tpu.memref_slice %arg10[%add3A_19, %dma_start3A_38] : memref<10240x64xf32, #tpu.memory_space<vmem_shared>> -> memref<96x64xf32, #tpu.memory_space<vmem_shared>>
      %dma_start3A_40 = arith.constant 0 : i32
      %dma_start3A_41 = tpu.memref_slice %arg10[%add3A_19, %dma_start3A_40] : memref<10240x64xf32, #tpu.memory_space<vmem_shared>> -> memref<96x64xf32, #tpu.memory_space<vmem_shared>>
      tpu.enqueue_dma source(%arg8 : memref<96x64xf32, #tpu.memory_space<vmem>>) target(%dma_start3A_41 : memref<96x64xf32, #tpu.memory_space<vmem_shared>>) target_semaphore(%run_scoped3A : memref<!tpu.dma_semaphore, #tpu.memory_space<semaphore_mem>>)
      %dma_wait3A = arith.constant 0 : i32
      %dma_wait3A_42 = tpu.memref_slice %arg10[%add3A_19, %dma_wait3A] : memref<10240x64xf32, #tpu.memory_space<vmem_shared>> -> memref<96x64xf32, #tpu.memory_space<vmem_shared>>
      %dma_wait3A_43 = arith.constant 0 : i32
      %dma_wait3A_44 = tpu.memref_slice %arg10[%add3A_19, %dma_wait3A_43] : memref<10240x64xf32, #tpu.memory_space<vmem_shared>> -> memref<96x64xf32, #tpu.memory_space<vmem_shared>>
      tpu.wait_dma2 semaphore(%run_scoped3A : memref<!tpu.dma_semaphore, #tpu.memory_space<semaphore_mem>>) src(%arg8 : memref<96x64xf32, #tpu.memory_space<vmem>>) dst(%dma_wait3A_44 : memref<96x64xf32, #tpu.memory_space<vmem_shared>>)
      tpu.yield
    }) : () -> ()
    %add3A_20 = arith.constant 576 : i32
    %add3A_21 = arith.addi %mul3A_7, %add3A_20 : i32
    "tpu.region"() ({
      %run_scoped3A = tpu.sem_alloc : memref<!tpu.dma_semaphore, #tpu.memory_space<semaphore_mem>>
      %dma_start3A_38 = arith.constant 0 : i32
      %dma_start3A_39 = arith.constant 0 : i32
      %dma_start3A_40 = tpu.memref_slice %arg8[%dma_start3A_38, %dma_start3A_39] : memref<96x64xf32, #tpu.memory_space<vmem>> -> memref<64x64xf32, #tpu.memory_space<vmem>>
      %dma_start3A_41 = arith.constant 0 : i32
      %dma_start3A_42 = tpu.memref_slice %arg10[%add3A_21, %dma_start3A_41] : memref<10240x64xf32, #tpu.memory_space<vmem_shared>> -> memref<64x64xf32, #tpu.memory_space<vmem_shared>>
      %dma_start3A_43 = arith.constant 0 : i32
      %dma_start3A_44 = tpu.memref_slice %arg10[%add3A_21, %dma_start3A_43] : memref<10240x64xf32, #tpu.memory_space<vmem_shared>> -> memref<64x64xf32, #tpu.memory_space<vmem_shared>>
      %dma_start3A_45 = arith.constant 0 : i32
      %dma_start3A_46 = arith.constant 0 : i32
      %dma_start3A_47 = tpu.memref_slice %arg8[%dma_start3A_45, %dma_start3A_46] : memref<96x64xf32, #tpu.memory_space<vmem>> -> memref<64x64xf32, #tpu.memory_space<vmem>>
      tpu.enqueue_dma source(%dma_start3A_47 : memref<64x64xf32, #tpu.memory_space<vmem>>) target(%dma_start3A_44 : memref<64x64xf32, #tpu.memory_space<vmem_shared>>) target_semaphore(%run_scoped3A : memref<!tpu.dma_semaphore, #tpu.memory_space<semaphore_mem>>)
      %dma_wait3A = arith.constant 0 : i32
      %dma_wait3A_48 = arith.constant 0 : i32
      %dma_wait3A_49 = tpu.memref_slice %arg8[%dma_wait3A, %dma_wait3A_48] : memref<96x64xf32, #tpu.memory_space<vmem>> -> memref<64x64xf32, #tpu.memory_space<vmem>>
      %dma_wait3A_50 = arith.constant 0 : i32
      %dma_wait3A_51 = tpu.memref_slice %arg10[%add3A_21, %dma_wait3A_50] : memref<10240x64xf32, #tpu.memory_space<vmem_shared>> -> memref<64x64xf32, #tpu.memory_space<vmem_shared>>
      %dma_wait3A_52 = arith.constant 0 : i32
      %dma_wait3A_53 = tpu.memref_slice %arg10[%add3A_21, %dma_wait3A_52] : memref<10240x64xf32, #tpu.memory_space<vmem_shared>> -> memref<64x64xf32, #tpu.memory_space<vmem_shared>>
      %dma_wait3A_54 = arith.constant 0 : i32
      %dma_wait3A_55 = arith.constant 0 : i32
      %dma_wait3A_56 = tpu.memref_slice %arg8[%dma_wait3A_54, %dma_wait3A_55] : memref<96x64xf32, #tpu.memory_space<vmem>> -> memref<64x64xf32, #tpu.memory_space<vmem>>
      tpu.wait_dma2 semaphore(%run_scoped3A : memref<!tpu.dma_semaphore, #tpu.memory_space<semaphore_mem>>) src(%dma_wait3A_56 : memref<64x64xf32, #tpu.memory_space<vmem>>) dst(%dma_wait3A_53 : memref<64x64xf32, #tpu.memory_space<vmem_shared>>)
      tpu.yield
    }) : () -> ()
    %barrier3A = arith.constant 0 : index
    tpu.barrier barrier_id(%barrier3A)
    %dma_start3A = arith.constant 0 : i32
    %dma_start3A_22 = arith.constant 0 : i32
    %dma_start3A_23 = tpu.memref_slice %arg6[%dma_start3A, %dma_start3A_22] : memref<210x96xi32, #tpu.memory_space<vmem>> -> memref<1x96xi32, #tpu.memory_space<vmem>>
    %dma_start3A_24 = tpu.memref_squeeze %dma_start3A_23 : memref<1x96xi32, #tpu.memory_space<vmem>> -> memref<96xi32, #tpu.memory_space<vmem>>
    %dma_start3A_25 = arith.constant 0 : i32
    %dma_start3A_26 = arith.constant 0 : i32
    %dma_start3A_27 = tpu.memref_slice %arg2[%dma_start3A_25, %dma_start3A_26] : memref<20480x64xf32, #tpu.memory_space<hbm>> -> memref<20480x64xf32, #tpu.memory_space<hbm>>
    tpu.enqueue_indirect_dma source(%dma_start3A_27 : memref<20480x64xf32, #tpu.memory_space<hbm>>) target(%arg8 : memref<96x64xf32, #tpu.memory_space<vmem>>) offsets(%dma_start3A_24 : memref<96xi32, #tpu.memory_space<vmem>>) semaphore(%arg11 : memref<!tpu.dma_semaphore, #tpu.memory_space<semaphore_mem>>)
    %scan3A_28 = arith.constant 0 : i32
    %scan3A_29 = arith.constant 0 : i32
    %scan3A_30 = arith.constant 105 : i32
    %scan3A_31 = arith.addi %scan3A_29, %scan3A_30 : i32
    %scan3A_32 = arith.constant 1 : i32
    scf.for %scan3A_38 = %scan3A_29 to %scan3A_31 step %scan3A_32  : i32 {
      %mul3A_39 = arith.constant 2 : i32
      %mul3A_40 = arith.muli %mul3A_39, %scan3A_38 : i32
      %add3A_41 = arith.constant 1 : i32
      %add3A_42 = arith.addi %mul3A_40, %add3A_41 : i32
      %dma_start3A_43 = arith.constant 0 : i32
      %dma_start3A_44 = tpu.memref_slice %arg6[%add3A_42, %dma_start3A_43] : memref<210x96xi32, #tpu.memory_space<vmem>> -> memref<1x96xi32, #tpu.memory_space<vmem>>
      %dma_start3A_45 = tpu.memref_squeeze %dma_start3A_44 : memref<1x96xi32, #tpu.memory_space<vmem>> -> memref<96xi32, #tpu.memory_space<vmem>>
      %dma_start3A_46 = arith.constant 0 : i32
      %dma_start3A_47 = arith.constant 0 : i32
      %dma_start3A_48 = tpu.memref_slice %arg2[%dma_start3A_46, %dma_start3A_47] : memref<20480x64xf32, #tpu.memory_space<hbm>> -> memref<20480x64xf32, #tpu.memory_space<hbm>>
      tpu.enqueue_indirect_dma source(%dma_start3A_48 : memref<20480x64xf32, #tpu.memory_space<hbm>>) target(%arg9 : memref<96x64xf32, #tpu.memory_space<vmem>>) offsets(%dma_start3A_45 : memref<96xi32, #tpu.memory_space<vmem>>) semaphore(%arg12 : memref<!tpu.dma_semaphore, #tpu.memory_space<semaphore_mem>>)
      %dma_wait3A = arith.constant 0 : i32
      %dma_wait3A_49 = tpu.memref_slice %arg6[%mul3A_40, %dma_wait3A] : memref<210x96xi32, #tpu.memory_space<vmem>> -> memref<1x96xi32, #tpu.memory_space<vmem>>
      %dma_wait3A_50 = tpu.memref_squeeze %dma_wait3A_49 : memref<1x96xi32, #tpu.memory_space<vmem>> -> memref<96xi32, #tpu.memory_space<vmem>>
      %dma_wait3A_51 = arith.constant 0 : i32
      %dma_wait3A_52 = arith.constant 0 : i32
      %dma_wait3A_53 = tpu.memref_slice %arg2[%dma_wait3A_51, %dma_wait3A_52] : memref<20480x64xf32, #tpu.memory_space<hbm>> -> memref<20480x64xf32, #tpu.memory_space<hbm>>
      tpu.wait_indirect_dma semaphore(%arg11 : memref<!tpu.dma_semaphore, #tpu.memory_space<semaphore_mem>>) src(%dma_wait3A_53 : memref<20480x64xf32, #tpu.memory_space<hbm>>) dst(%arg8 : memref<96x64xf32, #tpu.memory_space<vmem>>)
      "tpu.region"() ({
        %run_scoped3A = tpu.sem_alloc : memref<!tpu.dma_semaphore, #tpu.memory_space<semaphore_mem>>
        %dma_start3A_66 = arith.constant 0 : i32
        %dma_start3A_67 = tpu.memref_slice %arg7[%mul3A_40, %dma_start3A_66] : memref<210x96xi32, #tpu.memory_space<vmem>> -> memref<1x96xi32, #tpu.memory_space<vmem>>
        %dma_start3A_68 = tpu.memref_squeeze %dma_start3A_67 : memref<1x96xi32, #tpu.memory_space<vmem>> -> memref<96xi32, #tpu.memory_space<vmem>>
        %dma_start3A_69 = arith.constant 0 : i32
        %dma_start3A_70 = arith.constant 0 : i32
        %dma_start3A_71 = tpu.memref_slice %arg10[%dma_start3A_69, %dma_start3A_70] : memref<10240x64xf32, #tpu.memory_space<vmem_shared>> -> memref<10240x64xf32, #tpu.memory_space<vmem_shared>>
        tpu.enqueue_indirect_dma source(%arg8 : memref<96x64xf32, #tpu.memory_space<vmem>>) target(%dma_start3A_71 : memref<10240x64xf32, #tpu.memory_space<vmem_shared>>) offsets(%dma_start3A_68 : memref<96xi32, #tpu.memory_space<vmem>>) semaphore(%run_scoped3A : memref<!tpu.dma_semaphore, #tpu.memory_space<semaphore_mem>>) {add = true}
        %dma_wait3A_72 = arith.constant 0 : i32
        %dma_wait3A_73 = tpu.memref_slice %arg7[%mul3A_40, %dma_wait3A_72] : memref<210x96xi32, #tpu.memory_space<vmem>> -> memref<1x96xi32, #tpu.memory_space<vmem>>
        %dma_wait3A_74 = tpu.memref_squeeze %dma_wait3A_73 : memref<1x96xi32, #tpu.memory_space<vmem>> -> memref<96xi32, #tpu.memory_space<vmem>>
        %dma_wait3A_75 = arith.constant 0 : i32
        %dma_wait3A_76 = arith.constant 0 : i32
        %dma_wait3A_77 = tpu.memref_slice %arg10[%dma_wait3A_75, %dma_wait3A_76] : memref<10240x64xf32, #tpu.memory_space<vmem_shared>> -> memref<10240x64xf32, #tpu.memory_space<vmem_shared>>
        tpu.wait_indirect_dma semaphore(%run_scoped3A : memref<!tpu.dma_semaphore, #tpu.memory_space<semaphore_mem>>) src(%arg8 : memref<96x64xf32, #tpu.memory_space<vmem>>) dst(%dma_wait3A_77 : memref<10240x64xf32, #tpu.memory_space<vmem_shared>>)
        tpu.yield
      }) : () -> ()
      %lt3A = arith.constant 104 : i32
      %lt3A_54 = arith.cmpi slt, %scan3A_38, %lt3A : i32
      %convert_element_type3A = arith.extui %lt3A_54 : i1 to i32
      %cond3A = arith.constant 0 : i32
      %cond3A_55 = arith.cmpi ne, %convert_element_type3A, %cond3A : i32
      scf.if %cond3A_55 {
        %add3A_66 = arith.constant 2 : i32
        %add3A_67 = arith.addi %mul3A_40, %add3A_66 : i32
        %dma_start3A_68 = arith.constant 0 : i32
        %dma_start3A_69 = tpu.memref_slice %arg6[%add3A_67, %dma_start3A_68] : memref<210x96xi32, #tpu.memory_space<vmem>> -> memref<1x96xi32, #tpu.memory_space<vmem>>
        %dma_start3A_70 = tpu.memref_squeeze %dma_start3A_69 : memref<1x96xi32, #tpu.memory_space<vmem>> -> memref<96xi32, #tpu.memory_space<vmem>>
        %dma_start3A_71 = arith.constant 0 : i32
        %dma_start3A_72 = arith.constant 0 : i32
        %dma_start3A_73 = tpu.memref_slice %arg2[%dma_start3A_71, %dma_start3A_72] : memref<20480x64xf32, #tpu.memory_space<hbm>> -> memref<20480x64xf32, #tpu.memory_space<hbm>>
        tpu.enqueue_indirect_dma source(%dma_start3A_73 : memref<20480x64xf32, #tpu.memory_space<hbm>>) target(%arg8 : memref<96x64xf32, #tpu.memory_space<vmem>>) offsets(%dma_start3A_70 : memref<96xi32, #tpu.memory_space<vmem>>) semaphore(%arg11 : memref<!tpu.dma_semaphore, #tpu.memory_space<semaphore_mem>>)
      } else {
      }
      %add3A_56 = arith.constant 1 : i32
      %add3A_57 = arith.addi %mul3A_40, %add3A_56 : i32
      %dma_wait3A_58 = arith.constant 0 : i32
      %dma_wait3A_59 = tpu.memref_slice %arg6[%add3A_57, %dma_wait3A_58] : memref<210x96xi32, #tpu.memory_space<vmem>> -> memref<1x96xi32, #tpu.memory_space<vmem>>
      %dma_wait3A_60 = tpu.memref_squeeze %dma_wait3A_59 : memref<1x96xi32, #tpu.memory_space<vmem>> -> memref<96xi32, #tpu.memory_space<vmem>>
      %dma_wait3A_61 = arith.constant 0 : i32
      %dma_wait3A_62 = arith.constant 0 : i32
      %dma_wait3A_63 = tpu.memref_slice %arg2[%dma_wait3A_61, %dma_wait3A_62] : memref<20480x64xf32, #tpu.memory_space<hbm>> -> memref<20480x64xf32, #tpu.memory_space<hbm>>
      tpu.wait_indirect_dma semaphore(%arg12 : memref<!tpu.dma_semaphore, #tpu.memory_space<semaphore_mem>>) src(%dma_wait3A_63 : memref<20480x64xf32, #tpu.memory_space<hbm>>) dst(%arg9 : memref<96x64xf32, #tpu.memory_space<vmem>>)
      %add3A_64 = arith.constant 1 : i32
      %add3A_65 = arith.addi %mul3A_40, %add3A_64 : i32
      "tpu.region"() ({
        %run_scoped3A = tpu.sem_alloc : memref<!tpu.dma_semaphore, #tpu.memory_space<semaphore_mem>>
        %dma_start3A_66 = arith.constant 0 : i32
        %dma_start3A_67 = tpu.memref_slice %arg7[%add3A_65, %dma_start3A_66] : memref<210x96xi32, #tpu.memory_space<vmem>> -> memref<1x96xi32, #tpu.memory_space<vmem>>
        %dma_start3A_68 = tpu.memref_squeeze %dma_start3A_67 : memref<1x96xi32, #tpu.memory_space<vmem>> -> memref<96xi32, #tpu.memory_space<vmem>>
        %dma_start3A_69 = arith.constant 0 : i32
        %dma_start3A_70 = arith.constant 0 : i32
        %dma_start3A_71 = tpu.memref_slice %arg10[%dma_start3A_69, %dma_start3A_70] : memref<10240x64xf32, #tpu.memory_space<vmem_shared>> -> memref<10240x64xf32, #tpu.memory_space<vmem_shared>>
        tpu.enqueue_indirect_dma source(%arg9 : memref<96x64xf32, #tpu.memory_space<vmem>>) target(%dma_start3A_71 : memref<10240x64xf32, #tpu.memory_space<vmem_shared>>) offsets(%dma_start3A_68 : memref<96xi32, #tpu.memory_space<vmem>>) semaphore(%run_scoped3A : memref<!tpu.dma_semaphore, #tpu.memory_space<semaphore_mem>>) {add = true}
        %dma_wait3A_72 = arith.constant 0 : i32
        %dma_wait3A_73 = tpu.memref_slice %arg7[%add3A_65, %dma_wait3A_72] : memref<210x96xi32, #tpu.memory_space<vmem>> -> memref<1x96xi32, #tpu.memory_space<vmem>>
        %dma_wait3A_74 = tpu.memref_squeeze %dma_wait3A_73 : memref<1x96xi32, #tpu.memory_space<vmem>> -> memref<96xi32, #tpu.memory_space<vmem>>
        %dma_wait3A_75 = arith.constant 0 : i32
        %dma_wait3A_76 = arith.constant 0 : i32
        %dma_wait3A_77 = tpu.memref_slice %arg10[%dma_wait3A_75, %dma_wait3A_76] : memref<10240x64xf32, #tpu.memory_space<vmem_shared>> -> memref<10240x64xf32, #tpu.memory_space<vmem_shared>>
        tpu.wait_indirect_dma semaphore(%run_scoped3A : memref<!tpu.dma_semaphore, #tpu.memory_space<semaphore_mem>>) src(%arg9 : memref<96x64xf32, #tpu.memory_space<vmem>>) dst(%dma_wait3A_77 : memref<10240x64xf32, #tpu.memory_space<vmem_shared>>)
        tpu.yield
      }) : () -> ()
    }
    %scan3A_33 = arith.constant 105 : i32
    %barrier3A_34 = arith.constant 0 : index
    tpu.barrier barrier_id(%barrier3A_34)
    %mul3A_35 = arith.constant 10240 : i32
    %mul3A_36 = arith.muli %arg0, %mul3A_35 : i32
    %add3A_37 = arith.addi %mul3A_36, %mul3A_7 : i32
    "tpu.region"() ({
      %run_scoped3A = tpu.sem_alloc : memref<!tpu.dma_semaphore, #tpu.memory_space<semaphore_mem>>
      %dma_start3A_38 = arith.constant 0 : i32
      %dma_start3A_39 = tpu.memref_slice %arg5[%add3A_37, %dma_start3A_38] : memref<20480x64xf32, #tpu.memory_space<hbm>> -> memref<640x64xf32, #tpu.memory_space<hbm>>
      %dma_start3A_40 = arith.constant 0 : i32
      %dma_start3A_41 = tpu.memref_slice %arg10[%mul3A_7, %dma_start3A_40] : memref<10240x64xf32, #tpu.memory_space<vmem_shared>> -> memref<640x64xf32, #tpu.memory_space<vmem_shared>>
      tpu.enqueue_dma source(%dma_start3A_41 : memref<640x64xf32, #tpu.memory_space<vmem_shared>>) target(%dma_start3A_39 : memref<640x64xf32, #tpu.memory_space<hbm>>) target_semaphore(%run_scoped3A : memref<!tpu.dma_semaphore, #tpu.memory_space<semaphore_mem>>)
      %dma_wait3A = arith.constant 0 : i32
      %dma_wait3A_42 = tpu.memref_slice %arg5[%add3A_37, %dma_wait3A] : memref<20480x64xf32, #tpu.memory_space<hbm>> -> memref<640x64xf32, #tpu.memory_space<hbm>>
      %dma_wait3A_43 = arith.constant 0 : i32
      %dma_wait3A_44 = tpu.memref_slice %arg10[%mul3A_7, %dma_wait3A_43] : memref<10240x64xf32, #tpu.memory_space<vmem_shared>> -> memref<640x64xf32, #tpu.memory_space<vmem_shared>>
      tpu.wait_dma2 semaphore(%run_scoped3A : memref<!tpu.dma_semaphore, #tpu.memory_space<semaphore_mem>>) src(%dma_wait3A_44 : memref<640x64xf32, #tpu.memory_space<vmem_shared>>) dst(%dma_wait3A_42 : memref<640x64xf32, #tpu.memory_space<hbm>>)
      tpu.yield
    }) : () -> ()
    return
  }
}

#map = affine_map<(d0, d1) -> (0, 0)>
#map1 = affine_map<(d0, d1) -> (0, 0, 0)>
module attributes {stable_mosaic.version = 14 : i64} {
  func.func @_agg_body(%arg0: i32, %arg1: i32, %arg2: memref<10240x16xf32, #tpu.memory_space<hbm>>, %arg3: memref<32x80x128xi32, #tpu.memory_space<hbm>>, %arg4: memref<32x80x128xi32, #tpu.memory_space<hbm>>, %arg5: memref<20480x16xf32, #tpu.memory_space<hbm>>, %arg6: memref<80x128xi32, #tpu.memory_space<vmem>>, %arg7: memref<80x128xi32, #tpu.memory_space<vmem>>, %arg8: memref<128x16xf32, #tpu.memory_space<vmem>>, %arg9: memref<128x16xf32, #tpu.memory_space<vmem>>, %arg10: memref<10240x16xf32, #tpu.memory_space<vmem_shared>>, %arg11: memref<!tpu.dma_semaphore, #tpu.memory_space<semaphore_mem>>, %arg12: memref<!tpu.dma_semaphore, #tpu.memory_space<semaphore_mem>>) attributes {dimension_semantics = [#tpu.dimension_semantics<core_parallel>, #tpu.dimension_semantics<subcore_parallel>], iteration_bounds = array<i64: 2, 16>, scalar_prefetch = 0 : i64, scratch_operands = 7 : i64, tpu.core_type = #tpu.core_type<sc_vector_subcore>, window_params = [{transform_indices = #map}, {transform_indices = #map1}, {transform_indices = #map1}, {transform_indices = #map}]} {
    %mul3A = arith.constant 16 : i32
    %mul3A_0 = arith.muli %arg0, %mul3A : i32
    %add3A = arith.addi %mul3A_0, %arg1 : i32
    "tpu.region"() ({
      %run_scoped3A = tpu.sem_alloc : memref<!tpu.dma_semaphore, #tpu.memory_space<semaphore_mem>>
      %dma_start3A_34 = arith.constant 0 : i32
      %dma_start3A_35 = arith.constant 0 : i32
      %dma_start3A_36 = tpu.memref_slice %arg3[%add3A, %dma_start3A_34, %dma_start3A_35] : memref<32x80x128xi32, #tpu.memory_space<hbm>> -> memref<1x80x128xi32, #tpu.memory_space<hbm>>
      %dma_start3A_37 = tpu.memref_squeeze %dma_start3A_36 : memref<1x80x128xi32, #tpu.memory_space<hbm>> -> memref<80x128xi32, #tpu.memory_space<hbm>>
      %dma_start3A_38 = arith.constant 0 : i32
      %dma_start3A_39 = arith.constant 0 : i32
      %dma_start3A_40 = tpu.memref_slice %arg3[%add3A, %dma_start3A_38, %dma_start3A_39] : memref<32x80x128xi32, #tpu.memory_space<hbm>> -> memref<1x80x128xi32, #tpu.memory_space<hbm>>
      %dma_start3A_41 = tpu.memref_squeeze %dma_start3A_40 : memref<1x80x128xi32, #tpu.memory_space<hbm>> -> memref<80x128xi32, #tpu.memory_space<hbm>>
      tpu.enqueue_dma source(%dma_start3A_41 : memref<80x128xi32, #tpu.memory_space<hbm>>) target(%arg6 : memref<80x128xi32, #tpu.memory_space<vmem>>) target_semaphore(%run_scoped3A : memref<!tpu.dma_semaphore, #tpu.memory_space<semaphore_mem>>)
      %dma_wait3A = arith.constant 0 : i32
      %dma_wait3A_42 = arith.constant 0 : i32
      %dma_wait3A_43 = tpu.memref_slice %arg3[%add3A, %dma_wait3A, %dma_wait3A_42] : memref<32x80x128xi32, #tpu.memory_space<hbm>> -> memref<1x80x128xi32, #tpu.memory_space<hbm>>
      %dma_wait3A_44 = tpu.memref_squeeze %dma_wait3A_43 : memref<1x80x128xi32, #tpu.memory_space<hbm>> -> memref<80x128xi32, #tpu.memory_space<hbm>>
      %dma_wait3A_45 = arith.constant 0 : i32
      %dma_wait3A_46 = arith.constant 0 : i32
      %dma_wait3A_47 = tpu.memref_slice %arg3[%add3A, %dma_wait3A_45, %dma_wait3A_46] : memref<32x80x128xi32, #tpu.memory_space<hbm>> -> memref<1x80x128xi32, #tpu.memory_space<hbm>>
      %dma_wait3A_48 = tpu.memref_squeeze %dma_wait3A_47 : memref<1x80x128xi32, #tpu.memory_space<hbm>> -> memref<80x128xi32, #tpu.memory_space<hbm>>
      tpu.wait_dma2 semaphore(%run_scoped3A : memref<!tpu.dma_semaphore, #tpu.memory_space<semaphore_mem>>) src(%dma_wait3A_48 : memref<80x128xi32, #tpu.memory_space<hbm>>) dst(%arg6 : memref<80x128xi32, #tpu.memory_space<vmem>>)
      tpu.yield
    }) : () -> ()
    "tpu.region"() ({
      %run_scoped3A = tpu.sem_alloc : memref<!tpu.dma_semaphore, #tpu.memory_space<semaphore_mem>>
      %dma_start3A_34 = arith.constant 0 : i32
      %dma_start3A_35 = arith.constant 0 : i32
      %dma_start3A_36 = tpu.memref_slice %arg4[%add3A, %dma_start3A_34, %dma_start3A_35] : memref<32x80x128xi32, #tpu.memory_space<hbm>> -> memref<1x80x128xi32, #tpu.memory_space<hbm>>
      %dma_start3A_37 = tpu.memref_squeeze %dma_start3A_36 : memref<1x80x128xi32, #tpu.memory_space<hbm>> -> memref<80x128xi32, #tpu.memory_space<hbm>>
      %dma_start3A_38 = arith.constant 0 : i32
      %dma_start3A_39 = arith.constant 0 : i32
      %dma_start3A_40 = tpu.memref_slice %arg4[%add3A, %dma_start3A_38, %dma_start3A_39] : memref<32x80x128xi32, #tpu.memory_space<hbm>> -> memref<1x80x128xi32, #tpu.memory_space<hbm>>
      %dma_start3A_41 = tpu.memref_squeeze %dma_start3A_40 : memref<1x80x128xi32, #tpu.memory_space<hbm>> -> memref<80x128xi32, #tpu.memory_space<hbm>>
      tpu.enqueue_dma source(%dma_start3A_41 : memref<80x128xi32, #tpu.memory_space<hbm>>) target(%arg7 : memref<80x128xi32, #tpu.memory_space<vmem>>) target_semaphore(%run_scoped3A : memref<!tpu.dma_semaphore, #tpu.memory_space<semaphore_mem>>)
      %dma_wait3A = arith.constant 0 : i32
      %dma_wait3A_42 = arith.constant 0 : i32
      %dma_wait3A_43 = tpu.memref_slice %arg4[%add3A, %dma_wait3A, %dma_wait3A_42] : memref<32x80x128xi32, #tpu.memory_space<hbm>> -> memref<1x80x128xi32, #tpu.memory_space<hbm>>
      %dma_wait3A_44 = tpu.memref_squeeze %dma_wait3A_43 : memref<1x80x128xi32, #tpu.memory_space<hbm>> -> memref<80x128xi32, #tpu.memory_space<hbm>>
      %dma_wait3A_45 = arith.constant 0 : i32
      %dma_wait3A_46 = arith.constant 0 : i32
      %dma_wait3A_47 = tpu.memref_slice %arg4[%add3A, %dma_wait3A_45, %dma_wait3A_46] : memref<32x80x128xi32, #tpu.memory_space<hbm>> -> memref<1x80x128xi32, #tpu.memory_space<hbm>>
      %dma_wait3A_48 = tpu.memref_squeeze %dma_wait3A_47 : memref<1x80x128xi32, #tpu.memory_space<hbm>> -> memref<80x128xi32, #tpu.memory_space<hbm>>
      tpu.wait_dma2 semaphore(%run_scoped3A : memref<!tpu.dma_semaphore, #tpu.memory_space<semaphore_mem>>) src(%dma_wait3A_48 : memref<80x128xi32, #tpu.memory_space<hbm>>) dst(%arg7 : memref<80x128xi32, #tpu.memory_space<vmem>>)
      tpu.yield
    }) : () -> ()
    %scan3A = arith.constant 0 : i32
    %scan3A_1 = arith.constant 0 : i32
    %scan3A_2 = arith.constant 128 : i32
    %scan3A_3 = arith.addi %scan3A_1, %scan3A_2 : i32
    %scan3A_4 = arith.constant 1 : i32
    scf.for %scan3A_34 = %scan3A_1 to %scan3A_3 step %scan3A_4  : i32 {
      %scan3A_35 = arith.constant 0 : i32
      %broadcast_in_dim3A = arith.constant 0.000000e+00 : f32
      %broadcast_in_dim3A_36 = vector.broadcast %broadcast_in_dim3A : f32 to vector<16xf32>
      %mul3A_37 = arith.constant 16 : i32
      %mul3A_38 = arith.muli %scan3A_35, %mul3A_37 : i32
      %swap3A = arith.index_cast %scan3A_34 : i32 to index
      %swap3A_39 = arith.index_cast %mul3A_38 : i32 to index
      %swap3A_40 = tpu.vector_load %arg8[%swap3A, %swap3A_39] {strides = array<i32>} : memref<128x16xf32, #tpu.memory_space<vmem>>, vector<1x16xf32>,
      %swap3A_41 = vector.shape_cast %swap3A_40 : vector<1x16xf32> to vector<16xf32>
      %swap3A_42 = vector.shape_cast %broadcast_in_dim3A_36 : vector<16xf32> to vector<1x16xf32>
      tpu.vector_store %arg8[%swap3A, %swap3A_39], %swap3A_42 {strides = array<i32>} : memref<128x16xf32, #tpu.memory_space<vmem>>, vector<1x16xf32>,
      %scan3A_43 = arith.constant 1 : i32
    }
    %scan3A_5 = arith.constant 128 : i32
    %mul3A_6 = arith.constant 640 : i32
    %mul3A_7 = arith.muli %arg1, %mul3A_6 : i32
    %add3A_8 = arith.constant 0 : i32
    %add3A_9 = arith.addi %mul3A_7, %add3A_8 : i32
    "tpu.region"() ({
      %run_scoped3A = tpu.sem_alloc : memref<!tpu.dma_semaphore, #tpu.memory_space<semaphore_mem>>
      %dma_start3A_34 = arith.constant 0 : i32
      %dma_start3A_35 = tpu.memref_slice %arg10[%add3A_9, %dma_start3A_34] : memref<10240x16xf32, #tpu.memory_space<vmem_shared>> -> memref<128x16xf32, #tpu.memory_space<vmem_shared>>
      %dma_start3A_36 = arith.constant 0 : i32
      %dma_start3A_37 = tpu.memref_slice %arg10[%add3A_9, %dma_start3A_36] : memref<10240x16xf32, #tpu.memory_space<vmem_shared>> -> memref<128x16xf32, #tpu.memory_space<vmem_shared>>
      tpu.enqueue_dma source(%arg8 : memref<128x16xf32, #tpu.memory_space<vmem>>) target(%dma_start3A_37 : memref<128x16xf32, #tpu.memory_space<vmem_shared>>) target_semaphore(%run_scoped3A : memref<!tpu.dma_semaphore, #tpu.memory_space<semaphore_mem>>)
      %dma_wait3A = arith.constant 0 : i32
      %dma_wait3A_38 = tpu.memref_slice %arg10[%add3A_9, %dma_wait3A] : memref<10240x16xf32, #tpu.memory_space<vmem_shared>> -> memref<128x16xf32, #tpu.memory_space<vmem_shared>>
      %dma_wait3A_39 = arith.constant 0 : i32
      %dma_wait3A_40 = tpu.memref_slice %arg10[%add3A_9, %dma_wait3A_39] : memref<10240x16xf32, #tpu.memory_space<vmem_shared>> -> memref<128x16xf32, #tpu.memory_space<vmem_shared>>
      tpu.wait_dma2 semaphore(%run_scoped3A : memref<!tpu.dma_semaphore, #tpu.memory_space<semaphore_mem>>) src(%arg8 : memref<128x16xf32, #tpu.memory_space<vmem>>) dst(%dma_wait3A_40 : memref<128x16xf32, #tpu.memory_space<vmem_shared>>)
      tpu.yield
    }) : () -> ()
    %add3A_10 = arith.constant 128 : i32
    %add3A_11 = arith.addi %mul3A_7, %add3A_10 : i32
    "tpu.region"() ({
      %run_scoped3A = tpu.sem_alloc : memref<!tpu.dma_semaphore, #tpu.memory_space<semaphore_mem>>
      %dma_start3A_34 = arith.constant 0 : i32
      %dma_start3A_35 = tpu.memref_slice %arg10[%add3A_11, %dma_start3A_34] : memref<10240x16xf32, #tpu.memory_space<vmem_shared>> -> memref<128x16xf32, #tpu.memory_space<vmem_shared>>
      %dma_start3A_36 = arith.constant 0 : i32
      %dma_start3A_37 = tpu.memref_slice %arg10[%add3A_11, %dma_start3A_36] : memref<10240x16xf32, #tpu.memory_space<vmem_shared>> -> memref<128x16xf32, #tpu.memory_space<vmem_shared>>
      tpu.enqueue_dma source(%arg8 : memref<128x16xf32, #tpu.memory_space<vmem>>) target(%dma_start3A_37 : memref<128x16xf32, #tpu.memory_space<vmem_shared>>) target_semaphore(%run_scoped3A : memref<!tpu.dma_semaphore, #tpu.memory_space<semaphore_mem>>)
      %dma_wait3A = arith.constant 0 : i32
      %dma_wait3A_38 = tpu.memref_slice %arg10[%add3A_11, %dma_wait3A] : memref<10240x16xf32, #tpu.memory_space<vmem_shared>> -> memref<128x16xf32, #tpu.memory_space<vmem_shared>>
      %dma_wait3A_39 = arith.constant 0 : i32
      %dma_wait3A_40 = tpu.memref_slice %arg10[%add3A_11, %dma_wait3A_39] : memref<10240x16xf32, #tpu.memory_space<vmem_shared>> -> memref<128x16xf32, #tpu.memory_space<vmem_shared>>
      tpu.wait_dma2 semaphore(%run_scoped3A : memref<!tpu.dma_semaphore, #tpu.memory_space<semaphore_mem>>) src(%arg8 : memref<128x16xf32, #tpu.memory_space<vmem>>) dst(%dma_wait3A_40 : memref<128x16xf32, #tpu.memory_space<vmem_shared>>)
      tpu.yield
    }) : () -> ()
    %add3A_12 = arith.constant 256 : i32
    %add3A_13 = arith.addi %mul3A_7, %add3A_12 : i32
    "tpu.region"() ({
      %run_scoped3A = tpu.sem_alloc : memref<!tpu.dma_semaphore, #tpu.memory_space<semaphore_mem>>
      %dma_start3A_34 = arith.constant 0 : i32
      %dma_start3A_35 = tpu.memref_slice %arg10[%add3A_13, %dma_start3A_34] : memref<10240x16xf32, #tpu.memory_space<vmem_shared>> -> memref<128x16xf32, #tpu.memory_space<vmem_shared>>
      %dma_start3A_36 = arith.constant 0 : i32
      %dma_start3A_37 = tpu.memref_slice %arg10[%add3A_13, %dma_start3A_36] : memref<10240x16xf32, #tpu.memory_space<vmem_shared>> -> memref<128x16xf32, #tpu.memory_space<vmem_shared>>
      tpu.enqueue_dma source(%arg8 : memref<128x16xf32, #tpu.memory_space<vmem>>) target(%dma_start3A_37 : memref<128x16xf32, #tpu.memory_space<vmem_shared>>) target_semaphore(%run_scoped3A : memref<!tpu.dma_semaphore, #tpu.memory_space<semaphore_mem>>)
      %dma_wait3A = arith.constant 0 : i32
      %dma_wait3A_38 = tpu.memref_slice %arg10[%add3A_13, %dma_wait3A] : memref<10240x16xf32, #tpu.memory_space<vmem_shared>> -> memref<128x16xf32, #tpu.memory_space<vmem_shared>>
      %dma_wait3A_39 = arith.constant 0 : i32
      %dma_wait3A_40 = tpu.memref_slice %arg10[%add3A_13, %dma_wait3A_39] : memref<10240x16xf32, #tpu.memory_space<vmem_shared>> -> memref<128x16xf32, #tpu.memory_space<vmem_shared>>
      tpu.wait_dma2 semaphore(%run_scoped3A : memref<!tpu.dma_semaphore, #tpu.memory_space<semaphore_mem>>) src(%arg8 : memref<128x16xf32, #tpu.memory_space<vmem>>) dst(%dma_wait3A_40 : memref<128x16xf32, #tpu.memory_space<vmem_shared>>)
      tpu.yield
    }) : () -> ()
    %add3A_14 = arith.constant 384 : i32
    %add3A_15 = arith.addi %mul3A_7, %add3A_14 : i32
    "tpu.region"() ({
      %run_scoped3A = tpu.sem_alloc : memref<!tpu.dma_semaphore, #tpu.memory_space<semaphore_mem>>
      %dma_start3A_34 = arith.constant 0 : i32
      %dma_start3A_35 = tpu.memref_slice %arg10[%add3A_15, %dma_start3A_34] : memref<10240x16xf32, #tpu.memory_space<vmem_shared>> -> memref<128x16xf32, #tpu.memory_space<vmem_shared>>
      %dma_start3A_36 = arith.constant 0 : i32
      %dma_start3A_37 = tpu.memref_slice %arg10[%add3A_15, %dma_start3A_36] : memref<10240x16xf32, #tpu.memory_space<vmem_shared>> -> memref<128x16xf32, #tpu.memory_space<vmem_shared>>
      tpu.enqueue_dma source(%arg8 : memref<128x16xf32, #tpu.memory_space<vmem>>) target(%dma_start3A_37 : memref<128x16xf32, #tpu.memory_space<vmem_shared>>) target_semaphore(%run_scoped3A : memref<!tpu.dma_semaphore, #tpu.memory_space<semaphore_mem>>)
      %dma_wait3A = arith.constant 0 : i32
      %dma_wait3A_38 = tpu.memref_slice %arg10[%add3A_15, %dma_wait3A] : memref<10240x16xf32, #tpu.memory_space<vmem_shared>> -> memref<128x16xf32, #tpu.memory_space<vmem_shared>>
      %dma_wait3A_39 = arith.constant 0 : i32
      %dma_wait3A_40 = tpu.memref_slice %arg10[%add3A_15, %dma_wait3A_39] : memref<10240x16xf32, #tpu.memory_space<vmem_shared>> -> memref<128x16xf32, #tpu.memory_space<vmem_shared>>
      tpu.wait_dma2 semaphore(%run_scoped3A : memref<!tpu.dma_semaphore, #tpu.memory_space<semaphore_mem>>) src(%arg8 : memref<128x16xf32, #tpu.memory_space<vmem>>) dst(%dma_wait3A_40 : memref<128x16xf32, #tpu.memory_space<vmem_shared>>)
      tpu.yield
    }) : () -> ()
    %add3A_16 = arith.constant 512 : i32
    %add3A_17 = arith.addi %mul3A_7, %add3A_16 : i32
    "tpu.region"() ({
      %run_scoped3A = tpu.sem_alloc : memref<!tpu.dma_semaphore, #tpu.memory_space<semaphore_mem>>
      %dma_start3A_34 = arith.constant 0 : i32
      %dma_start3A_35 = tpu.memref_slice %arg10[%add3A_17, %dma_start3A_34] : memref<10240x16xf32, #tpu.memory_space<vmem_shared>> -> memref<128x16xf32, #tpu.memory_space<vmem_shared>>
      %dma_start3A_36 = arith.constant 0 : i32
      %dma_start3A_37 = tpu.memref_slice %arg10[%add3A_17, %dma_start3A_36] : memref<10240x16xf32, #tpu.memory_space<vmem_shared>> -> memref<128x16xf32, #tpu.memory_space<vmem_shared>>
      tpu.enqueue_dma source(%arg8 : memref<128x16xf32, #tpu.memory_space<vmem>>) target(%dma_start3A_37 : memref<128x16xf32, #tpu.memory_space<vmem_shared>>) target_semaphore(%run_scoped3A : memref<!tpu.dma_semaphore, #tpu.memory_space<semaphore_mem>>)
      %dma_wait3A = arith.constant 0 : i32
      %dma_wait3A_38 = tpu.memref_slice %arg10[%add3A_17, %dma_wait3A] : memref<10240x16xf32, #tpu.memory_space<vmem_shared>> -> memref<128x16xf32, #tpu.memory_space<vmem_shared>>
      %dma_wait3A_39 = arith.constant 0 : i32
      %dma_wait3A_40 = tpu.memref_slice %arg10[%add3A_17, %dma_wait3A_39] : memref<10240x16xf32, #tpu.memory_space<vmem_shared>> -> memref<128x16xf32, #tpu.memory_space<vmem_shared>>
      tpu.wait_dma2 semaphore(%run_scoped3A : memref<!tpu.dma_semaphore, #tpu.memory_space<semaphore_mem>>) src(%arg8 : memref<128x16xf32, #tpu.memory_space<vmem>>) dst(%dma_wait3A_40 : memref<128x16xf32, #tpu.memory_space<vmem_shared>>)
      tpu.yield
    }) : () -> ()
    %barrier3A = arith.constant 0 : index
    tpu.barrier barrier_id(%barrier3A)
    %dma_start3A = arith.constant 0 : i32
    %dma_start3A_18 = arith.constant 0 : i32
    %dma_start3A_19 = tpu.memref_slice %arg6[%dma_start3A, %dma_start3A_18] : memref<80x128xi32, #tpu.memory_space<vmem>> -> memref<1x128xi32, #tpu.memory_space<vmem>>
    %dma_start3A_20 = tpu.memref_squeeze %dma_start3A_19 : memref<1x128xi32, #tpu.memory_space<vmem>> -> memref<128xi32, #tpu.memory_space<vmem>>
    %dma_start3A_21 = arith.constant 0 : i32
    %dma_start3A_22 = arith.constant 0 : i32
    %dma_start3A_23 = tpu.memref_slice %arg2[%dma_start3A_21, %dma_start3A_22] : memref<10240x16xf32, #tpu.memory_space<hbm>> -> memref<10240x16xf32, #tpu.memory_space<hbm>>
    tpu.enqueue_indirect_dma source(%dma_start3A_23 : memref<10240x16xf32, #tpu.memory_space<hbm>>) target(%arg8 : memref<128x16xf32, #tpu.memory_space<vmem>>) offsets(%dma_start3A_20 : memref<128xi32, #tpu.memory_space<vmem>>) semaphore(%arg11 : memref<!tpu.dma_semaphore, #tpu.memory_space<semaphore_mem>>)
    %scan3A_24 = arith.constant 0 : i32
    %scan3A_25 = arith.constant 0 : i32
    %scan3A_26 = arith.constant 40 : i32
    %scan3A_27 = arith.addi %scan3A_25, %scan3A_26 : i32
    %scan3A_28 = arith.constant 1 : i32
    scf.for %scan3A_34 = %scan3A_25 to %scan3A_27 step %scan3A_28  : i32 {
      %mul3A_35 = arith.constant 2 : i32
      %mul3A_36 = arith.muli %mul3A_35, %scan3A_34 : i32
      %add3A_37 = arith.constant 1 : i32
      %add3A_38 = arith.addi %mul3A_36, %add3A_37 : i32
      %dma_start3A_39 = arith.constant 0 : i32
      %dma_start3A_40 = tpu.memref_slice %arg6[%add3A_38, %dma_start3A_39] : memref<80x128xi32, #tpu.memory_space<vmem>> -> memref<1x128xi32, #tpu.memory_space<vmem>>
      %dma_start3A_41 = tpu.memref_squeeze %dma_start3A_40 : memref<1x128xi32, #tpu.memory_space<vmem>> -> memref<128xi32, #tpu.memory_space<vmem>>
      %dma_start3A_42 = arith.constant 0 : i32
      %dma_start3A_43 = arith.constant 0 : i32
      %dma_start3A_44 = tpu.memref_slice %arg2[%dma_start3A_42, %dma_start3A_43] : memref<10240x16xf32, #tpu.memory_space<hbm>> -> memref<10240x16xf32, #tpu.memory_space<hbm>>
      tpu.enqueue_indirect_dma source(%dma_start3A_44 : memref<10240x16xf32, #tpu.memory_space<hbm>>) target(%arg9 : memref<128x16xf32, #tpu.memory_space<vmem>>) offsets(%dma_start3A_41 : memref<128xi32, #tpu.memory_space<vmem>>) semaphore(%arg12 : memref<!tpu.dma_semaphore, #tpu.memory_space<semaphore_mem>>)
      %dma_wait3A = arith.constant 0 : i32
      %dma_wait3A_45 = tpu.memref_slice %arg6[%mul3A_36, %dma_wait3A] : memref<80x128xi32, #tpu.memory_space<vmem>> -> memref<1x128xi32, #tpu.memory_space<vmem>>
      %dma_wait3A_46 = tpu.memref_squeeze %dma_wait3A_45 : memref<1x128xi32, #tpu.memory_space<vmem>> -> memref<128xi32, #tpu.memory_space<vmem>>
      %dma_wait3A_47 = arith.constant 0 : i32
      %dma_wait3A_48 = arith.constant 0 : i32
      %dma_wait3A_49 = tpu.memref_slice %arg2[%dma_wait3A_47, %dma_wait3A_48] : memref<10240x16xf32, #tpu.memory_space<hbm>> -> memref<10240x16xf32, #tpu.memory_space<hbm>>
      tpu.wait_indirect_dma semaphore(%arg11 : memref<!tpu.dma_semaphore, #tpu.memory_space<semaphore_mem>>) src(%dma_wait3A_49 : memref<10240x16xf32, #tpu.memory_space<hbm>>) dst(%arg8 : memref<128x16xf32, #tpu.memory_space<vmem>>)
      "tpu.region"() ({
        %run_scoped3A = tpu.sem_alloc : memref<!tpu.dma_semaphore, #tpu.memory_space<semaphore_mem>>
        %dma_start3A_62 = arith.constant 0 : i32
        %dma_start3A_63 = tpu.memref_slice %arg7[%mul3A_36, %dma_start3A_62] : memref<80x128xi32, #tpu.memory_space<vmem>> -> memref<1x128xi32, #tpu.memory_space<vmem>>
        %dma_start3A_64 = tpu.memref_squeeze %dma_start3A_63 : memref<1x128xi32, #tpu.memory_space<vmem>> -> memref<128xi32, #tpu.memory_space<vmem>>
        %dma_start3A_65 = arith.constant 0 : i32
        %dma_start3A_66 = arith.constant 0 : i32
        %dma_start3A_67 = tpu.memref_slice %arg10[%dma_start3A_65, %dma_start3A_66] : memref<10240x16xf32, #tpu.memory_space<vmem_shared>> -> memref<10240x16xf32, #tpu.memory_space<vmem_shared>>
        tpu.enqueue_indirect_dma source(%arg8 : memref<128x16xf32, #tpu.memory_space<vmem>>) target(%dma_start3A_67 : memref<10240x16xf32, #tpu.memory_space<vmem_shared>>) offsets(%dma_start3A_64 : memref<128xi32, #tpu.memory_space<vmem>>) semaphore(%run_scoped3A : memref<!tpu.dma_semaphore, #tpu.memory_space<semaphore_mem>>) {add = true}
        %dma_wait3A_68 = arith.constant 0 : i32
        %dma_wait3A_69 = tpu.memref_slice %arg7[%mul3A_36, %dma_wait3A_68] : memref<80x128xi32, #tpu.memory_space<vmem>> -> memref<1x128xi32, #tpu.memory_space<vmem>>
        %dma_wait3A_70 = tpu.memref_squeeze %dma_wait3A_69 : memref<1x128xi32, #tpu.memory_space<vmem>> -> memref<128xi32, #tpu.memory_space<vmem>>
        %dma_wait3A_71 = arith.constant 0 : i32
        %dma_wait3A_72 = arith.constant 0 : i32
        %dma_wait3A_73 = tpu.memref_slice %arg10[%dma_wait3A_71, %dma_wait3A_72] : memref<10240x16xf32, #tpu.memory_space<vmem_shared>> -> memref<10240x16xf32, #tpu.memory_space<vmem_shared>>
        tpu.wait_indirect_dma semaphore(%run_scoped3A : memref<!tpu.dma_semaphore, #tpu.memory_space<semaphore_mem>>) src(%arg8 : memref<128x16xf32, #tpu.memory_space<vmem>>) dst(%dma_wait3A_73 : memref<10240x16xf32, #tpu.memory_space<vmem_shared>>)
        tpu.yield
      }) : () -> ()
      %lt3A = arith.constant 39 : i32
      %lt3A_50 = arith.cmpi slt, %scan3A_34, %lt3A : i32
      %convert_element_type3A = arith.extui %lt3A_50 : i1 to i32
      %cond3A = arith.constant 0 : i32
      %cond3A_51 = arith.cmpi ne, %convert_element_type3A, %cond3A : i32
      scf.if %cond3A_51 {
        %add3A_62 = arith.constant 2 : i32
        %add3A_63 = arith.addi %mul3A_36, %add3A_62 : i32
        %dma_start3A_64 = arith.constant 0 : i32
        %dma_start3A_65 = tpu.memref_slice %arg6[%add3A_63, %dma_start3A_64] : memref<80x128xi32, #tpu.memory_space<vmem>> -> memref<1x128xi32, #tpu.memory_space<vmem>>
        %dma_start3A_66 = tpu.memref_squeeze %dma_start3A_65 : memref<1x128xi32, #tpu.memory_space<vmem>> -> memref<128xi32, #tpu.memory_space<vmem>>
        %dma_start3A_67 = arith.constant 0 : i32
        %dma_start3A_68 = arith.constant 0 : i32
        %dma_start3A_69 = tpu.memref_slice %arg2[%dma_start3A_67, %dma_start3A_68] : memref<10240x16xf32, #tpu.memory_space<hbm>> -> memref<10240x16xf32, #tpu.memory_space<hbm>>
        tpu.enqueue_indirect_dma source(%dma_start3A_69 : memref<10240x16xf32, #tpu.memory_space<hbm>>) target(%arg8 : memref<128x16xf32, #tpu.memory_space<vmem>>) offsets(%dma_start3A_66 : memref<128xi32, #tpu.memory_space<vmem>>) semaphore(%arg11 : memref<!tpu.dma_semaphore, #tpu.memory_space<semaphore_mem>>)
      } else {
      }
      %add3A_52 = arith.constant 1 : i32
      %add3A_53 = arith.addi %mul3A_36, %add3A_52 : i32
      %dma_wait3A_54 = arith.constant 0 : i32
      %dma_wait3A_55 = tpu.memref_slice %arg6[%add3A_53, %dma_wait3A_54] : memref<80x128xi32, #tpu.memory_space<vmem>> -> memref<1x128xi32, #tpu.memory_space<vmem>>
      %dma_wait3A_56 = tpu.memref_squeeze %dma_wait3A_55 : memref<1x128xi32, #tpu.memory_space<vmem>> -> memref<128xi32, #tpu.memory_space<vmem>>
      %dma_wait3A_57 = arith.constant 0 : i32
      %dma_wait3A_58 = arith.constant 0 : i32
      %dma_wait3A_59 = tpu.memref_slice %arg2[%dma_wait3A_57, %dma_wait3A_58] : memref<10240x16xf32, #tpu.memory_space<hbm>> -> memref<10240x16xf32, #tpu.memory_space<hbm>>
      tpu.wait_indirect_dma semaphore(%arg12 : memref<!tpu.dma_semaphore, #tpu.memory_space<semaphore_mem>>) src(%dma_wait3A_59 : memref<10240x16xf32, #tpu.memory_space<hbm>>) dst(%arg9 : memref<128x16xf32, #tpu.memory_space<vmem>>)
      %add3A_60 = arith.constant 1 : i32
      %add3A_61 = arith.addi %mul3A_36, %add3A_60 : i32
      "tpu.region"() ({
        %run_scoped3A = tpu.sem_alloc : memref<!tpu.dma_semaphore, #tpu.memory_space<semaphore_mem>>
        %dma_start3A_62 = arith.constant 0 : i32
        %dma_start3A_63 = tpu.memref_slice %arg7[%add3A_61, %dma_start3A_62] : memref<80x128xi32, #tpu.memory_space<vmem>> -> memref<1x128xi32, #tpu.memory_space<vmem>>
        %dma_start3A_64 = tpu.memref_squeeze %dma_start3A_63 : memref<1x128xi32, #tpu.memory_space<vmem>> -> memref<128xi32, #tpu.memory_space<vmem>>
        %dma_start3A_65 = arith.constant 0 : i32
        %dma_start3A_66 = arith.constant 0 : i32
        %dma_start3A_67 = tpu.memref_slice %arg10[%dma_start3A_65, %dma_start3A_66] : memref<10240x16xf32, #tpu.memory_space<vmem_shared>> -> memref<10240x16xf32, #tpu.memory_space<vmem_shared>>
        tpu.enqueue_indirect_dma source(%arg9 : memref<128x16xf32, #tpu.memory_space<vmem>>) target(%dma_start3A_67 : memref<10240x16xf32, #tpu.memory_space<vmem_shared>>) offsets(%dma_start3A_64 : memref<128xi32, #tpu.memory_space<vmem>>) semaphore(%run_scoped3A : memref<!tpu.dma_semaphore, #tpu.memory_space<semaphore_mem>>) {add = true}
        %dma_wait3A_68 = arith.constant 0 : i32
        %dma_wait3A_69 = tpu.memref_slice %arg7[%add3A_61, %dma_wait3A_68] : memref<80x128xi32, #tpu.memory_space<vmem>> -> memref<1x128xi32, #tpu.memory_space<vmem>>
        %dma_wait3A_70 = tpu.memref_squeeze %dma_wait3A_69 : memref<1x128xi32, #tpu.memory_space<vmem>> -> memref<128xi32, #tpu.memory_space<vmem>>
        %dma_wait3A_71 = arith.constant 0 : i32
        %dma_wait3A_72 = arith.constant 0 : i32
        %dma_wait3A_73 = tpu.memref_slice %arg10[%dma_wait3A_71, %dma_wait3A_72] : memref<10240x16xf32, #tpu.memory_space<vmem_shared>> -> memref<10240x16xf32, #tpu.memory_space<vmem_shared>>
        tpu.wait_indirect_dma semaphore(%run_scoped3A : memref<!tpu.dma_semaphore, #tpu.memory_space<semaphore_mem>>) src(%arg9 : memref<128x16xf32, #tpu.memory_space<vmem>>) dst(%dma_wait3A_73 : memref<10240x16xf32, #tpu.memory_space<vmem_shared>>)
        tpu.yield
      }) : () -> ()
    }
    %scan3A_29 = arith.constant 40 : i32
    %barrier3A_30 = arith.constant 0 : index
    tpu.barrier barrier_id(%barrier3A_30)
    %mul3A_31 = arith.constant 10240 : i32
    %mul3A_32 = arith.muli %arg0, %mul3A_31 : i32
    %add3A_33 = arith.addi %mul3A_32, %mul3A_7 : i32
    "tpu.region"() ({
      %run_scoped3A = tpu.sem_alloc : memref<!tpu.dma_semaphore, #tpu.memory_space<semaphore_mem>>
      %dma_start3A_34 = arith.constant 0 : i32
      %dma_start3A_35 = tpu.memref_slice %arg5[%add3A_33, %dma_start3A_34] : memref<20480x16xf32, #tpu.memory_space<hbm>> -> memref<640x16xf32, #tpu.memory_space<hbm>>
      %dma_start3A_36 = arith.constant 0 : i32
      %dma_start3A_37 = tpu.memref_slice %arg10[%mul3A_7, %dma_start3A_36] : memref<10240x16xf32, #tpu.memory_space<vmem_shared>> -> memref<640x16xf32, #tpu.memory_space<vmem_shared>>
      tpu.enqueue_dma source(%dma_start3A_37 : memref<640x16xf32, #tpu.memory_space<vmem_shared>>) target(%dma_start3A_35 : memref<640x16xf32, #tpu.memory_space<hbm>>) target_semaphore(%run_scoped3A : memref<!tpu.dma_semaphore, #tpu.memory_space<semaphore_mem>>)
      %dma_wait3A = arith.constant 0 : i32
      %dma_wait3A_38 = tpu.memref_slice %arg5[%add3A_33, %dma_wait3A] : memref<20480x16xf32, #tpu.memory_space<hbm>> -> memref<640x16xf32, #tpu.memory_space<hbm>>
      %dma_wait3A_39 = arith.constant 0 : i32
      %dma_wait3A_40 = tpu.memref_slice %arg10[%mul3A_7, %dma_wait3A_39] : memref<10240x16xf32, #tpu.memory_space<vmem_shared>> -> memref<640x16xf32, #tpu.memory_space<vmem_shared>>
      tpu.wait_dma2 semaphore(%run_scoped3A : memref<!tpu.dma_semaphore, #tpu.memory_space<semaphore_mem>>) src(%dma_wait3A_40 : memref<640x16xf32, #tpu.memory_space<vmem_shared>>) dst(%dma_wait3A_38 : memref<640x16xf32, #tpu.memory_space<hbm>>)
      tpu.yield
    }) : () -> ()
    return
  }
}

#map = affine_map<(d0, d1) -> (0, 0)>
#map1 = affine_map<(d0, d1) -> (0, 0, 0)>
module attributes {stable_mosaic.version = 14 : i64} {
  func.func @_agg_body(%arg0: i32, %arg1: i32, %arg2: memref<20480x64xf32, #tpu.memory_space<hbm>>, %arg3: memref<32x210x96xi32, #tpu.memory_space<hbm>>, %arg4: memref<32x210x96xi32, #tpu.memory_space<hbm>>, %arg5: memref<20480x64xf32, #tpu.memory_space<hbm>>, %arg6: memref<210x96xi32, #tpu.memory_space<vmem>>, %arg7: memref<210x96xi32, #tpu.memory_space<vmem>>, %arg8: memref<96x64xf32, #tpu.memory_space<vmem>>, %arg9: memref<96x64xf32, #tpu.memory_space<vmem>>, %arg10: memref<10240x64xf32, #tpu.memory_space<vmem_shared>>, %arg11: memref<!tpu.dma_semaphore, #tpu.memory_space<semaphore_mem>>, %arg12: memref<!tpu.dma_semaphore, #tpu.memory_space<semaphore_mem>>) attributes {dimension_semantics = [#tpu.dimension_semantics<core_parallel>, #tpu.dimension_semantics<subcore_parallel>], iteration_bounds = array<i64: 2, 16>, scalar_prefetch = 0 : i64, scratch_operands = 7 : i64, tpu.core_type = #tpu.core_type<sc_vector_subcore>, window_params = [{transform_indices = #map}, {transform_indices = #map1}, {transform_indices = #map1}, {transform_indices = #map}]} {
    %mul3A = arith.constant 16 : i32
    %mul3A_0 = arith.muli %arg0, %mul3A : i32
    %add3A = arith.addi %mul3A_0, %arg1 : i32
    "tpu.region"() ({
      %run_scoped3A = tpu.sem_alloc : memref<!tpu.dma_semaphore, #tpu.memory_space<semaphore_mem>>
      %dma_start3A_38 = arith.constant 0 : i32
      %dma_start3A_39 = arith.constant 0 : i32
      %dma_start3A_40 = tpu.memref_slice %arg3[%add3A, %dma_start3A_38, %dma_start3A_39] : memref<32x210x96xi32, #tpu.memory_space<hbm>> -> memref<1x210x96xi32, #tpu.memory_space<hbm>>
      %dma_start3A_41 = tpu.memref_squeeze %dma_start3A_40 : memref<1x210x96xi32, #tpu.memory_space<hbm>> -> memref<210x96xi32, #tpu.memory_space<hbm>>
      %dma_start3A_42 = arith.constant 0 : i32
      %dma_start3A_43 = arith.constant 0 : i32
      %dma_start3A_44 = tpu.memref_slice %arg3[%add3A, %dma_start3A_42, %dma_start3A_43] : memref<32x210x96xi32, #tpu.memory_space<hbm>> -> memref<1x210x96xi32, #tpu.memory_space<hbm>>
      %dma_start3A_45 = tpu.memref_squeeze %dma_start3A_44 : memref<1x210x96xi32, #tpu.memory_space<hbm>> -> memref<210x96xi32, #tpu.memory_space<hbm>>
      tpu.enqueue_dma source(%dma_start3A_45 : memref<210x96xi32, #tpu.memory_space<hbm>>) target(%arg6 : memref<210x96xi32, #tpu.memory_space<vmem>>) target_semaphore(%run_scoped3A : memref<!tpu.dma_semaphore, #tpu.memory_space<semaphore_mem>>)
      %dma_wait3A = arith.constant 0 : i32
      %dma_wait3A_46 = arith.constant 0 : i32
      %dma_wait3A_47 = tpu.memref_slice %arg3[%add3A, %dma_wait3A, %dma_wait3A_46] : memref<32x210x96xi32, #tpu.memory_space<hbm>> -> memref<1x210x96xi32, #tpu.memory_space<hbm>>
      %dma_wait3A_48 = tpu.memref_squeeze %dma_wait3A_47 : memref<1x210x96xi32, #tpu.memory_space<hbm>> -> memref<210x96xi32, #tpu.memory_space<hbm>>
      %dma_wait3A_49 = arith.constant 0 : i32
      %dma_wait3A_50 = arith.constant 0 : i32
      %dma_wait3A_51 = tpu.memref_slice %arg3[%add3A, %dma_wait3A_49, %dma_wait3A_50] : memref<32x210x96xi32, #tpu.memory_space<hbm>> -> memref<1x210x96xi32, #tpu.memory_space<hbm>>
      %dma_wait3A_52 = tpu.memref_squeeze %dma_wait3A_51 : memref<1x210x96xi32, #tpu.memory_space<hbm>> -> memref<210x96xi32, #tpu.memory_space<hbm>>
      tpu.wait_dma2 semaphore(%run_scoped3A : memref<!tpu.dma_semaphore, #tpu.memory_space<semaphore_mem>>) src(%dma_wait3A_52 : memref<210x96xi32, #tpu.memory_space<hbm>>) dst(%arg6 : memref<210x96xi32, #tpu.memory_space<vmem>>)
      tpu.yield
    }) : () -> ()
    "tpu.region"() ({
      %run_scoped3A = tpu.sem_alloc : memref<!tpu.dma_semaphore, #tpu.memory_space<semaphore_mem>>
      %dma_start3A_38 = arith.constant 0 : i32
      %dma_start3A_39 = arith.constant 0 : i32
      %dma_start3A_40 = tpu.memref_slice %arg4[%add3A, %dma_start3A_38, %dma_start3A_39] : memref<32x210x96xi32, #tpu.memory_space<hbm>> -> memref<1x210x96xi32, #tpu.memory_space<hbm>>
      %dma_start3A_41 = tpu.memref_squeeze %dma_start3A_40 : memref<1x210x96xi32, #tpu.memory_space<hbm>> -> memref<210x96xi32, #tpu.memory_space<hbm>>
      %dma_start3A_42 = arith.constant 0 : i32
      %dma_start3A_43 = arith.constant 0 : i32
      %dma_start3A_44 = tpu.memref_slice %arg4[%add3A, %dma_start3A_42, %dma_start3A_43] : memref<32x210x96xi32, #tpu.memory_space<hbm>> -> memref<1x210x96xi32, #tpu.memory_space<hbm>>
      %dma_start3A_45 = tpu.memref_squeeze %dma_start3A_44 : memref<1x210x96xi32, #tpu.memory_space<hbm>> -> memref<210x96xi32, #tpu.memory_space<hbm>>
      tpu.enqueue_dma source(%dma_start3A_45 : memref<210x96xi32, #tpu.memory_space<hbm>>) target(%arg7 : memref<210x96xi32, #tpu.memory_space<vmem>>) target_semaphore(%run_scoped3A : memref<!tpu.dma_semaphore, #tpu.memory_space<semaphore_mem>>)
      %dma_wait3A = arith.constant 0 : i32
      %dma_wait3A_46 = arith.constant 0 : i32
      %dma_wait3A_47 = tpu.memref_slice %arg4[%add3A, %dma_wait3A, %dma_wait3A_46] : memref<32x210x96xi32, #tpu.memory_space<hbm>> -> memref<1x210x96xi32, #tpu.memory_space<hbm>>
      %dma_wait3A_48 = tpu.memref_squeeze %dma_wait3A_47 : memref<1x210x96xi32, #tpu.memory_space<hbm>> -> memref<210x96xi32, #tpu.memory_space<hbm>>
      %dma_wait3A_49 = arith.constant 0 : i32
      %dma_wait3A_50 = arith.constant 0 : i32
      %dma_wait3A_51 = tpu.memref_slice %arg4[%add3A, %dma_wait3A_49, %dma_wait3A_50] : memref<32x210x96xi32, #tpu.memory_space<hbm>> -> memref<1x210x96xi32, #tpu.memory_space<hbm>>
      %dma_wait3A_52 = tpu.memref_squeeze %dma_wait3A_51 : memref<1x210x96xi32, #tpu.memory_space<hbm>> -> memref<210x96xi32, #tpu.memory_space<hbm>>
      tpu.wait_dma2 semaphore(%run_scoped3A : memref<!tpu.dma_semaphore, #tpu.memory_space<semaphore_mem>>) src(%dma_wait3A_52 : memref<210x96xi32, #tpu.memory_space<hbm>>) dst(%arg7 : memref<210x96xi32, #tpu.memory_space<vmem>>)
      tpu.yield
    }) : () -> ()
    %scan3A = arith.constant 0 : i32
    %scan3A_1 = arith.constant 0 : i32
    %scan3A_2 = arith.constant 96 : i32
    %scan3A_3 = arith.addi %scan3A_1, %scan3A_2 : i32
    %scan3A_4 = arith.constant 1 : i32
    scf.for %scan3A_38 = %scan3A_1 to %scan3A_3 step %scan3A_4  : i32 {
      %scan3A_39 = arith.constant 0 : i32
      %scan3A_40 = arith.constant 4 : i32
      %scan3A_41 = arith.addi %scan3A_39, %scan3A_40 : i32
      %scan3A_42 = arith.constant 1 : i32
      scf.for %scan3A_44 = %scan3A_39 to %scan3A_41 step %scan3A_42  : i32 {
        %broadcast_in_dim3A = arith.constant 0.000000e+00 : f32
        %broadcast_in_dim3A_45 = vector.broadcast %broadcast_in_dim3A : f32 to vector<16xf32>
        %mul3A_46 = arith.constant 16 : i32
        %mul3A_47 = arith.muli %scan3A_44, %mul3A_46 : i32
        %swap3A = arith.index_cast %scan3A_38 : i32 to index
        %swap3A_48 = arith.index_cast %mul3A_47 : i32 to index
        %swap3A_49 = tpu.vector_load %arg8[%swap3A, %swap3A_48] {strides = array<i32>} : memref<96x64xf32, #tpu.memory_space<vmem>>, vector<1x16xf32>,
        %swap3A_50 = vector.shape_cast %swap3A_49 : vector<1x16xf32> to vector<16xf32>
        %swap3A_51 = vector.shape_cast %broadcast_in_dim3A_45 : vector<16xf32> to vector<1x16xf32>
        tpu.vector_store %arg8[%swap3A, %swap3A_48], %swap3A_51 {strides = array<i32>} : memref<96x64xf32, #tpu.memory_space<vmem>>, vector<1x16xf32>,
      }
      %scan3A_43 = arith.constant 4 : i32
    }
    %scan3A_5 = arith.constant 96 : i32
    %mul3A_6 = arith.constant 640 : i32
    %mul3A_7 = arith.muli %arg1, %mul3A_6 : i32
    %add3A_8 = arith.constant 0 : i32
    %add3A_9 = arith.addi %mul3A_7, %add3A_8 : i32
    "tpu.region"() ({
      %run_scoped3A = tpu.sem_alloc : memref<!tpu.dma_semaphore, #tpu.memory_space<semaphore_mem>>
      %dma_start3A_38 = arith.constant 0 : i32
      %dma_start3A_39 = tpu.memref_slice %arg10[%add3A_9, %dma_start3A_38] : memref<10240x64xf32, #tpu.memory_space<vmem_shared>> -> memref<96x64xf32, #tpu.memory_space<vmem_shared>>
      %dma_start3A_40 = arith.constant 0 : i32
      %dma_start3A_41 = tpu.memref_slice %arg10[%add3A_9, %dma_start3A_40] : memref<10240x64xf32, #tpu.memory_space<vmem_shared>> -> memref<96x64xf32, #tpu.memory_space<vmem_shared>>
      tpu.enqueue_dma source(%arg8 : memref<96x64xf32, #tpu.memory_space<vmem>>) target(%dma_start3A_41 : memref<96x64xf32, #tpu.memory_space<vmem_shared>>) target_semaphore(%run_scoped3A : memref<!tpu.dma_semaphore, #tpu.memory_space<semaphore_mem>>)
      %dma_wait3A = arith.constant 0 : i32
      %dma_wait3A_42 = tpu.memref_slice %arg10[%add3A_9, %dma_wait3A] : memref<10240x64xf32, #tpu.memory_space<vmem_shared>> -> memref<96x64xf32, #tpu.memory_space<vmem_shared>>
      %dma_wait3A_43 = arith.constant 0 : i32
      %dma_wait3A_44 = tpu.memref_slice %arg10[%add3A_9, %dma_wait3A_43] : memref<10240x64xf32, #tpu.memory_space<vmem_shared>> -> memref<96x64xf32, #tpu.memory_space<vmem_shared>>
      tpu.wait_dma2 semaphore(%run_scoped3A : memref<!tpu.dma_semaphore, #tpu.memory_space<semaphore_mem>>) src(%arg8 : memref<96x64xf32, #tpu.memory_space<vmem>>) dst(%dma_wait3A_44 : memref<96x64xf32, #tpu.memory_space<vmem_shared>>)
      tpu.yield
    }) : () -> ()
    %add3A_10 = arith.constant 96 : i32
    %add3A_11 = arith.addi %mul3A_7, %add3A_10 : i32
    "tpu.region"() ({
      %run_scoped3A = tpu.sem_alloc : memref<!tpu.dma_semaphore, #tpu.memory_space<semaphore_mem>>
      %dma_start3A_38 = arith.constant 0 : i32
      %dma_start3A_39 = tpu.memref_slice %arg10[%add3A_11, %dma_start3A_38] : memref<10240x64xf32, #tpu.memory_space<vmem_shared>> -> memref<96x64xf32, #tpu.memory_space<vmem_shared>>
      %dma_start3A_40 = arith.constant 0 : i32
      %dma_start3A_41 = tpu.memref_slice %arg10[%add3A_11, %dma_start3A_40] : memref<10240x64xf32, #tpu.memory_space<vmem_shared>> -> memref<96x64xf32, #tpu.memory_space<vmem_shared>>
      tpu.enqueue_dma source(%arg8 : memref<96x64xf32, #tpu.memory_space<vmem>>) target(%dma_start3A_41 : memref<96x64xf32, #tpu.memory_space<vmem_shared>>) target_semaphore(%run_scoped3A : memref<!tpu.dma_semaphore, #tpu.memory_space<semaphore_mem>>)
      %dma_wait3A = arith.constant 0 : i32
      %dma_wait3A_42 = tpu.memref_slice %arg10[%add3A_11, %dma_wait3A] : memref<10240x64xf32, #tpu.memory_space<vmem_shared>> -> memref<96x64xf32, #tpu.memory_space<vmem_shared>>
      %dma_wait3A_43 = arith.constant 0 : i32
      %dma_wait3A_44 = tpu.memref_slice %arg10[%add3A_11, %dma_wait3A_43] : memref<10240x64xf32, #tpu.memory_space<vmem_shared>> -> memref<96x64xf32, #tpu.memory_space<vmem_shared>>
      tpu.wait_dma2 semaphore(%run_scoped3A : memref<!tpu.dma_semaphore, #tpu.memory_space<semaphore_mem>>) src(%arg8 : memref<96x64xf32, #tpu.memory_space<vmem>>) dst(%dma_wait3A_44 : memref<96x64xf32, #tpu.memory_space<vmem_shared>>)
      tpu.yield
    }) : () -> ()
    %add3A_12 = arith.constant 192 : i32
    %add3A_13 = arith.addi %mul3A_7, %add3A_12 : i32
    "tpu.region"() ({
      %run_scoped3A = tpu.sem_alloc : memref<!tpu.dma_semaphore, #tpu.memory_space<semaphore_mem>>
      %dma_start3A_38 = arith.constant 0 : i32
      %dma_start3A_39 = tpu.memref_slice %arg10[%add3A_13, %dma_start3A_38] : memref<10240x64xf32, #tpu.memory_space<vmem_shared>> -> memref<96x64xf32, #tpu.memory_space<vmem_shared>>
      %dma_start3A_40 = arith.constant 0 : i32
      %dma_start3A_41 = tpu.memref_slice %arg10[%add3A_13, %dma_start3A_40] : memref<10240x64xf32, #tpu.memory_space<vmem_shared>> -> memref<96x64xf32, #tpu.memory_space<vmem_shared>>
      tpu.enqueue_dma source(%arg8 : memref<96x64xf32, #tpu.memory_space<vmem>>) target(%dma_start3A_41 : memref<96x64xf32, #tpu.memory_space<vmem_shared>>) target_semaphore(%run_scoped3A : memref<!tpu.dma_semaphore, #tpu.memory_space<semaphore_mem>>)
      %dma_wait3A = arith.constant 0 : i32
      %dma_wait3A_42 = tpu.memref_slice %arg10[%add3A_13, %dma_wait3A] : memref<10240x64xf32, #tpu.memory_space<vmem_shared>> -> memref<96x64xf32, #tpu.memory_space<vmem_shared>>
      %dma_wait3A_43 = arith.constant 0 : i32
      %dma_wait3A_44 = tpu.memref_slice %arg10[%add3A_13, %dma_wait3A_43] : memref<10240x64xf32, #tpu.memory_space<vmem_shared>> -> memref<96x64xf32, #tpu.memory_space<vmem_shared>>
      tpu.wait_dma2 semaphore(%run_scoped3A : memref<!tpu.dma_semaphore, #tpu.memory_space<semaphore_mem>>) src(%arg8 : memref<96x64xf32, #tpu.memory_space<vmem>>) dst(%dma_wait3A_44 : memref<96x64xf32, #tpu.memory_space<vmem_shared>>)
      tpu.yield
    }) : () -> ()
    %add3A_14 = arith.constant 288 : i32
    %add3A_15 = arith.addi %mul3A_7, %add3A_14 : i32
    "tpu.region"() ({
      %run_scoped3A = tpu.sem_alloc : memref<!tpu.dma_semaphore, #tpu.memory_space<semaphore_mem>>
      %dma_start3A_38 = arith.constant 0 : i32
      %dma_start3A_39 = tpu.memref_slice %arg10[%add3A_15, %dma_start3A_38] : memref<10240x64xf32, #tpu.memory_space<vmem_shared>> -> memref<96x64xf32, #tpu.memory_space<vmem_shared>>
      %dma_start3A_40 = arith.constant 0 : i32
      %dma_start3A_41 = tpu.memref_slice %arg10[%add3A_15, %dma_start3A_40] : memref<10240x64xf32, #tpu.memory_space<vmem_shared>> -> memref<96x64xf32, #tpu.memory_space<vmem_shared>>
      tpu.enqueue_dma source(%arg8 : memref<96x64xf32, #tpu.memory_space<vmem>>) target(%dma_start3A_41 : memref<96x64xf32, #tpu.memory_space<vmem_shared>>) target_semaphore(%run_scoped3A : memref<!tpu.dma_semaphore, #tpu.memory_space<semaphore_mem>>)
      %dma_wait3A = arith.constant 0 : i32
      %dma_wait3A_42 = tpu.memref_slice %arg10[%add3A_15, %dma_wait3A] : memref<10240x64xf32, #tpu.memory_space<vmem_shared>> -> memref<96x64xf32, #tpu.memory_space<vmem_shared>>
      %dma_wait3A_43 = arith.constant 0 : i32
      %dma_wait3A_44 = tpu.memref_slice %arg10[%add3A_15, %dma_wait3A_43] : memref<10240x64xf32, #tpu.memory_space<vmem_shared>> -> memref<96x64xf32, #tpu.memory_space<vmem_shared>>
      tpu.wait_dma2 semaphore(%run_scoped3A : memref<!tpu.dma_semaphore, #tpu.memory_space<semaphore_mem>>) src(%arg8 : memref<96x64xf32, #tpu.memory_space<vmem>>) dst(%dma_wait3A_44 : memref<96x64xf32, #tpu.memory_space<vmem_shared>>)
      tpu.yield
    }) : () -> ()
    %add3A_16 = arith.constant 384 : i32
    %add3A_17 = arith.addi %mul3A_7, %add3A_16 : i32
    "tpu.region"() ({
      %run_scoped3A = tpu.sem_alloc : memref<!tpu.dma_semaphore, #tpu.memory_space<semaphore_mem>>
      %dma_start3A_38 = arith.constant 0 : i32
      %dma_start3A_39 = tpu.memref_slice %arg10[%add3A_17, %dma_start3A_38] : memref<10240x64xf32, #tpu.memory_space<vmem_shared>> -> memref<96x64xf32, #tpu.memory_space<vmem_shared>>
      %dma_start3A_40 = arith.constant 0 : i32
      %dma_start3A_41 = tpu.memref_slice %arg10[%add3A_17, %dma_start3A_40] : memref<10240x64xf32, #tpu.memory_space<vmem_shared>> -> memref<96x64xf32, #tpu.memory_space<vmem_shared>>
      tpu.enqueue_dma source(%arg8 : memref<96x64xf32, #tpu.memory_space<vmem>>) target(%dma_start3A_41 : memref<96x64xf32, #tpu.memory_space<vmem_shared>>) target_semaphore(%run_scoped3A : memref<!tpu.dma_semaphore, #tpu.memory_space<semaphore_mem>>)
      %dma_wait3A = arith.constant 0 : i32
      %dma_wait3A_42 = tpu.memref_slice %arg10[%add3A_17, %dma_wait3A] : memref<10240x64xf32, #tpu.memory_space<vmem_shared>> -> memref<96x64xf32, #tpu.memory_space<vmem_shared>>
      %dma_wait3A_43 = arith.constant 0 : i32
      %dma_wait3A_44 = tpu.memref_slice %arg10[%add3A_17, %dma_wait3A_43] : memref<10240x64xf32, #tpu.memory_space<vmem_shared>> -> memref<96x64xf32, #tpu.memory_space<vmem_shared>>
      tpu.wait_dma2 semaphore(%run_scoped3A : memref<!tpu.dma_semaphore, #tpu.memory_space<semaphore_mem>>) src(%arg8 : memref<96x64xf32, #tpu.memory_space<vmem>>) dst(%dma_wait3A_44 : memref<96x64xf32, #tpu.memory_space<vmem_shared>>)
      tpu.yield
    }) : () -> ()
    %add3A_18 = arith.constant 480 : i32
    %add3A_19 = arith.addi %mul3A_7, %add3A_18 : i32
    "tpu.region"() ({
      %run_scoped3A = tpu.sem_alloc : memref<!tpu.dma_semaphore, #tpu.memory_space<semaphore_mem>>
      %dma_start3A_38 = arith.constant 0 : i32
      %dma_start3A_39 = tpu.memref_slice %arg10[%add3A_19, %dma_start3A_38] : memref<10240x64xf32, #tpu.memory_space<vmem_shared>> -> memref<96x64xf32, #tpu.memory_space<vmem_shared>>
      %dma_start3A_40 = arith.constant 0 : i32
      %dma_start3A_41 = tpu.memref_slice %arg10[%add3A_19, %dma_start3A_40] : memref<10240x64xf32, #tpu.memory_space<vmem_shared>> -> memref<96x64xf32, #tpu.memory_space<vmem_shared>>
      tpu.enqueue_dma source(%arg8 : memref<96x64xf32, #tpu.memory_space<vmem>>) target(%dma_start3A_41 : memref<96x64xf32, #tpu.memory_space<vmem_shared>>) target_semaphore(%run_scoped3A : memref<!tpu.dma_semaphore, #tpu.memory_space<semaphore_mem>>)
      %dma_wait3A = arith.constant 0 : i32
      %dma_wait3A_42 = tpu.memref_slice %arg10[%add3A_19, %dma_wait3A] : memref<10240x64xf32, #tpu.memory_space<vmem_shared>> -> memref<96x64xf32, #tpu.memory_space<vmem_shared>>
      %dma_wait3A_43 = arith.constant 0 : i32
      %dma_wait3A_44 = tpu.memref_slice %arg10[%add3A_19, %dma_wait3A_43] : memref<10240x64xf32, #tpu.memory_space<vmem_shared>> -> memref<96x64xf32, #tpu.memory_space<vmem_shared>>
      tpu.wait_dma2 semaphore(%run_scoped3A : memref<!tpu.dma_semaphore, #tpu.memory_space<semaphore_mem>>) src(%arg8 : memref<96x64xf32, #tpu.memory_space<vmem>>) dst(%dma_wait3A_44 : memref<96x64xf32, #tpu.memory_space<vmem_shared>>)
      tpu.yield
    }) : () -> ()
    %add3A_20 = arith.constant 576 : i32
    %add3A_21 = arith.addi %mul3A_7, %add3A_20 : i32
    "tpu.region"() ({
      %run_scoped3A = tpu.sem_alloc : memref<!tpu.dma_semaphore, #tpu.memory_space<semaphore_mem>>
      %dma_start3A_38 = arith.constant 0 : i32
      %dma_start3A_39 = arith.constant 0 : i32
      %dma_start3A_40 = tpu.memref_slice %arg8[%dma_start3A_38, %dma_start3A_39] : memref<96x64xf32, #tpu.memory_space<vmem>> -> memref<64x64xf32, #tpu.memory_space<vmem>>
      %dma_start3A_41 = arith.constant 0 : i32
      %dma_start3A_42 = tpu.memref_slice %arg10[%add3A_21, %dma_start3A_41] : memref<10240x64xf32, #tpu.memory_space<vmem_shared>> -> memref<64x64xf32, #tpu.memory_space<vmem_shared>>
      %dma_start3A_43 = arith.constant 0 : i32
      %dma_start3A_44 = tpu.memref_slice %arg10[%add3A_21, %dma_start3A_43] : memref<10240x64xf32, #tpu.memory_space<vmem_shared>> -> memref<64x64xf32, #tpu.memory_space<vmem_shared>>
      %dma_start3A_45 = arith.constant 0 : i32
      %dma_start3A_46 = arith.constant 0 : i32
      %dma_start3A_47 = tpu.memref_slice %arg8[%dma_start3A_45, %dma_start3A_46] : memref<96x64xf32, #tpu.memory_space<vmem>> -> memref<64x64xf32, #tpu.memory_space<vmem>>
      tpu.enqueue_dma source(%dma_start3A_47 : memref<64x64xf32, #tpu.memory_space<vmem>>) target(%dma_start3A_44 : memref<64x64xf32, #tpu.memory_space<vmem_shared>>) target_semaphore(%run_scoped3A : memref<!tpu.dma_semaphore, #tpu.memory_space<semaphore_mem>>)
      %dma_wait3A = arith.constant 0 : i32
      %dma_wait3A_48 = arith.constant 0 : i32
      %dma_wait3A_49 = tpu.memref_slice %arg8[%dma_wait3A, %dma_wait3A_48] : memref<96x64xf32, #tpu.memory_space<vmem>> -> memref<64x64xf32, #tpu.memory_space<vmem>>
      %dma_wait3A_50 = arith.constant 0 : i32
      %dma_wait3A_51 = tpu.memref_slice %arg10[%add3A_21, %dma_wait3A_50] : memref<10240x64xf32, #tpu.memory_space<vmem_shared>> -> memref<64x64xf32, #tpu.memory_space<vmem_shared>>
      %dma_wait3A_52 = arith.constant 0 : i32
      %dma_wait3A_53 = tpu.memref_slice %arg10[%add3A_21, %dma_wait3A_52] : memref<10240x64xf32, #tpu.memory_space<vmem_shared>> -> memref<64x64xf32, #tpu.memory_space<vmem_shared>>
      %dma_wait3A_54 = arith.constant 0 : i32
      %dma_wait3A_55 = arith.constant 0 : i32
      %dma_wait3A_56 = tpu.memref_slice %arg8[%dma_wait3A_54, %dma_wait3A_55] : memref<96x64xf32, #tpu.memory_space<vmem>> -> memref<64x64xf32, #tpu.memory_space<vmem>>
      tpu.wait_dma2 semaphore(%run_scoped3A : memref<!tpu.dma_semaphore, #tpu.memory_space<semaphore_mem>>) src(%dma_wait3A_56 : memref<64x64xf32, #tpu.memory_space<vmem>>) dst(%dma_wait3A_53 : memref<64x64xf32, #tpu.memory_space<vmem_shared>>)
      tpu.yield
    }) : () -> ()
    %barrier3A = arith.constant 0 : index
    tpu.barrier barrier_id(%barrier3A)
    %dma_start3A = arith.constant 0 : i32
    %dma_start3A_22 = arith.constant 0 : i32
    %dma_start3A_23 = tpu.memref_slice %arg6[%dma_start3A, %dma_start3A_22] : memref<210x96xi32, #tpu.memory_space<vmem>> -> memref<1x96xi32, #tpu.memory_space<vmem>>
    %dma_start3A_24 = tpu.memref_squeeze %dma_start3A_23 : memref<1x96xi32, #tpu.memory_space<vmem>> -> memref<96xi32, #tpu.memory_space<vmem>>
    %dma_start3A_25 = arith.constant 0 : i32
    %dma_start3A_26 = arith.constant 0 : i32
    %dma_start3A_27 = tpu.memref_slice %arg2[%dma_start3A_25, %dma_start3A_26] : memref<20480x64xf32, #tpu.memory_space<hbm>> -> memref<20480x64xf32, #tpu.memory_space<hbm>>
    tpu.enqueue_indirect_dma source(%dma_start3A_27 : memref<20480x64xf32, #tpu.memory_space<hbm>>) target(%arg8 : memref<96x64xf32, #tpu.memory_space<vmem>>) offsets(%dma_start3A_24 : memref<96xi32, #tpu.memory_space<vmem>>) semaphore(%arg11 : memref<!tpu.dma_semaphore, #tpu.memory_space<semaphore_mem>>)
    %scan3A_28 = arith.constant 0 : i32
    %scan3A_29 = arith.constant 0 : i32
    %scan3A_30 = arith.constant 105 : i32
    %scan3A_31 = arith.addi %scan3A_29, %scan3A_30 : i32
    %scan3A_32 = arith.constant 1 : i32
    scf.for %scan3A_38 = %scan3A_29 to %scan3A_31 step %scan3A_32  : i32 {
      %mul3A_39 = arith.constant 2 : i32
      %mul3A_40 = arith.muli %mul3A_39, %scan3A_38 : i32
      %add3A_41 = arith.constant 1 : i32
      %add3A_42 = arith.addi %mul3A_40, %add3A_41 : i32
      %dma_start3A_43 = arith.constant 0 : i32
      %dma_start3A_44 = tpu.memref_slice %arg6[%add3A_42, %dma_start3A_43] : memref<210x96xi32, #tpu.memory_space<vmem>> -> memref<1x96xi32, #tpu.memory_space<vmem>>
      %dma_start3A_45 = tpu.memref_squeeze %dma_start3A_44 : memref<1x96xi32, #tpu.memory_space<vmem>> -> memref<96xi32, #tpu.memory_space<vmem>>
      %dma_start3A_46 = arith.constant 0 : i32
      %dma_start3A_47 = arith.constant 0 : i32
      %dma_start3A_48 = tpu.memref_slice %arg2[%dma_start3A_46, %dma_start3A_47] : memref<20480x64xf32, #tpu.memory_space<hbm>> -> memref<20480x64xf32, #tpu.memory_space<hbm>>
      tpu.enqueue_indirect_dma source(%dma_start3A_48 : memref<20480x64xf32, #tpu.memory_space<hbm>>) target(%arg9 : memref<96x64xf32, #tpu.memory_space<vmem>>) offsets(%dma_start3A_45 : memref<96xi32, #tpu.memory_space<vmem>>) semaphore(%arg12 : memref<!tpu.dma_semaphore, #tpu.memory_space<semaphore_mem>>)
      %dma_wait3A = arith.constant 0 : i32
      %dma_wait3A_49 = tpu.memref_slice %arg6[%mul3A_40, %dma_wait3A] : memref<210x96xi32, #tpu.memory_space<vmem>> -> memref<1x96xi32, #tpu.memory_space<vmem>>
      %dma_wait3A_50 = tpu.memref_squeeze %dma_wait3A_49 : memref<1x96xi32, #tpu.memory_space<vmem>> -> memref<96xi32, #tpu.memory_space<vmem>>
      %dma_wait3A_51 = arith.constant 0 : i32
      %dma_wait3A_52 = arith.constant 0 : i32
      %dma_wait3A_53 = tpu.memref_slice %arg2[%dma_wait3A_51, %dma_wait3A_52] : memref<20480x64xf32, #tpu.memory_space<hbm>> -> memref<20480x64xf32, #tpu.memory_space<hbm>>
      tpu.wait_indirect_dma semaphore(%arg11 : memref<!tpu.dma_semaphore, #tpu.memory_space<semaphore_mem>>) src(%dma_wait3A_53 : memref<20480x64xf32, #tpu.memory_space<hbm>>) dst(%arg8 : memref<96x64xf32, #tpu.memory_space<vmem>>)
      "tpu.region"() ({
        %run_scoped3A = tpu.sem_alloc : memref<!tpu.dma_semaphore, #tpu.memory_space<semaphore_mem>>
        %dma_start3A_66 = arith.constant 0 : i32
        %dma_start3A_67 = tpu.memref_slice %arg7[%mul3A_40, %dma_start3A_66] : memref<210x96xi32, #tpu.memory_space<vmem>> -> memref<1x96xi32, #tpu.memory_space<vmem>>
        %dma_start3A_68 = tpu.memref_squeeze %dma_start3A_67 : memref<1x96xi32, #tpu.memory_space<vmem>> -> memref<96xi32, #tpu.memory_space<vmem>>
        %dma_start3A_69 = arith.constant 0 : i32
        %dma_start3A_70 = arith.constant 0 : i32
        %dma_start3A_71 = tpu.memref_slice %arg10[%dma_start3A_69, %dma_start3A_70] : memref<10240x64xf32, #tpu.memory_space<vmem_shared>> -> memref<10240x64xf32, #tpu.memory_space<vmem_shared>>
        tpu.enqueue_indirect_dma source(%arg8 : memref<96x64xf32, #tpu.memory_space<vmem>>) target(%dma_start3A_71 : memref<10240x64xf32, #tpu.memory_space<vmem_shared>>) offsets(%dma_start3A_68 : memref<96xi32, #tpu.memory_space<vmem>>) semaphore(%run_scoped3A : memref<!tpu.dma_semaphore, #tpu.memory_space<semaphore_mem>>) {add = true}
        %dma_wait3A_72 = arith.constant 0 : i32
        %dma_wait3A_73 = tpu.memref_slice %arg7[%mul3A_40, %dma_wait3A_72] : memref<210x96xi32, #tpu.memory_space<vmem>> -> memref<1x96xi32, #tpu.memory_space<vmem>>
        %dma_wait3A_74 = tpu.memref_squeeze %dma_wait3A_73 : memref<1x96xi32, #tpu.memory_space<vmem>> -> memref<96xi32, #tpu.memory_space<vmem>>
        %dma_wait3A_75 = arith.constant 0 : i32
        %dma_wait3A_76 = arith.constant 0 : i32
        %dma_wait3A_77 = tpu.memref_slice %arg10[%dma_wait3A_75, %dma_wait3A_76] : memref<10240x64xf32, #tpu.memory_space<vmem_shared>> -> memref<10240x64xf32, #tpu.memory_space<vmem_shared>>
        tpu.wait_indirect_dma semaphore(%run_scoped3A : memref<!tpu.dma_semaphore, #tpu.memory_space<semaphore_mem>>) src(%arg8 : memref<96x64xf32, #tpu.memory_space<vmem>>) dst(%dma_wait3A_77 : memref<10240x64xf32, #tpu.memory_space<vmem_shared>>)
        tpu.yield
      }) : () -> ()
      %lt3A = arith.constant 104 : i32
      %lt3A_54 = arith.cmpi slt, %scan3A_38, %lt3A : i32
      %convert_element_type3A = arith.extui %lt3A_54 : i1 to i32
      %cond3A = arith.constant 0 : i32
      %cond3A_55 = arith.cmpi ne, %convert_element_type3A, %cond3A : i32
      scf.if %cond3A_55 {
        %add3A_66 = arith.constant 2 : i32
        %add3A_67 = arith.addi %mul3A_40, %add3A_66 : i32
        %dma_start3A_68 = arith.constant 0 : i32
        %dma_start3A_69 = tpu.memref_slice %arg6[%add3A_67, %dma_start3A_68] : memref<210x96xi32, #tpu.memory_space<vmem>> -> memref<1x96xi32, #tpu.memory_space<vmem>>
        %dma_start3A_70 = tpu.memref_squeeze %dma_start3A_69 : memref<1x96xi32, #tpu.memory_space<vmem>> -> memref<96xi32, #tpu.memory_space<vmem>>
        %dma_start3A_71 = arith.constant 0 : i32
        %dma_start3A_72 = arith.constant 0 : i32
        %dma_start3A_73 = tpu.memref_slice %arg2[%dma_start3A_71, %dma_start3A_72] : memref<20480x64xf32, #tpu.memory_space<hbm>> -> memref<20480x64xf32, #tpu.memory_space<hbm>>
        tpu.enqueue_indirect_dma source(%dma_start3A_73 : memref<20480x64xf32, #tpu.memory_space<hbm>>) target(%arg8 : memref<96x64xf32, #tpu.memory_space<vmem>>) offsets(%dma_start3A_70 : memref<96xi32, #tpu.memory_space<vmem>>) semaphore(%arg11 : memref<!tpu.dma_semaphore, #tpu.memory_space<semaphore_mem>>)
      } else {
      }
      %add3A_56 = arith.constant 1 : i32
      %add3A_57 = arith.addi %mul3A_40, %add3A_56 : i32
      %dma_wait3A_58 = arith.constant 0 : i32
      %dma_wait3A_59 = tpu.memref_slice %arg6[%add3A_57, %dma_wait3A_58] : memref<210x96xi32, #tpu.memory_space<vmem>> -> memref<1x96xi32, #tpu.memory_space<vmem>>
      %dma_wait3A_60 = tpu.memref_squeeze %dma_wait3A_59 : memref<1x96xi32, #tpu.memory_space<vmem>> -> memref<96xi32, #tpu.memory_space<vmem>>
      %dma_wait3A_61 = arith.constant 0 : i32
      %dma_wait3A_62 = arith.constant 0 : i32
      %dma_wait3A_63 = tpu.memref_slice %arg2[%dma_wait3A_61, %dma_wait3A_62] : memref<20480x64xf32, #tpu.memory_space<hbm>> -> memref<20480x64xf32, #tpu.memory_space<hbm>>
      tpu.wait_indirect_dma semaphore(%arg12 : memref<!tpu.dma_semaphore, #tpu.memory_space<semaphore_mem>>) src(%dma_wait3A_63 : memref<20480x64xf32, #tpu.memory_space<hbm>>) dst(%arg9 : memref<96x64xf32, #tpu.memory_space<vmem>>)
      %add3A_64 = arith.constant 1 : i32
      %add3A_65 = arith.addi %mul3A_40, %add3A_64 : i32
      "tpu.region"() ({
        %run_scoped3A = tpu.sem_alloc : memref<!tpu.dma_semaphore, #tpu.memory_space<semaphore_mem>>
        %dma_start3A_66 = arith.constant 0 : i32
        %dma_start3A_67 = tpu.memref_slice %arg7[%add3A_65, %dma_start3A_66] : memref<210x96xi32, #tpu.memory_space<vmem>> -> memref<1x96xi32, #tpu.memory_space<vmem>>
        %dma_start3A_68 = tpu.memref_squeeze %dma_start3A_67 : memref<1x96xi32, #tpu.memory_space<vmem>> -> memref<96xi32, #tpu.memory_space<vmem>>
        %dma_start3A_69 = arith.constant 0 : i32
        %dma_start3A_70 = arith.constant 0 : i32
        %dma_start3A_71 = tpu.memref_slice %arg10[%dma_start3A_69, %dma_start3A_70] : memref<10240x64xf32, #tpu.memory_space<vmem_shared>> -> memref<10240x64xf32, #tpu.memory_space<vmem_shared>>
        tpu.enqueue_indirect_dma source(%arg9 : memref<96x64xf32, #tpu.memory_space<vmem>>) target(%dma_start3A_71 : memref<10240x64xf32, #tpu.memory_space<vmem_shared>>) offsets(%dma_start3A_68 : memref<96xi32, #tpu.memory_space<vmem>>) semaphore(%run_scoped3A : memref<!tpu.dma_semaphore, #tpu.memory_space<semaphore_mem>>) {add = true}
        %dma_wait3A_72 = arith.constant 0 : i32
        %dma_wait3A_73 = tpu.memref_slice %arg7[%add3A_65, %dma_wait3A_72] : memref<210x96xi32, #tpu.memory_space<vmem>> -> memref<1x96xi32, #tpu.memory_space<vmem>>
        %dma_wait3A_74 = tpu.memref_squeeze %dma_wait3A_73 : memref<1x96xi32, #tpu.memory_space<vmem>> -> memref<96xi32, #tpu.memory_space<vmem>>
        %dma_wait3A_75 = arith.constant 0 : i32
        %dma_wait3A_76 = arith.constant 0 : i32
        %dma_wait3A_77 = tpu.memref_slice %arg10[%dma_wait3A_75, %dma_wait3A_76] : memref<10240x64xf32, #tpu.memory_space<vmem_shared>> -> memref<10240x64xf32, #tpu.memory_space<vmem_shared>>
        tpu.wait_indirect_dma semaphore(%run_scoped3A : memref<!tpu.dma_semaphore, #tpu.memory_space<semaphore_mem>>) src(%arg9 : memref<96x64xf32, #tpu.memory_space<vmem>>) dst(%dma_wait3A_77 : memref<10240x64xf32, #tpu.memory_space<vmem_shared>>)
        tpu.yield
      }) : () -> ()
    }
    %scan3A_33 = arith.constant 105 : i32
    %barrier3A_34 = arith.constant 0 : index
    tpu.barrier barrier_id(%barrier3A_34)
    %mul3A_35 = arith.constant 10240 : i32
    %mul3A_36 = arith.muli %arg0, %mul3A_35 : i32
    %add3A_37 = arith.addi %mul3A_36, %mul3A_7 : i32
    "tpu.region"() ({
      %run_scoped3A = tpu.sem_alloc : memref<!tpu.dma_semaphore, #tpu.memory_space<semaphore_mem>>
      %dma_start3A_38 = arith.constant 0 : i32
      %dma_start3A_39 = tpu.memref_slice %arg5[%add3A_37, %dma_start3A_38] : memref<20480x64xf32, #tpu.memory_space<hbm>> -> memref<640x64xf32, #tpu.memory_space<hbm>>
      %dma_start3A_40 = arith.constant 0 : i32
      %dma_start3A_41 = tpu.memref_slice %arg10[%mul3A_7, %dma_start3A_40] : memref<10240x64xf32, #tpu.memory_space<vmem_shared>> -> memref<640x64xf32, #tpu.memory_space<vmem_shared>>
      tpu.enqueue_dma source(%dma_start3A_41 : memref<640x64xf32, #tpu.memory_space<vmem_shared>>) target(%dma_start3A_39 : memref<640x64xf32, #tpu.memory_space<hbm>>) target_semaphore(%run_scoped3A : memref<!tpu.dma_semaphore, #tpu.memory_space<semaphore_mem>>)
      %dma_wait3A = arith.constant 0 : i32
      %dma_wait3A_42 = tpu.memref_slice %arg5[%add3A_37, %dma_wait3A] : memref<20480x64xf32, #tpu.memory_space<hbm>> -> memref<640x64xf32, #tpu.memory_space<hbm>>
      %dma_wait3A_43 = arith.constant 0 : i32
      %dma_wait3A_44 = tpu.memref_slice %arg10[%mul3A_7, %dma_wait3A_43] : memref<10240x64xf32, #tpu.memory_space<vmem_shared>> -> memref<640x64xf32, #tpu.memory_space<vmem_shared>>
      tpu.wait_dma2 semaphore(%run_scoped3A : memref<!tpu.dma_semaphore, #tpu.memory_space<semaphore_mem>>) src(%dma_wait3A_44 : memref<640x64xf32, #tpu.memory_space<vmem_shared>>) dst(%dma_wait3A_42 : memref<640x64xf32, #tpu.memory_space<hbm>>)
      tpu.yield
    }) : () -> ()
    return
  }
}

module attributes {stable_mosaic.version = 14 : i64} {
  func.func @_scale_body(%arg0: i32, %arg1: memref<1024x128xf32, #tpu.memory_space<vmem>>, %arg2: memref<1024x1xf32, #tpu.memory_space<vmem>>, %arg3: memref<128x128xf32, #tpu.memory_space<vmem>>, %arg4: memref<1024x16xf32, #tpu.memory_space<vmem>>, %arg5: memref<1024x16xf32, #tpu.memory_space<vmem>>, %arg6: memref<1024x128xf32, #tpu.memory_space<vmem>>, %arg7: memref<1024x1xf32, #tpu.memory_space<vmem>>) attributes {dimension_semantics = [#tpu.dimension_semantics<arbitrary>], iteration_bounds = array<i64: 10>, scalar_prefetch = 0 : i64, scratch_operands = 0 : i64, tpu.core_type = #tpu.core_type<tc>, window_params = [{transform_indices = @transform_0, window_bounds = array<i64: 1024, 128>}, {transform_indices = @transform_1, window_bounds = array<i64: 1024, 1>}, {pipeline_mode = #tpu.pipeline_mode<synchronous>, transform_indices = @transform_2, window_bounds = array<i64: 128, 128>}, {transform_indices = @transform_3, window_bounds = array<i64: 1024, 16>}, {transform_indices = @transform_4, window_bounds = array<i64: 1024, 16>}, {transform_indices = @transform_5, window_bounds = array<i64: 1024, 128>}, {transform_indices = @transform_6, window_bounds = array<i64: 1024, 1>}]} {
    %get3A = arith.constant 0 : index
    %get3A_0 = arith.constant 0 : index
    %get3A_1 = vector.load %arg1[%get3A, %get3A_0] : memref<1024x128xf32, #tpu.memory_space<vmem>>, vector<1024x128xf32>
    %get3A_2 = arith.constant 0 : index
    %get3A_3 = arith.constant 0 : index
    %get3A_4 = vector.load %arg2[%get3A_2, %get3A_3] : memref<1024x1xf32, #tpu.memory_space<vmem>>, vector<1024x1xf32>
    %mul3A = vector.broadcast %get3A_4 : vector<1024x1xf32> to vector<1024x128xf32>
    %mul3A_5 = arith.mulf %get3A_1, %mul3A : vector<1024x128xf32>
    %get3A_6 = arith.constant 0 : index
    %get3A_7 = arith.constant 0 : index
    %get3A_8 = vector.load %arg3[%get3A_6, %get3A_7] : memref<128x128xf32, #tpu.memory_space<vmem>>, vector<128x128xf32>
    %dot_general3A = arith.constant dense<0.000000e+00> : vector<1024x128xf32>
    %dot_general3A_9 = tpu.matmul %mul3A_5, %get3A_8, %dot_general3A {dimension_numbers = #tpu.dot_dimension_numbers<[1], [0], [0], [1], [0, 0, 1, 1], [], []>, transpose_lhs_hint = false} : vector<1024x128xf32>, vector<128x128xf32>, vector<1024x128xf32> -> vector<1024x128xf32>
    %get3A_10 = arith.constant 0 : index
    %get3A_11 = arith.constant 0 : index
    %get3A_12 = vector.load %arg4[%get3A_10, %get3A_11] : memref<1024x16xf32, #tpu.memory_space<vmem>>, vector<1024x16xf32>
    %slice3A = vector.extract_strided_slice %get3A_12 {offsets = [0, 0], sizes = [1024, 1], strides = [1, 1]} : vector<1024x16xf32> to vector<1024x1xf32>
    %get3A_13 = arith.constant 0 : index
    %get3A_14 = arith.constant 0 : index
    %get3A_15 = vector.load %arg5[%get3A_13, %get3A_14] : memref<1024x16xf32, #tpu.memory_space<vmem>>, vector<1024x16xf32>
    %slice3A_16 = vector.extract_strided_slice %get3A_15 {offsets = [0, 0], sizes = [1024, 1], strides = [1, 1]} : vector<1024x16xf32> to vector<1024x1xf32>
    %add3A = arith.addf %slice3A, %slice3A_16 : vector<1024x1xf32>
    %add3A_17 = arith.constant 1.000000e+00 : f32
    %add3A_18 = vector.broadcast %add3A_17 : f32 to vector<1024x1xf32>
    %add3A_19 = arith.addf %add3A, %add3A_18 : vector<1024x1xf32>
    %max3A = arith.constant 1.000000e+00 : f32
    %max3A_20 = vector.broadcast %max3A : f32 to vector<1024x1xf32>
    %max3A_21 = arith.maximumf %add3A_19, %max3A_20 : vector<1024x1xf32>
    %rsqrt3A = math.rsqrt %max3A_21 : vector<1024x1xf32>
    %mul3A_22 = vector.broadcast %rsqrt3A : vector<1024x1xf32> to vector<1024x128xf32>
    %mul3A_23 = arith.mulf %dot_general3A_9, %mul3A_22 : vector<1024x128xf32>
    %swap3A = arith.constant 0 : index
    %swap3A_24 = arith.constant 0 : index
    %swap3A_25 = vector.load %arg6[%swap3A, %swap3A_24] : memref<1024x128xf32, #tpu.memory_space<vmem>>, vector<1024x128xf32>
    tpu.vector_store %arg6[%swap3A, %swap3A_24], %mul3A_23 {strides = array<i32>} : memref<1024x128xf32, #tpu.memory_space<vmem>>, vector<1024x128xf32>,
    %swap3A_26 = arith.constant 0 : index
    %swap3A_27 = arith.constant 0 : index
    %swap3A_28 = vector.load %arg7[%swap3A_26, %swap3A_27] : memref<1024x1xf32, #tpu.memory_space<vmem>>, vector<1024x1xf32>
    tpu.vector_store %arg7[%swap3A_26, %swap3A_27], %rsqrt3A {strides = array<i32>} : memref<1024x1xf32, #tpu.memory_space<vmem>>, vector<1024x1xf32>,
    return
  }
  func.func @transform_0(%arg0: i32) -> (i32, i32) {
    %c0_i32 = arith.constant 0 : i32
    %c0_i32_0 = arith.constant 0 : i32
    return %arg0, %c0_i32 : i32, i32
  }
  func.func @transform_1(%arg0: i32) -> (i32, i32) {
    %c0_i32 = arith.constant 0 : i32
    %c0_i32_0 = arith.constant 0 : i32
    return %arg0, %c0_i32 : i32, i32
  }
  func.func @transform_2(%arg0: i32) -> (i32, i32) {
    %c0_i32 = arith.constant 0 : i32
    %c0_i32_0 = arith.constant 0 : i32
    %c0_i32_1 = arith.constant 0 : i32
    return %c0_i32, %c0_i32_0 : i32, i32
  }
  func.func @transform_3(%arg0: i32) -> (i32, i32) {
    %c0_i32 = arith.constant 0 : i32
    %c0_i32_0 = arith.constant 0 : i32
    return %arg0, %c0_i32 : i32, i32
  }
  func.func @transform_4(%arg0: i32) -> (i32, i32) {
    %add3A = arith.constant 10 : i32
    %add3A_0 = arith.addi %arg0, %add3A : i32
    %c0_i32 = arith.constant 0 : i32
    %c0_i32_1 = arith.constant 0 : i32
    return %add3A_0, %c0_i32 : i32, i32
  }
  func.func @transform_5(%arg0: i32) -> (i32, i32) {
    %c0_i32 = arith.constant 0 : i32
    %c0_i32_0 = arith.constant 0 : i32
    return %arg0, %c0_i32 : i32, i32
  }
  func.func @transform_6(%arg0: i32) -> (i32, i32) {
    %c0_i32 = arith.constant 0 : i32
    %c0_i32_0 = arith.constant 0 : i32
    return %arg0, %c0_i32 : i32, i32
  }
}

module attributes {stable_mosaic.version = 14 : i64} {
  func.func @_post_body(%arg0: i32, %arg1: memref<1024x64xf32, #tpu.memory_space<vmem>>, %arg2: memref<1024x64xf32, #tpu.memory_space<vmem>>, %arg3: memref<1024x128xf32, #tpu.memory_space<vmem>>, %arg4: memref<1024x1xf32, #tpu.memory_space<vmem>>, %arg5: memref<128xf32, #tpu.memory_space<vmem>>, %arg6: memref<128xf32, #tpu.memory_space<vmem>>, %arg7: memref<1024x1xf32, #tpu.memory_space<vmem>>, %arg8: memref<1024x128xf32, #tpu.memory_space<vmem>>, %arg9: memref<1024x1xf32, #tpu.memory_space<vmem>>) attributes {dimension_semantics = [#tpu.dimension_semantics<arbitrary>], iteration_bounds = array<i64: 10>, scalar_prefetch = 0 : i64, scratch_operands = 0 : i64, tpu.core_type = #tpu.core_type<tc>, window_params = [{transform_indices = @transform_0, window_bounds = array<i64: 1024, 64>}, {transform_indices = @transform_1, window_bounds = array<i64: 1024, 64>}, {transform_indices = @transform_2, window_bounds = array<i64: 1024, 128>}, {transform_indices = @transform_3, window_bounds = array<i64: 1024, 1>}, {pipeline_mode = #tpu.pipeline_mode<synchronous>, transform_indices = @transform_4, window_bounds = array<i64: 128>}, {pipeline_mode = #tpu.pipeline_mode<synchronous>, transform_indices = @transform_5, window_bounds = array<i64: 128>}, {transform_indices = @transform_6, window_bounds = array<i64: 1024, 1>}, {transform_indices = @transform_7, window_bounds = array<i64: 1024, 128>}, {transform_indices = @transform_8, window_bounds = array<i64: 1024, 1>}]} {
    %get3A = arith.constant 0 : index
    %get3A_0 = arith.constant 0 : index
    %get3A_1 = vector.load %arg3[%get3A, %get3A_0] : memref<1024x128xf32, #tpu.memory_space<vmem>>, vector<1024x128xf32>
    %get3A_2 = arith.constant 0 : index
    %get3A_3 = arith.constant 0 : index
    %get3A_4 = vector.load %arg4[%get3A_2, %get3A_3] : memref<1024x1xf32, #tpu.memory_space<vmem>>, vector<1024x1xf32>
    %get3A_5 = arith.constant 0 : index
    %get3A_6 = vector.load %arg5[%get3A_5] : memref<128xf32, #tpu.memory_space<vmem>>, vector<128xf32>
    %get3A_7 = arith.constant 0 : index
    %get3A_8 = arith.constant 0 : index
    %get3A_9 = vector.load %arg1[%get3A_7, %get3A_8] : memref<1024x64xf32, #tpu.memory_space<vmem>>, vector<1024x64xf32>
    %slice3A = vector.extract_strided_slice %get3A_1 {offsets = [0, 0], sizes = [1024, 64], strides = [1, 1]} : vector<1024x128xf32> to vector<1024x64xf32>
    %add3A = arith.addf %get3A_9, %slice3A : vector<1024x64xf32>
    %mul3A = vector.broadcast %get3A_4 : vector<1024x1xf32> to vector<1024x64xf32>
    %mul3A_10 = arith.mulf %add3A, %mul3A : vector<1024x64xf32>
    %slice3A_11 = vector.extract_strided_slice %get3A_6 {offsets = [0], sizes = [64], strides = [1]} : vector<128xf32> to vector<64xf32>
    %broadcast_in_dim3A = vector.shape_cast %slice3A_11 : vector<64xf32> to vector<1x64xf32>
    %add3A_12 = vector.broadcast %broadcast_in_dim3A : vector<1x64xf32> to vector<1024x64xf32>
    %add3A_13 = arith.addf %mul3A_10, %add3A_12 : vector<1024x64xf32>
    %max3A = arith.constant 0.000000e+00 : f32
    %max3A_14 = vector.broadcast %max3A : f32 to vector<1024x64xf32>
    %max3A_15 = arith.maximumf %add3A_13, %max3A_14 : vector<1024x64xf32>
    %get3A_16 = arith.constant 0 : index
    %get3A_17 = arith.constant 0 : index
    %get3A_18 = vector.load %arg2[%get3A_16, %get3A_17] : memref<1024x64xf32, #tpu.memory_space<vmem>>, vector<1024x64xf32>
    %slice3A_19 = vector.extract_strided_slice %get3A_1 {offsets = [0, 64], sizes = [1024, 64], strides = [1, 1]} : vector<1024x128xf32> to vector<1024x64xf32>
    %add3A_20 = arith.addf %get3A_18, %slice3A_19 : vector<1024x64xf32>
    %mul3A_21 = vector.broadcast %get3A_4 : vector<1024x1xf32> to vector<1024x64xf32>
    %mul3A_22 = arith.mulf %add3A_20, %mul3A_21 : vector<1024x64xf32>
    %slice3A_23 = vector.extract_strided_slice %get3A_6 {offsets = [64], sizes = [64], strides = [1]} : vector<128xf32> to vector<64xf32>
    %broadcast_in_dim3A_24 = vector.shape_cast %slice3A_23 : vector<64xf32> to vector<1x64xf32>
    %add3A_25 = vector.broadcast %broadcast_in_dim3A_24 : vector<1x64xf32> to vector<1024x64xf32>
    %add3A_26 = arith.addf %mul3A_22, %add3A_25 : vector<1024x64xf32>
    %max3A_27 = arith.constant 0.000000e+00 : f32
    %max3A_28 = vector.broadcast %max3A_27 : f32 to vector<1024x64xf32>
    %max3A_29 = arith.maximumf %add3A_26, %max3A_28 : vector<1024x64xf32>
    %swap3A = arith.constant 0 : index
    %swap3A_30 = arith.constant 0 : index
    %swap3A_31 = vector.load %arg8[%swap3A, %swap3A_30] : memref<1024x128xf32, #tpu.memory_space<vmem>>, vector<1024x64xf32>
    tpu.vector_store %arg8[%swap3A, %swap3A_30], %max3A_15 {strides = array<i32>} : memref<1024x128xf32, #tpu.memory_space<vmem>>, vector<1024x64xf32>,
    %swap3A_32 = arith.constant 0 : index
    %swap3A_33 = arith.constant 64 : index
    %swap3A_34 = vector.load %arg8[%swap3A_32, %swap3A_33] : memref<1024x128xf32, #tpu.memory_space<vmem>>, vector<1024x64xf32>
    tpu.vector_store %arg8[%swap3A_32, %swap3A_33], %max3A_29 {strides = array<i32>} : memref<1024x128xf32, #tpu.memory_space<vmem>>, vector<1024x64xf32>,
    %get3A_35 = arith.constant 0 : index
    %get3A_36 = vector.load %arg6[%get3A_35] : memref<128xf32, #tpu.memory_space<vmem>>, vector<128xf32>
    %mul3A_37 = arith.mulf %get3A_36, %get3A_36 : vector<128xf32>
    %reduce_sum3A = vector.shape_cast %mul3A_37 : vector<128xf32> to vector<1x128xf32>
    %reduce_sum3A_38 = arith.constant dense<0.000000e+00> : vector<1xf32>
    %reduce_sum3A_39 = vector.multi_reduction <add>, %reduce_sum3A, %reduce_sum3A_38 [1] : vector<1x128xf32> to vector<1xf32>
    %reduce_sum3A_40 = vector.shape_cast %reduce_sum3A_39 : vector<1xf32> to vector<1x1xf32>
    %reduce_sum3A_41 = vector.extract %reduce_sum3A_40[0, 0] : f32 from vector<1x1xf32>
    %rsqrt3A = math.rsqrt %reduce_sum3A_41 : f32
    %slice3A_42 = vector.extract_strided_slice %get3A_36 {offsets = [0], sizes = [64], strides = [1]} : vector<128xf32> to vector<64xf32>
    %broadcast_in_dim3A_43 = vector.shape_cast %slice3A_42 : vector<64xf32> to vector<1x64xf32>
    %mul3A_44 = vector.broadcast %broadcast_in_dim3A_43 : vector<1x64xf32> to vector<1024x64xf32>
    %mul3A_45 = arith.mulf %max3A_15, %mul3A_44 : vector<1024x64xf32>
    %reduce_sum3A_46 = arith.constant dense<0.000000e+00> : vector<1024xf32>
    %reduce_sum3A_47 = vector.multi_reduction <add>, %mul3A_45, %reduce_sum3A_46 [1] : vector<1024x64xf32> to vector<1024xf32>
    %broadcast_in_dim3A_48 = vector.shape_cast %reduce_sum3A_47 : vector<1024xf32> to vector<1024x1xf32>
    %slice3A_49 = vector.extract_strided_slice %get3A_36 {offsets = [64], sizes = [64], strides = [1]} : vector<128xf32> to vector<64xf32>
    %broadcast_in_dim3A_50 = vector.shape_cast %slice3A_49 : vector<64xf32> to vector<1x64xf32>
    %mul3A_51 = vector.broadcast %broadcast_in_dim3A_50 : vector<1x64xf32> to vector<1024x64xf32>
    %mul3A_52 = arith.mulf %max3A_29, %mul3A_51 : vector<1024x64xf32>
    %reduce_sum3A_53 = arith.constant dense<0.000000e+00> : vector<1024xf32>
    %reduce_sum3A_54 = vector.multi_reduction <add>, %mul3A_52, %reduce_sum3A_53 [1] : vector<1024x64xf32> to vector<1024xf32>
    %broadcast_in_dim3A_55 = vector.shape_cast %reduce_sum3A_54 : vector<1024xf32> to vector<1024x1xf32>
    %add3A_56 = arith.addf %broadcast_in_dim3A_48, %broadcast_in_dim3A_55 : vector<1024x1xf32>
    %mul3A_57 = vector.broadcast %rsqrt3A : f32 to vector<1024x1xf32>
    %mul3A_58 = arith.mulf %add3A_56, %mul3A_57 : vector<1024x1xf32>
    %tanh3A = math.tanh %mul3A_58 : vector<1024x1xf32>
    %get3A_59 = arith.constant 0 : index
    %get3A_60 = arith.constant 0 : index
    %get3A_61 = vector.load %arg7[%get3A_59, %get3A_60] : memref<1024x1xf32, #tpu.memory_space<vmem>>, vector<1024x1xf32>
    %gt3A = arith.constant 0.000000e+00 : f32
    %gt3A_62 = vector.broadcast %gt3A : f32 to vector<1024x1xf32>
    %gt3A_63 = arith.cmpf ogt, %get3A_61, %gt3A_62 : vector<1024x1xf32>
    %jit3A = arith.constant -2.000000e+00 : f32
    %broadcast_in_dim3A_64 = vector.broadcast %jit3A : f32 to vector<1024x1xf32>
    %select_n3A = arith.select %gt3A_63, %tanh3A, %broadcast_in_dim3A_64 : vector<1024x1xi1>, vector<1024x1xf32>
    %swap3A_65 = arith.constant 0 : index
    %swap3A_66 = arith.constant 0 : index
    %swap3A_67 = vector.load %arg9[%swap3A_65, %swap3A_66] : memref<1024x1xf32, #tpu.memory_space<vmem>>, vector<1024x1xf32>
    tpu.vector_store %arg9[%swap3A_65, %swap3A_66], %select_n3A {strides = array<i32>} : memref<1024x1xf32, #tpu.memory_space<vmem>>, vector<1024x1xf32>,
    return
  }
  func.func @transform_0(%arg0: i32) -> (i32, i32) {
    %c0_i32 = arith.constant 0 : i32
    %c0_i32_0 = arith.constant 0 : i32
    return %arg0, %c0_i32 : i32, i32
  }
  func.func @transform_1(%arg0: i32) -> (i32, i32) {
    %add3A = arith.constant 10 : i32
    %add3A_0 = arith.addi %arg0, %add3A : i32
    %c0_i32 = arith.constant 0 : i32
    %c0_i32_1 = arith.constant 0 : i32
    return %add3A_0, %c0_i32 : i32, i32
  }
  func.func @transform_2(%arg0: i32) -> (i32, i32) {
    %c0_i32 = arith.constant 0 : i32
    %c0_i32_0 = arith.constant 0 : i32
    return %arg0, %c0_i32 : i32, i32
  }
  func.func @transform_3(%arg0: i32) -> (i32, i32) {
    %c0_i32 = arith.constant 0 : i32
    %c0_i32_0 = arith.constant 0 : i32
    return %arg0, %c0_i32 : i32, i32
  }
  func.func @transform_4(%arg0: i32) -> i32 {
    %c0_i32 = arith.constant 0 : i32
    %c0_i32_0 = arith.constant 0 : i32
    return %c0_i32 : i32
  }
  func.func @transform_5(%arg0: i32) -> i32 {
    %c0_i32 = arith.constant 0 : i32
    %c0_i32_0 = arith.constant 0 : i32
    return %c0_i32 : i32
  }
  func.func @transform_6(%arg0: i32) -> (i32, i32) {
    %c0_i32 = arith.constant 0 : i32
    %c0_i32_0 = arith.constant 0 : i32
    return %arg0, %c0_i32 : i32, i32
  }
  func.func @transform_7(%arg0: i32) -> (i32, i32) {
    %c0_i32 = arith.constant 0 : i32
    %c0_i32_0 = arith.constant 0 : i32
    return %arg0, %c0_i32 : i32, i32
  }
  func.func @transform_8(%arg0: i32) -> (i32, i32) {
    %c0_i32 = arith.constant 0 : i32
    %c0_i32_0 = arith.constant 0 : i32
    return %arg0, %c0_i32 : i32, i32
  }
}

module attributes {stable_mosaic.version = 14 : i64} {
  func.func @_pool1_body(%arg0: memref<80x128xf32, #tpu.memory_space<vmem>>, %arg1: memref<10240x128xf32, #tpu.memory_space<vmem>>, %arg2: memref<80x128xf32, #tpu.memory_space<vmem>>, %arg3: memref<80x128xf32, #tpu.memory_space<vmem>>, %arg4: memref<1x128xf32, #tpu.memory_space<vmem>>) attributes {dimension_semantics = [], scalar_prefetch = 0 : i64, scratch_operands = 0 : i64, tpu.core_type = #tpu.core_type<tc>} {
    %get3A = arith.constant 0 : index
    %get3A_0 = arith.constant 0 : index
    %get3A_1 = vector.load %arg0[%get3A, %get3A_0] : memref<80x128xf32, #tpu.memory_space<vmem>>, vector<80x128xf32>
    %bitcast_convert_type3A = tpu.bitcast %get3A_1 : vector<80x128xf32> -> vector<80x128xi32>
    %lt3A = arith.constant 0 : i32
    %lt3A_2 = vector.broadcast %lt3A : i32 to vector<80x128xi32>
    %lt3A_3 = arith.cmpi slt, %bitcast_convert_type3A, %lt3A_2 : vector<80x128xi32>
    %not3A = arith.constant dense<-1> : vector<80x128xi32>
    %not3A_4 = arith.xori %bitcast_convert_type3A, %not3A : vector<80x128xi32>
    %xor3A = arith.constant -2147483648 : i32
    %xor3A_5 = vector.broadcast %xor3A : i32 to vector<80x128xi32>
    %xor3A_6 = arith.xori %not3A_4, %xor3A_5 : vector<80x128xi32>
    %select_n3A = arith.select %lt3A_3, %xor3A_6, %bitcast_convert_type3A : vector<80x128xi1>, vector<80x128xi32>
    %scan3A = arith.constant -1080033281 : i32
    %scan3A_7 = arith.constant 1069547520 : i32
    %scan3A_8 = arith.constant 0 : i32
    %scan3A_9 = arith.constant 32 : i32
    %scan3A_10 = arith.addi %scan3A_8, %scan3A_9 : i32
    %scan3A_11 = arith.constant 1 : i32
    %scan3A_12:2 = scf.for %scan3A_50 = %scan3A_8 to %scan3A_10 step %scan3A_11 iter_args(%scan3A_51 = %scan3A, %scan3A_52 = %scan3A_7) -> (i32, i32)  : i32 {
      %shift_right_arithmetic3A = arith.constant 1 : i32
      %shift_right_arithmetic3A_53 = arith.shrsi %scan3A_51, %shift_right_arithmetic3A : i32
      %shift_right_arithmetic3A_54 = arith.constant 1 : i32
      %shift_right_arithmetic3A_55 = arith.shrsi %scan3A_52, %shift_right_arithmetic3A_54 : i32
      %add3A_56 = arith.addi %shift_right_arithmetic3A_53, %shift_right_arithmetic3A_55 : i32
      %and3A_57 = arith.andi %scan3A_51, %scan3A_52 : i32
      %and3A_58 = arith.constant 1 : i32
      %and3A_59 = arith.andi %and3A_57, %and3A_58 : i32
      %add3A_60 = arith.addi %add3A_56, %and3A_59 : i32
      %ge3A = vector.broadcast %add3A_60 : i32 to vector<80x128xi32>
      %ge3A_61 = arith.cmpi sge, %select_n3A, %ge3A : vector<80x128xi32>
      %convert_element_type3A_62 = arith.extui %ge3A_61 : vector<80x128xi1> to vector<80x128xi32>
      %reduce_sum3A_63 = vector.shape_cast %convert_element_type3A_62 : vector<80x128xi32> to vector<1x80x128xi32>
      %reduce_sum3A_64 = arith.constant dense<0> : vector<1xi32>
      %reduce_sum3A_65 = vector.multi_reduction <add>, %reduce_sum3A_63, %reduce_sum3A_64 [1, 2] : vector<1x80x128xi32> to vector<1xi32>
      %reduce_sum3A_66 = vector.shape_cast %reduce_sum3A_65 : vector<1xi32> to vector<1x1x1xi32>
      %reduce_sum3A_67 = vector.extract %reduce_sum3A_66[0, 0, 0] : i32 from vector<1x1x1xi32>
      %ge3A_68 = arith.constant 8000 : i32
      %ge3A_69 = arith.cmpi sge, %reduce_sum3A_67, %ge3A_68 : i32
      %select_n3A_70 = arith.select %ge3A_69, %add3A_60, %scan3A_51 : i32
      %select_n3A_71 = arith.select %ge3A_69, %scan3A_52, %add3A_60 : i32
      scf.yield %select_n3A_70, %select_n3A_71 : i32, i32
    }
    %gt3A = vector.broadcast %scan3A_12#0 : i32 to vector<80x128xi32>
    %gt3A_13 = arith.cmpi sgt, %select_n3A, %gt3A : vector<80x128xi32>
    %convert_element_type3A = arith.extui %gt3A_13 : vector<80x128xi1> to vector<80x128xi32>
    %reduce_sum3A = vector.shape_cast %convert_element_type3A : vector<80x128xi32> to vector<1x80x128xi32>
    %reduce_sum3A_14 = arith.constant dense<0> : vector<1xi32>
    %reduce_sum3A_15 = vector.multi_reduction <add>, %reduce_sum3A, %reduce_sum3A_14 [1, 2] : vector<1x80x128xi32> to vector<1xi32>
    %reduce_sum3A_16 = vector.shape_cast %reduce_sum3A_15 : vector<1xi32> to vector<1x1x1xi32>
    %reduce_sum3A_17 = vector.extract %reduce_sum3A_16[0, 0, 0] : i32 from vector<1x1x1xi32>
    %sub3A = arith.constant 8000 : i32
    %sub3A_18 = arith.subi %sub3A, %reduce_sum3A_17 : i32
    %eq3A = vector.broadcast %scan3A_12#0 : i32 to vector<80x128xi32>
    %eq3A_19 = arith.cmpi eq, %select_n3A, %eq3A : vector<80x128xi32>
    %iota3A = tpu.iota {dimensions = array<i32: 0>} : vector<80x128xi32>
    %mul3A = arith.constant 128 : i32
    %mul3A_20 = vector.broadcast %mul3A : i32 to vector<80x128xi32>
    %mul3A_21 = arith.muli %iota3A, %mul3A_20 : vector<80x128xi32>
    %iota3A_22 = tpu.iota {dimensions = array<i32: 1>} : vector<80x128xi32>
    %add3A = arith.addi %mul3A_21, %iota3A_22 : vector<80x128xi32>
    %scan3A_23 = arith.constant 0 : i32
    %scan3A_24 = arith.constant 10240 : i32
    %scan3A_25 = arith.constant 0 : i32
    %scan3A_26 = arith.constant 14 : i32
    %scan3A_27 = arith.addi %scan3A_25, %scan3A_26 : i32
    %scan3A_28 = arith.constant 1 : i32
    %scan3A_29:2 = scf.for %scan3A_50 = %scan3A_25 to %scan3A_27 step %scan3A_28 iter_args(%scan3A_51 = %scan3A_23, %scan3A_52 = %scan3A_24) -> (i32, i32)  : i32 {
      %add3A_53 = arith.addi %scan3A_51, %scan3A_52 : i32
      %shift_right_arithmetic3A = arith.constant 1 : i32
      %shift_right_arithmetic3A_54 = arith.shrsi %add3A_53, %shift_right_arithmetic3A : i32
      %lt3A_55 = vector.broadcast %shift_right_arithmetic3A_54 : i32 to vector<80x128xi32>
      %lt3A_56 = arith.cmpi slt, %add3A, %lt3A_55 : vector<80x128xi32>
      %and3A_57 = arith.andi %eq3A_19, %lt3A_56 : vector<80x128xi1>
      %convert_element_type3A_58 = arith.extui %and3A_57 : vector<80x128xi1> to vector<80x128xi32>
      %reduce_sum3A_59 = vector.shape_cast %convert_element_type3A_58 : vector<80x128xi32> to vector<1x80x128xi32>
      %reduce_sum3A_60 = arith.constant dense<0> : vector<1xi32>
      %reduce_sum3A_61 = vector.multi_reduction <add>, %reduce_sum3A_59, %reduce_sum3A_60 [1, 2] : vector<1x80x128xi32> to vector<1xi32>
      %reduce_sum3A_62 = vector.shape_cast %reduce_sum3A_61 : vector<1xi32> to vector<1x1x1xi32>
      %reduce_sum3A_63 = vector.extract %reduce_sum3A_62[0, 0, 0] : i32 from vector<1x1x1xi32>
      %ge3A = arith.cmpi sge, %reduce_sum3A_63, %sub3A_18 : i32
      %select_n3A_64 = arith.select %ge3A, %scan3A_51, %shift_right_arithmetic3A_54 : i32
      %select_n3A_65 = arith.select %ge3A, %shift_right_arithmetic3A_54, %scan3A_52 : i32
      scf.yield %select_n3A_64, %select_n3A_65 : i32, i32
    }
    %lt3A_30 = vector.broadcast %scan3A_29#1 : i32 to vector<80x128xi32>
    %lt3A_31 = arith.cmpi slt, %add3A, %lt3A_30 : vector<80x128xi32>
    %and3A = arith.andi %eq3A_19, %lt3A_31 : vector<80x128xi1>
    %or3A = arith.ori %gt3A_13, %and3A : vector<80x128xi1>
    %convert_element_type3A_32 = arith.extui %or3A : vector<80x128xi1> to vector<80x128xi32>
    %convert_element_type3A_33 = arith.sitofp %convert_element_type3A_32 : vector<80x128xi32> to vector<80x128xf32>
    %swap3A = arith.constant 0 : index
    %swap3A_34 = arith.constant 0 : index
    %swap3A_35 = vector.load %arg2[%swap3A, %swap3A_34] : memref<80x128xf32, #tpu.memory_space<vmem>>, vector<80x128xf32>
    tpu.vector_store %arg2[%swap3A, %swap3A_34], %convert_element_type3A_33 {strides = array<i32>} : memref<80x128xf32, #tpu.memory_space<vmem>>, vector<80x128xf32>,
    %mul3A_36 = arith.mulf %convert_element_type3A_33, %get3A_1 : vector<80x128xf32>
    %swap3A_37 = arith.constant 0 : index
    %swap3A_38 = arith.constant 0 : index
    %swap3A_39 = vector.load %arg3[%swap3A_37, %swap3A_38] : memref<80x128xf32, #tpu.memory_space<vmem>>, vector<80x128xf32>
    tpu.vector_store %arg3[%swap3A_37, %swap3A_38], %mul3A_36 {strides = array<i32>} : memref<80x128xf32, #tpu.memory_space<vmem>>, vector<80x128xf32>,
    %broadcast_in_dim3A = arith.constant 0.000000e+00 : f32
    %broadcast_in_dim3A_40 = vector.broadcast %broadcast_in_dim3A : f32 to vector<1x128xf32>
    %scan3A_41 = arith.constant 0 : i32
    %scan3A_42 = arith.constant 80 : i32
    %scan3A_43 = arith.addi %scan3A_41, %scan3A_42 : i32
    %scan3A_44 = arith.constant 1 : i32
    %scan3A_45 = scf.for %scan3A_50 = %scan3A_41 to %scan3A_43 step %scan3A_44 iter_args(%scan3A_51 = %broadcast_in_dim3A_40) -> (vector<1x128xf32>)  : i32 {
      %get3A_52 = arith.index_cast %scan3A_50 : i32 to index
      %get3A_53 = arith.constant 0 : index
      %get3A_54 = vector.load %arg3[%get3A_52, %get3A_53] : memref<80x128xf32, #tpu.memory_space<vmem>>, vector<1x128xf32>
      %mul3A_55 = arith.constant 128 : i32
      %mul3A_56 = arith.muli %scan3A_50, %mul3A_55 : i32
      %get3A_57 = arith.index_cast %mul3A_56 : i32 to index
      %get3A_58 = arith.constant 0 : index
      %get3A_59 = vector.load %arg1[%get3A_57, %get3A_58] : memref<10240x128xf32, #tpu.memory_space<vmem>>, vector<128x128xf32>
      %dot_general3A = arith.constant dense<0.000000e+00> : vector<1x128xf32>
      %dot_general3A_60 = tpu.matmul %get3A_54, %get3A_59, %dot_general3A {dimension_numbers = #tpu.dot_dimension_numbers<[1], [0], [0], [1], [0, 0, 1, 1], [], []>, transpose_lhs_hint = false} : vector<1x128xf32>, vector<128x128xf32>, vector<1x128xf32> -> vector<1x128xf32>
      %add3A_61 = arith.addf %scan3A_51, %dot_general3A_60 : vector<1x128xf32>
      scf.yield %add3A_61 : vector<1x128xf32>
    }
    %scan3A_46 = arith.constant 80 : i32
    %swap3A_47 = arith.constant 0 : index
    %swap3A_48 = arith.constant 0 : index
    %swap3A_49 = vector.load %arg4[%swap3A_47, %swap3A_48] : memref<1x128xf32, #tpu.memory_space<vmem>>, vector<1x128xf32>
    tpu.vector_store %arg4[%swap3A_47, %swap3A_48], %scan3A_45 {strides = array<i32>} : memref<1x128xf32, #tpu.memory_space<vmem>>, vector<1x128xf32>,
    return
  }
}

module attributes {stable_mosaic.version = 14 : i64} {
  func.func @_pool2_body(%arg0: memref<80x128xf32, #tpu.memory_space<vmem>>, %arg1: memref<10240x128xf32, #tpu.memory_space<vmem>>, %arg2: memref<1x128xf32, #tpu.memory_space<vmem>>, %arg3: memref<128x128xf32, #tpu.memory_space<vmem>>, %arg4: memref<128xf32, #tpu.memory_space<vmem>>, %arg5: memref<128x64xf32, #tpu.memory_space<vmem>>, %arg6: memref<64xf32, #tpu.memory_space<vmem>>, %arg7: memref<64x1xf32, #tpu.memory_space<vmem>>, %arg8: memref<1xf32, #tpu.memory_space<vmem>>, %arg9: memref<1x64xf32, #tpu.memory_space<vmem>>, %arg10: memref<1x1xf32, #tpu.memory_space<vmem>>, %arg11: memref<80x128xf32, #tpu.memory_space<vmem>>) attributes {dimension_semantics = [], scalar_prefetch = 0 : i64, scratch_operands = 1 : i64, tpu.core_type = #tpu.core_type<tc>} {
    %get3A = arith.constant 0 : index
    %get3A_0 = arith.constant 0 : index
    %get3A_1 = vector.load %arg0[%get3A, %get3A_0] : memref<80x128xf32, #tpu.memory_space<vmem>>, vector<80x128xf32>
    %bitcast_convert_type3A = tpu.bitcast %get3A_1 : vector<80x128xf32> -> vector<80x128xi32>
    %lt3A = arith.constant 0 : i32
    %lt3A_2 = vector.broadcast %lt3A : i32 to vector<80x128xi32>
    %lt3A_3 = arith.cmpi slt, %bitcast_convert_type3A, %lt3A_2 : vector<80x128xi32>
    %not3A = arith.constant dense<-1> : vector<80x128xi32>
    %not3A_4 = arith.xori %bitcast_convert_type3A, %not3A : vector<80x128xi32>
    %xor3A = arith.constant -2147483648 : i32
    %xor3A_5 = vector.broadcast %xor3A : i32 to vector<80x128xi32>
    %xor3A_6 = arith.xori %not3A_4, %xor3A_5 : vector<80x128xi32>
    %select_n3A = arith.select %lt3A_3, %xor3A_6, %bitcast_convert_type3A : vector<80x128xi1>, vector<80x128xi32>
    %scan3A = arith.constant -1080033281 : i32
    %scan3A_7 = arith.constant 1069547520 : i32
    %scan3A_8 = arith.constant 0 : i32
    %scan3A_9 = arith.constant 32 : i32
    %scan3A_10 = arith.addi %scan3A_8, %scan3A_9 : i32
    %scan3A_11 = arith.constant 1 : i32
    %scan3A_12:2 = scf.for %scan3A_86 = %scan3A_8 to %scan3A_10 step %scan3A_11 iter_args(%scan3A_87 = %scan3A, %scan3A_88 = %scan3A_7) -> (i32, i32)  : i32 {
      %shift_right_arithmetic3A = arith.constant 1 : i32
      %shift_right_arithmetic3A_89 = arith.shrsi %scan3A_87, %shift_right_arithmetic3A : i32
      %shift_right_arithmetic3A_90 = arith.constant 1 : i32
      %shift_right_arithmetic3A_91 = arith.shrsi %scan3A_88, %shift_right_arithmetic3A_90 : i32
      %add3A_92 = arith.addi %shift_right_arithmetic3A_89, %shift_right_arithmetic3A_91 : i32
      %and3A_93 = arith.andi %scan3A_87, %scan3A_88 : i32
      %and3A_94 = arith.constant 1 : i32
      %and3A_95 = arith.andi %and3A_93, %and3A_94 : i32
      %add3A_96 = arith.addi %add3A_92, %and3A_95 : i32
      %ge3A = vector.broadcast %add3A_96 : i32 to vector<80x128xi32>
      %ge3A_97 = arith.cmpi sge, %select_n3A, %ge3A : vector<80x128xi32>
      %convert_element_type3A_98 = arith.extui %ge3A_97 : vector<80x128xi1> to vector<80x128xi32>
      %reduce_sum3A_99 = vector.shape_cast %convert_element_type3A_98 : vector<80x128xi32> to vector<1x80x128xi32>
      %reduce_sum3A_100 = arith.constant dense<0> : vector<1xi32>
      %reduce_sum3A_101 = vector.multi_reduction <add>, %reduce_sum3A_99, %reduce_sum3A_100 [1, 2] : vector<1x80x128xi32> to vector<1xi32>
      %reduce_sum3A_102 = vector.shape_cast %reduce_sum3A_101 : vector<1xi32> to vector<1x1x1xi32>
      %reduce_sum3A_103 = vector.extract %reduce_sum3A_102[0, 0, 0] : i32 from vector<1x1x1xi32>
      %ge3A_104 = arith.constant 6400 : i32
      %ge3A_105 = arith.cmpi sge, %reduce_sum3A_103, %ge3A_104 : i32
      %select_n3A_106 = arith.select %ge3A_105, %add3A_96, %scan3A_87 : i32
      %select_n3A_107 = arith.select %ge3A_105, %scan3A_88, %add3A_96 : i32
      scf.yield %select_n3A_106, %select_n3A_107 : i32, i32
    }
    %gt3A = vector.broadcast %scan3A_12#0 : i32 to vector<80x128xi32>
    %gt3A_13 = arith.cmpi sgt, %select_n3A, %gt3A : vector<80x128xi32>
    %convert_element_type3A = arith.extui %gt3A_13 : vector<80x128xi1> to vector<80x128xi32>
    %reduce_sum3A = vector.shape_cast %convert_element_type3A : vector<80x128xi32> to vector<1x80x128xi32>
    %reduce_sum3A_14 = arith.constant dense<0> : vector<1xi32>
    %reduce_sum3A_15 = vector.multi_reduction <add>, %reduce_sum3A, %reduce_sum3A_14 [1, 2] : vector<1x80x128xi32> to vector<1xi32>
    %reduce_sum3A_16 = vector.shape_cast %reduce_sum3A_15 : vector<1xi32> to vector<1x1x1xi32>
    %reduce_sum3A_17 = vector.extract %reduce_sum3A_16[0, 0, 0] : i32 from vector<1x1x1xi32>
    %sub3A = arith.constant 6400 : i32
    %sub3A_18 = arith.subi %sub3A, %reduce_sum3A_17 : i32
    %eq3A = vector.broadcast %scan3A_12#0 : i32 to vector<80x128xi32>
    %eq3A_19 = arith.cmpi eq, %select_n3A, %eq3A : vector<80x128xi32>
    %iota3A = tpu.iota {dimensions = array<i32: 0>} : vector<80x128xi32>
    %mul3A = arith.constant 128 : i32
    %mul3A_20 = vector.broadcast %mul3A : i32 to vector<80x128xi32>
    %mul3A_21 = arith.muli %iota3A, %mul3A_20 : vector<80x128xi32>
    %iota3A_22 = tpu.iota {dimensions = array<i32: 1>} : vector<80x128xi32>
    %add3A = arith.addi %mul3A_21, %iota3A_22 : vector<80x128xi32>
    %scan3A_23 = arith.constant 0 : i32
    %scan3A_24 = arith.constant 10240 : i32
    %scan3A_25 = arith.constant 0 : i32
    %scan3A_26 = arith.constant 14 : i32
    %scan3A_27 = arith.addi %scan3A_25, %scan3A_26 : i32
    %scan3A_28 = arith.constant 1 : i32
    %scan3A_29:2 = scf.for %scan3A_86 = %scan3A_25 to %scan3A_27 step %scan3A_28 iter_args(%scan3A_87 = %scan3A_23, %scan3A_88 = %scan3A_24) -> (i32, i32)  : i32 {
      %add3A_89 = arith.addi %scan3A_87, %scan3A_88 : i32
      %shift_right_arithmetic3A = arith.constant 1 : i32
      %shift_right_arithmetic3A_90 = arith.shrsi %add3A_89, %shift_right_arithmetic3A : i32
      %lt3A_91 = vector.broadcast %shift_right_arithmetic3A_90 : i32 to vector<80x128xi32>
      %lt3A_92 = arith.cmpi slt, %add3A, %lt3A_91 : vector<80x128xi32>
      %and3A_93 = arith.andi %eq3A_19, %lt3A_92 : vector<80x128xi1>
      %convert_element_type3A_94 = arith.extui %and3A_93 : vector<80x128xi1> to vector<80x128xi32>
      %reduce_sum3A_95 = vector.shape_cast %convert_element_type3A_94 : vector<80x128xi32> to vector<1x80x128xi32>
      %reduce_sum3A_96 = arith.constant dense<0> : vector<1xi32>
      %reduce_sum3A_97 = vector.multi_reduction <add>, %reduce_sum3A_95, %reduce_sum3A_96 [1, 2] : vector<1x80x128xi32> to vector<1xi32>
      %reduce_sum3A_98 = vector.shape_cast %reduce_sum3A_97 : vector<1xi32> to vector<1x1x1xi32>
      %reduce_sum3A_99 = vector.extract %reduce_sum3A_98[0, 0, 0] : i32 from vector<1x1x1xi32>
      %ge3A = arith.cmpi sge, %reduce_sum3A_99, %sub3A_18 : i32
      %select_n3A_100 = arith.select %ge3A, %scan3A_87, %shift_right_arithmetic3A_90 : i32
      %select_n3A_101 = arith.select %ge3A, %shift_right_arithmetic3A_90, %scan3A_88 : i32
      scf.yield %select_n3A_100, %select_n3A_101 : i32, i32
    }
    %lt3A_30 = vector.broadcast %scan3A_29#1 : i32 to vector<80x128xi32>
    %lt3A_31 = arith.cmpi slt, %add3A, %lt3A_30 : vector<80x128xi32>
    %and3A = arith.andi %eq3A_19, %lt3A_31 : vector<80x128xi1>
    %or3A = arith.ori %gt3A_13, %and3A : vector<80x128xi1>
    %convert_element_type3A_32 = arith.extui %or3A : vector<80x128xi1> to vector<80x128xi32>
    %convert_element_type3A_33 = arith.sitofp %convert_element_type3A_32 : vector<80x128xi32> to vector<80x128xf32>
    %mul3A_34 = arith.mulf %convert_element_type3A_33, %get3A_1 : vector<80x128xf32>
    %swap3A = arith.constant 0 : index
    %swap3A_35 = arith.constant 0 : index
    %swap3A_36 = vector.load %arg11[%swap3A, %swap3A_35] : memref<80x128xf32, #tpu.memory_space<vmem>>, vector<80x128xf32>
    tpu.vector_store %arg11[%swap3A, %swap3A_35], %mul3A_34 {strides = array<i32>} : memref<80x128xf32, #tpu.memory_space<vmem>>, vector<80x128xf32>,
    %broadcast_in_dim3A = arith.constant 0.000000e+00 : f32
    %broadcast_in_dim3A_37 = vector.broadcast %broadcast_in_dim3A : f32 to vector<1x128xf32>
    %scan3A_38 = arith.constant 0 : i32
    %scan3A_39 = arith.constant 80 : i32
    %scan3A_40 = arith.addi %scan3A_38, %scan3A_39 : i32
    %scan3A_41 = arith.constant 1 : i32
    %scan3A_42 = scf.for %scan3A_86 = %scan3A_38 to %scan3A_40 step %scan3A_41 iter_args(%scan3A_87 = %broadcast_in_dim3A_37) -> (vector<1x128xf32>)  : i32 {
      %get3A_88 = arith.index_cast %scan3A_86 : i32 to index
      %get3A_89 = arith.constant 0 : index
      %get3A_90 = vector.load %arg11[%get3A_88, %get3A_89] : memref<80x128xf32, #tpu.memory_space<vmem>>, vector<1x128xf32>
      %mul3A_91 = arith.constant 128 : i32
      %mul3A_92 = arith.muli %scan3A_86, %mul3A_91 : i32
      %get3A_93 = arith.index_cast %mul3A_92 : i32 to index
      %get3A_94 = arith.constant 0 : index
      %get3A_95 = vector.load %arg1[%get3A_93, %get3A_94] : memref<10240x128xf32, #tpu.memory_space<vmem>>, vector<128x128xf32>
      %dot_general3A_96 = arith.constant dense<0.000000e+00> : vector<1x128xf32>
      %dot_general3A_97 = tpu.matmul %get3A_90, %get3A_95, %dot_general3A_96 {dimension_numbers = #tpu.dot_dimension_numbers<[1], [0], [0], [1], [0, 0, 1, 1], [], []>, transpose_lhs_hint = false} : vector<1x128xf32>, vector<128x128xf32>, vector<1x128xf32> -> vector<1x128xf32>
      %add3A_98 = arith.addf %scan3A_87, %dot_general3A_97 : vector<1x128xf32>
      scf.yield %add3A_98 : vector<1x128xf32>
    }
    %scan3A_43 = arith.constant 80 : i32
    %get3A_44 = arith.constant 0 : index
    %get3A_45 = arith.constant 0 : index
    %get3A_46 = vector.load %arg2[%get3A_44, %get3A_45] : memref<1x128xf32, #tpu.memory_space<vmem>>, vector<1x128xf32>
    %mul3A_47 = arith.constant 1.250000e-04 : f32
    %mul3A_48 = vector.broadcast %mul3A_47 : f32 to vector<1x128xf32>
    %mul3A_49 = arith.mulf %get3A_46, %mul3A_48 : vector<1x128xf32>
    %mul3A_50 = arith.constant 1.562500e-04 : f32
    %mul3A_51 = vector.broadcast %mul3A_50 : f32 to vector<1x128xf32>
    %mul3A_52 = arith.mulf %scan3A_42, %mul3A_51 : vector<1x128xf32>
    %add3A_53 = arith.addf %mul3A_49, %mul3A_52 : vector<1x128xf32>
    %get3A_54 = arith.constant 0 : index
    %get3A_55 = arith.constant 0 : index
    %get3A_56 = vector.load %arg3[%get3A_54, %get3A_55] : memref<128x128xf32, #tpu.memory_space<vmem>>, vector<128x128xf32>
    %dot_general3A = arith.constant dense<0.000000e+00> : vector<1x128xf32>
    %dot_general3A_57 = tpu.matmul %add3A_53, %get3A_56, %dot_general3A {dimension_numbers = #tpu.dot_dimension_numbers<[1], [0], [0], [1], [0, 0, 1, 1], [], []>, transpose_lhs_hint = false} : vector<1x128xf32>, vector<128x128xf32>, vector<1x128xf32> -> vector<1x128xf32>
    %get3A_58 = arith.constant 0 : index
    %get3A_59 = vector.load %arg4[%get3A_58] : memref<128xf32, #tpu.memory_space<vmem>>, vector<128xf32>
    %broadcast_in_dim3A_60 = vector.shape_cast %get3A_59 : vector<128xf32> to vector<1x128xf32>
    %add3A_61 = arith.addf %dot_general3A_57, %broadcast_in_dim3A_60 : vector<1x128xf32>
    %get3A_62 = arith.constant 0 : index
    %get3A_63 = arith.constant 0 : index
    %get3A_64 = vector.load %arg5[%get3A_62, %get3A_63] : memref<128x64xf32, #tpu.memory_space<vmem>>, vector<128x64xf32>
    %dot_general3A_65 = arith.constant dense<0.000000e+00> : vector<1x64xf32>
    %dot_general3A_66 = tpu.matmul %add3A_61, %get3A_64, %dot_general3A_65 {dimension_numbers = #tpu.dot_dimension_numbers<[1], [0], [0], [1], [0, 0, 1, 1], [], []>, transpose_lhs_hint = false} : vector<1x128xf32>, vector<128x64xf32>, vector<1x64xf32> -> vector<1x64xf32>
    %get3A_67 = arith.constant 0 : index
    %get3A_68 = vector.load %arg6[%get3A_67] : memref<64xf32, #tpu.memory_space<vmem>>, vector<64xf32>
    %broadcast_in_dim3A_69 = vector.shape_cast %get3A_68 : vector<64xf32> to vector<1x64xf32>
    %add3A_70 = arith.addf %dot_general3A_66, %broadcast_in_dim3A_69 : vector<1x64xf32>
    %swap3A_71 = arith.constant 0 : index
    %swap3A_72 = arith.constant 0 : index
    %swap3A_73 = vector.load %arg9[%swap3A_71, %swap3A_72] : memref<1x64xf32, #tpu.memory_space<vmem>>, vector<1x64xf32>
    tpu.vector_store %arg9[%swap3A_71, %swap3A_72], %add3A_70 {strides = array<i32>} : memref<1x64xf32, #tpu.memory_space<vmem>>, vector<1x64xf32>,
    %get3A_74 = arith.constant 0 : index
    %get3A_75 = arith.constant 0 : index
    %get3A_76 = vector.load %arg7[%get3A_74, %get3A_75] : memref<64x1xf32, #tpu.memory_space<vmem>>, vector<64x1xf32>
    %dot_general3A_77 = arith.constant dense<0.000000e+00> : vector<1x1xf32>
    %dot_general3A_78 = tpu.matmul %add3A_70, %get3A_76, %dot_general3A_77 {dimension_numbers = #tpu.dot_dimension_numbers<[1], [0], [0], [1], [0, 0, 1, 1], [], []>, transpose_lhs_hint = false} : vector<1x64xf32>, vector<64x1xf32>, vector<1x1xf32> -> vector<1x1xf32>
    %get3A_79 = arith.constant 0 : index
    %get3A_80 = vector.load %arg8[%get3A_79] : memref<1xf32, #tpu.memory_space<vmem>>, vector<1xf32>
    %broadcast_in_dim3A_81 = vector.shape_cast %get3A_80 : vector<1xf32> to vector<1x1xf32>
    %add3A_82 = arith.addf %dot_general3A_78, %broadcast_in_dim3A_81 : vector<1x1xf32>
    %swap3A_83 = arith.constant 0 : index
    %swap3A_84 = arith.constant 0 : index
    %swap3A_85 = vector.load %arg10[%swap3A_83, %swap3A_84] : memref<1x1xf32, #tpu.memory_space<vmem>>, vector<1x1xf32>
    tpu.vector_store %arg10[%swap3A_83, %swap3A_84], %add3A_82 {strides = array<i32>} : memref<1x1xf32, #tpu.memory_space<vmem>>, vector<1x1xf32>,
    return
  }
}

module attributes {stable_mosaic.version = 14 : i64} {
  func.func @_out_body(%arg0: i32, %arg1: memref<1x64xf32, #tpu.memory_space<vmem>>, %arg2: memref<64x2048xf32, #tpu.memory_space<vmem>>, %arg3: memref<2048xf32, #tpu.memory_space<vmem>>, %arg4: memref<1x2048xf32, #tpu.memory_space<vmem>>) attributes {dimension_semantics = [#tpu.dimension_semantics<arbitrary>], iteration_bounds = array<i64: 20>, scalar_prefetch = 0 : i64, scratch_operands = 0 : i64, tpu.core_type = #tpu.core_type<tc>, window_params = [{pipeline_mode = #tpu.pipeline_mode<synchronous>, transform_indices = @transform_0, window_bounds = array<i64: 1, 64>}, {transform_indices = @transform_1, window_bounds = array<i64: 64, 2048>}, {transform_indices = @transform_2, window_bounds = array<i64: 2048>}, {transform_indices = @transform_3, window_bounds = array<i64: 1, 2048>}]} {
    %get3A = arith.constant 0 : index
    %get3A_0 = arith.constant 0 : index
    %get3A_1 = vector.load %arg1[%get3A, %get3A_0] : memref<1x64xf32, #tpu.memory_space<vmem>>, vector<1x64xf32>
    %get3A_2 = arith.constant 0 : index
    %get3A_3 = arith.constant 0 : index
    %get3A_4 = vector.load %arg2[%get3A_2, %get3A_3] : memref<64x2048xf32, #tpu.memory_space<vmem>>, vector<64x2048xf32>
    %dot_general3A = arith.constant dense<0.000000e+00> : vector<1x2048xf32>
    %dot_general3A_5 = tpu.matmul %get3A_1, %get3A_4, %dot_general3A {dimension_numbers = #tpu.dot_dimension_numbers<[1], [0], [0], [1], [0, 0, 1, 1], [], []>, transpose_lhs_hint = false} : vector<1x64xf32>, vector<64x2048xf32>, vector<1x2048xf32> -> vector<1x2048xf32>
    %get3A_6 = arith.constant 0 : index
    %get3A_7 = vector.load %arg3[%get3A_6] : memref<2048xf32, #tpu.memory_space<vmem>>, vector<2048xf32>
    %broadcast_in_dim3A = vector.shape_cast %get3A_7 : vector<2048xf32> to vector<1x2048xf32>
    %add3A = arith.addf %dot_general3A_5, %broadcast_in_dim3A : vector<1x2048xf32>
    %tanh3A = math.tanh %add3A : vector<1x2048xf32>
    %swap3A = arith.constant 0 : index
    %swap3A_8 = arith.constant 0 : index
    %swap3A_9 = vector.load %arg4[%swap3A, %swap3A_8] : memref<1x2048xf32, #tpu.memory_space<vmem>>, vector<1x2048xf32>
    tpu.vector_store %arg4[%swap3A, %swap3A_8], %tanh3A {strides = array<i32>} : memref<1x2048xf32, #tpu.memory_space<vmem>>, vector<1x2048xf32>,
    return
  }
  func.func @transform_0(%arg0: i32) -> (i32, i32) {
    %c0_i32 = arith.constant 0 : i32
    %c0_i32_0 = arith.constant 0 : i32
    %c0_i32_1 = arith.constant 0 : i32
    return %c0_i32, %c0_i32_0 : i32, i32
  }
  func.func @transform_1(%arg0: i32) -> (i32, i32) {
    %c0_i32 = arith.constant 0 : i32
    %c0_i32_0 = arith.constant 0 : i32
    return %c0_i32, %arg0 : i32, i32
  }
  func.func @transform_2(%arg0: i32) -> i32 {
    %c0_i32 = arith.constant 0 : i32
    return %arg0 : i32
  }
  func.func @transform_3(%arg0: i32) -> (i32, i32) {
    %c0_i32 = arith.constant 0 : i32
    %c0_i32_0 = arith.constant 0 : i32
    return %c0_i32, %arg0 : i32, i32
  }
}

</mosaic_0001>

<sc_bundles>
// kernel: kernel.13.cloned.1.call-start
scs
__scs_entry_jumppad:
0x0: {  	(pc) =	sbr.rel $0x88, $3  }
0x1: {  	(tag) =	ssettag $0x0;
	lr =	simm.s32 $0x1  }
0x2: {  	[smem:$0x3F91] =	sst lr;
	_ =	strace $0xD0000000  }
0x3: {  	_ = 	snop  }
0x4: {  	_ = 	snop  }
0x5: {  	_ = 	snop  }
0x6: {  	_ = 	snop  }
0x7: {  	_ = 	snop  }
__scs_overlays_trampoline_lowered:
0x8: {  	[smem:$0x3FA0] =	sst s0  }
0x9: {  	[smem:$0x3FA1] =	sst s1  }
0xa: {  	[smem:$0x3FA2] =	sst s2  }
0xb: {  	[smem:$0x3FA3] =	sst s3  }
0xc: {  	[smem:$0x3FA4] =	sst s4  }
0xd: {  	[smem:$0x3FA5] =	sst s5  }
0xe: {  	[smem:$0x3FA6] =	sst s6  }
0xf: {  	[smem:$0x3FA7] =	sst s7  }
0x10: {  	[smem:$0x3FA8] =	sst s8  }
0x11: {  	[smem:$0x3FA9] =	sst s9;
	s0 =	simm.s32 @!p0 $0x0  }
0x12: {  	s1 =	sld [smem:$0x3F8F];
	s0 =	simm.s32 @p0 $0x1  }
0x13: {  	[smem:$0x3FAA] =	sst s0;
	s0 =	simm.s32 @!p1 $0x0  }
0x14: {  	s2 =	sld [smem:$0x3F8E];
	s0 =	simm.s32 @p1 $0x1  }
0x15: {  	[smem:$0x3FAB] =	sst s0;
	s0 =	simm.s32 @!p2 $0x0  }
0x16: {  	s3 =	sld [smem:$0x3FDB];
	s0 =	simm.s32 @p2 $0x1  }
0x17: {  	s4 =	simm.s32 $0x1BF5;
	[smem:$0x3FAD] =	sst s0  }
0x18: {  	s0 =	sld [smem:$0x3F90];
	_ =	swait.ge [sflag:s4], $0x0  }
0x19: {  	s7 =	sld [smem:$0x3F91]  }
0x1a: {  	s8 =	sadd.s32 $0xFFFFE003, lr  }
0x1b: {  	s9 =	sadd.s32 $0xFFFFFEF7, lr;
	s5 =	simm.s32 $0xFFFFFFFF;
	p2 =	slt.u32 s8, $0xFFFFF086  }
0x1c: {  	p1 =	slt.u32 s9, $0xF7A;
	s5 =	simm.s32 @!p2 $0x0  }
0x1d: {  	s5 =	simm.s32 @p1 $0x1;
	p0 =	seq.s32 s7, s2  }
0x1e: {  	s7 =	smul.u32 @!p0 $0xF7A, s2;
	p2 =	seq.s32 @!p0 s5, $0x0  }
0x1f: {  	s9 =	smul.u32 $0xF7A, s1;
	s8 =	simm.s32 @!p0 $0x1BF5;
	p2 =	por !p2, p0  }
0x20: {  	[sflag:s8] =	ssyncset.s32 @!p0 $0xFFFFF086;
	s6 =	sadd.s32 @!p0 s3, s7;
	s7 =	simm.s32 @!p0 $0x108  }
0x21: {  	s3 =	sadd.s32 s3, s9;
	s6 =	sadd.s32 @!p0 $0x88, s6;
	s7 =	simm.s32 @p2 $0x1082  }
0x22: {  	[simem:s7], [sflag:s8] =	dma.local @!p0 [hbm:s6], $0xF7A  }
0x23: {  	s9 =	sor.u32 $0xD0000000, s2;
	s6 =	simm.s32 $0x108;
	_ =	swait.ge @!p0 [sflag:s8], $0x0  }
0x24: {  	s3 =	sadd.s32 $0x88, s3;
	s6 =	simm.s32 @!p1 $0x1082;
	[sflag:s4] =	ssyncset.s32 $0xFFFFF086  }
0x25: {  	[simem:s6], [sflag:s4] =	dma.local [hbm:s3], $0xF7A  }
0x26: {  	[smem:$0x3F91] =	sst s1;
	(tag) =	ssettag s2;
	_ =	strace s9  }
0x27: {  	s1 =	sld [smem:$0x3FA1]  }
0x28: {  	s2 =	sld [smem:$0x3FA2]  }
0x29: {  	s4 =	sld [smem:$0x3FA4]  }
0x2a: {  	p0 =	seq.s32 s5, $0x0;
	s5 =	sld [smem:$0x3FA5]  }
0x2b: {  	s6 =	sld [smem:$0x3FA6]  }
0x2c: {  	s7 =	sld [smem:$0x3FA7]  }
0x2d: {  	s3 =	simm.s32 $0x108;
	s8 =	sld [smem:$0x3FA8]  }
0x2e: {  	s3 =	simm.s32 @!p0 $0x1082;
	s9 =	sld [smem:$0x3FA9]  }
0x2f: {  	lr =	sadd.s32 s0, s3;
	s0 =	sld [smem:$0x3FA0]  }
0x30: {  	s3 =	sld [smem:$0x3FA3]  }
0x31: {  	[smem:$0x3FAC] =	sst s10  }
0x32: {  	s10 =	sld [smem:$0x3FAA];
	_ =	sdelay $0x3  }
0x33: {  	p0 =	seq.s32 s10, $0x1;
	s10 =	sld [smem:$0x3FAC];
	_ =	sdelay $0x3  }
0x34: {  	[smem:$0x3FAC] =	sst s10  }
0x35: {  	s10 =	sld [smem:$0x3FAB];
	_ =	sdelay $0x3  }
0x36: {  	p1 =	seq.s32 s10, $0x1;
	s10 =	sld [smem:$0x3FAC];
	_ =	sdelay $0x3  }
0x37: {  	[smem:$0x3FAC] =	sst s10  }
0x38: {  	s10 =	sld [smem:$0x3FAD]  }
0x39: {  	_ = 	snop;
	(pc) =	sbr.ind lr, $3  }
0x3a: {  	_ = 	snop  }
0x3b: {  	_ = 	snop  }
0x3c: {  	p2 =	seq.s32 s10, $0x1;
	s10 =	sld [smem:$0x3FAC]  }
0x3d: {  	_ =	shalt  }
0x3e: {  	_ =	shalt  }
0x3f: {  	_ =	shalt  }
0x40: {  	_ =	shalt  }
0x41: {  	_ =	shalt  }
0x42: {  	_ =	shalt  }
0x43: {  	_ =	shalt  }
0x44: {  	_ =	shalt  }
0x45: {  	_ =	shalt  }
0x46: {  	_ =	shalt  }
0x47: {  	_ =	shalt  }
0x48: {  	_ =	shalt  }
0x49: {  	_ =	shalt  }
0x4a: {  	_ =	shalt  }
0x4b: {  	_ =	shalt  }
0x4c: {  	_ =	shalt  }
0x4d: {  	_ =	shalt  }
0x4e: {  	_ =	shalt  }
0x4f: {  	_ =	shalt  }
0x50: {  	_ =	shalt  }
0x51: {  	_ =	shalt  }
0x52: {  	_ =	shalt  }
0x53: {  	_ =	shalt  }
0x54: {  	_ =	shalt  }
0x55: {  	_ =	shalt  }
0x56: {  	_ =	shalt  }
0x57: {  	_ =	shalt  }
0x58: {  	_ =	shalt  }
0x59: {  	_ =	shalt  }
0x5a: {  	_ =	shalt  }
0x5b: {  	_ =	shalt  }
0x5c: {  	_ =	shalt  }
0x5d: {  	_ =	shalt  }
0x5e: {  	_ =	shalt  }
0x5f: {  	_ =	shalt  }
0x60: {  	_ =	shalt  }
0x61: {  	_ =	shalt  }
0x62: {  	_ =	shalt  }
0x63: {  	_ =	shalt  }
0x64: {  	_ =	shalt  }
0x65: {  	_ =	shalt  }
0x66: {  	_ =	shalt  }
0x67: {  	_ =	shalt  }
0x68: {  	_ =	shalt  }
0x69: {  	_ =	shalt  }
0x6a: {  	_ =	shalt  }
0x6b: {  	_ =	shalt  }
0x6c: {  	_ =	shalt  }
0x6d: {  	_ =	shalt  }
0x6e: {  	_ =	shalt  }
0x6f: {  	_ =	shalt  }
0x70: {  	_ =	shalt  }
0x71: {  	_ =	shalt  }
0x72: {  	_ =	shalt  }
0x73: {  	_ =	shalt  }
0x74: {  	_ =	shalt  }
0x75: {  	_ =	shalt  }
0x76: {  	_ =	shalt  }
0x77: {  	_ =	shalt  }
0x78: {  	_ =	shalt  }
0x79: {  	_ =	shalt  }
0x7a: {  	_ =	shalt  }
0x7b: {  	_ =	shalt  }
0x7c: {  	_ =	shalt  }
0x7d: {  	_ =	shalt  }
0x7e: {  	_ =	shalt  }
0x7f: {  	_ =	shalt  }
0x80: {  	_ =	shalt  }
0x81: {  	_ =	shalt  }
0x82: {  	_ =	shalt  }
0x83: {  	_ =	shalt  }
0x84: {  	_ =	shalt  }
0x85: {  	_ =	shalt  }
0x86: {  	_ =	shalt  }
0x87: {  	_ =	shalt  }
.Lfunc_end0:
.L_simem_size_0:
called_computation_lowered:
.L_overlay_start_0:
0x88: {  	s2 =	sld [smem:$0x3FD9]  }
0x89: {  	s3 =	sld [smem:$0x3FFE];
	_ =	sdelay $0x1  }
0x8a: {  	s1 =	srdreg.scid  }
0x8b: {  	s0 =	sand.u32 $0x1, s1  }
0x8c: {  	s16 =	sshll.u32 s0, $0xA;
	s2 =	sadd.s32 s3, s2  }
0x8d: {  	s2 =	sadd.s32 s2, s16  }
0x8e: {  	[smem:$0x3FB8] =	sst s2  }
0x8f: {  	_ = 	snop  }
0x90: {  	(tm) =	ssettm $0x1  }
0x91: {  	s17 =	sld [smem:$0x3FFB];
	_ =	sdelay $0x3  }
0x92: {  	_ =	strace s17  }
0x93: {  	s2 =	sld [smem:$0x3FFC];
	_ =	sdelay $0x3  }
0x94: {  	_ =	strace s2  }
0x95: {  	s2 =	sld [smem:$0x3FFD];
	_ =	sdelay $0x3  }
0x96: {  	_ =	strace s2  }
0x97: {  	_ =	strace $0x8FFFFFFF  }
0x98: {  	s18 =	sld [smem:$0x3FDB];
	_ =	sdelay $0x1  }
0x99: {  	s19 =	simm.s32 $_scs_section_size  }
0x9a: {  	s4 =	simm.s32 $_size__tile_overlayer_lowered;
	s5 =	simm.s32 $_tile_overlayer_lowered  }
0x9b: {  	s22 =	simm.s32 $0x1BFF;
	s21 =	sshll.u32 s5, $0x1;
	s2 =	sadd.s32 s19, s18  }
0x9c: {  	s6 =	simm.s32 $0x0;
	s20 =	sshll.u32 s4, $0x1;
	s4 =	sadd.s32 s21, s2  }
0x9d: {  	[timem:s6], [sflag:s22] =	dma.local [hbm:s4], s20  }
0x9e: {  	_ =	swait.ge [sflag:s22], s20  }
0x9f: {  	s3 =	ssub.s32 $0x0, s20;
	[sflag:s22] =	ssyncset.done $0x0  }
0xa0: {  	[sflag:s22] =	ssyncadd.s32 s3;
	_ =	sdelay $0x1  }
0xa1: {  	s23 =	simm.s32 $0x1B8B  }
0xa2: {  	_ =	swait.ge [sflag:s23], $0x1  }
0xa3: {  	[sflag:s23] =	ssyncset.done $0x0  }
0xa4: {  	s25 =	simm.s32 $0x1B8E;
	s24 =	sld [smem:$0x3FFE];
	[sflag:s23] =	ssyncadd.s32 $0xFFFFFFFF  }
0xa5: {  	s26 =	simm.s32 $execute0_lowered;
	[smem:$0x3FD2] =	sst s25  }
0xa6: {  	s4 =	sshll.u32 s26, $0x1;
	_ =	strace $0x80000046;
	[dreg:$0x1] =	wrdreg $0xFFFFFFFF  }
0xa7: {  	s28 =	simm.s32 $_size_execute0_lowered;
	s2 =	sadd.s32 s2, s4;
	[dreg:$0x0] =	wrdreg $0x0  }
0xa8: {  	s4 =	sshll.u32 s28, $0x1;
	[dreg:$0x2] =	wrdreg s2  }
0xa9: {  	[dreg:$0x3] =	wrdreg s4  }
0xaa: {  	[dreg:$0x4] =	wrdreg $0xC0  }
0xab: {  	_ =	task [dreg:s6], $0x5FFFF  }
0xac: {  	[dreg:$0x1] =	wrdreg $0xFFFFFFFF  }
0xad: {  	[dreg:$0x0] =	wrdreg $0x60  }
0xae: {  	[dreg:$0x2] =	wrdreg s24  }
0xaf: {  	[dreg:$0x3] =	wrdreg $0x60000  }
0xb0: {  	[dreg:$0x4] =	wrdreg $0x9  }
0xb1: {  	_ =	task.clear_ibuf [dreg:s6], $0x5FFFF;
	_ =	strace $0x90000046  }
0xb2: {  	s29 =	simm.s32 $0x9;
	_ =	strace $0x80000048  }
0xb3: {  	_ =	swait.ge [sflag:s29], $0x1  }
0xb4: {  	[sflag:s29] =	ssyncadd.s32 $0xFFFFFFFF  }
0xb5: {  	_ =	strace $0x90000048  }
0xb6: {  	_ =	sfence  }
0xb7: {  	s30 =	sld [smem:$0x0];
	_ =	sdelay $0x2  }
0xb8: {  	s31 =	sshll.u32 s1, $0xD;
	s1 =	sshrl.u32 s1, $0x2  }
0xb9: {  	s3 =	sand.u32 $0x4000, s31;
	s1 =	sadd.s32 s1, s30  }
0xba: {  	s0 =	sor.u32 s3, s0;
	s1 =	sshll.u32 s1, $0x11  }
0xbb: {  	s0 =	sor.u32 s1, s0  }
0xbc: {  	s0 =	sadd.s32 $0x8F2B, s0  }
0xbd: {  	[sflag:s0] =	ssyncadd.remote.s32 $0x1  }
0xbe: {  	_ =	sfence.sel $0xFFFF  }
0xbf: {  	[dreg:$0x0] =	wrdreg $0xFFFFFFFF;
	(pc) =	sbr.abs _section_cstart, $3  }
0xc0: {  	[dreg:$0x1] =	wrdreg $0xFFFFFFFF  }
0xc1: {  	_ =	task.clear_ibuf [dreg:s6], $0x2FFFF;
	_ =	strace $0x9FFFFFFF  }
0xc2: {  	(tm) =	ssettm $0x7FFFFFFF  }
0xc3: {  	_ =	shalt  }
tec
execute0_lowered:
.L_overlay_start_1:
0x0: {  	(tag) =	ssettag $0x1  }
0x1: {  	s6 =	rddreg [dreg:$0x0]  }
0x2: {  	s0 =	srdreg.scid;
	s2 =	rddreg [dreg:$0x1]  }
0x3: {  	s3 =	simm.s32 $0x0;
	s14 =	simm.s32 $0x3;
	s15 =	simm.s32 $0x2800  }
0x4: {  	s16 =	simm.s32 $0x5000;
	s17 =	simm.s32 $0x80;
	s18 =	simm.s32 $0x5800  }
0x5: {  	s19 =	simm.s32 $0x1;
	s20 =	simm.s32 $0x2;
	s21 =	simm.s32 $0x2780  }
0x6: {  	s22 =	simm.s32 $0x4F00;
	s5 =	sand.u32 $0x1, s0;
	s0 =	stileid.u32  }
0x7: {  	s23 =	simm.s32 $0x4F80;
	s26 =	simm.s32 $0x0;
	s8 =	smul.u32 $0x500, s0  }
0x8: {  	[smem:$0x7FF] =	sst s3;
	s4 =	sadd.s32 $0x2E00, s6;
	s9 =	smul.u32 $0x5000, s5  }
0x9: {  	s1 =	sshll.u32 s5, $0x4;
	_ =	strace $0x80000047;
	s10 =	smul.u32 $0xA000, s0  }
0xa: {  	s5 =	ssub.s32 $0x2, s5;
	s24 =	sshll.u32 s0, $0x6;
	s1 =	sor.u32 s0, s1  }
0xb: {  	s30 =	sshrl.u32 s5, $0x1;
	s24 =	sor.u32 $0x1C03, s24;
	s7 =	smul.u32 $0x500, s1  }
0xc: {  	s8 =	sadd.s32 s8, s9;
	s31 =	sshrl.u32 s10, $0x2;
	s13 =	ssub.s32 s5, s30  }
0xd: {  	s12 =	sadd.s32 s8, s6;
	s13 =	smax.u32 s13, $0x1;
	s7 =	sadd.s32 s7, s6  }
0xe: {  	s6 =	sadd.s32 s31, s2;
	s12 =	sadd.s32 $0x1BE00, s12;
	s5 =	sadd.s32 $0x11E00, s7  }
0xf: {  	s7 =	sadd.s32 $0x7E00, s7;
	s8 =	sadd.s32 $0x800, s6;
	s9 =	sadd.s32 $0x1000, s6  }
0x10: {  	v0 =	vimm.f32 $0.0e+00;
	s10 =	sadd.s32 $0x1800, s6;
	s11 =	sadd.s32 $0x2000, s6;
	s25 =	sshrl.u32 s6, $0x3  }
.LBB2_1:
0x11: {  	[tilespmem:s3], [sflag:$0x3] =	stream.linear.gather [hbm4b:s5+s3], $0x2800, $0x38;
	[tilespmem:$0x8800] =	vst v63  }
0x12: {  	_ =	swait.ge [sflag:s14], $0x2800  }
0x13: {  	[sflag:s14] =	ssyncset.done $0x0  }
0x14: {  	[sflag:s14] =	ssyncadd.s32 $0xFFFFD800  }
0x15: {  	[tilespmem:s15], [sflag:$0x3] =	stream.linear.gather [hbm4b:s7+s3], $0x2800, $0x38;
	[tilespmem:$0x8800] =	vst v63  }
0x16: {  	_ =	swait.ge [sflag:s14], $0x2800  }
0x17: {  	[sflag:s14] =	ssyncset.done $0x0  }
0x18: {  	s28 =	simm.s32 $0x40;
	s29 =	simm.s32 $0x0;
	[sflag:s14] =	ssyncadd.s32 $0xFFFFD800  }
.LBB2_2:
0x19: {  	p0 =	sne.s32 s28, $0x1FC0;
	[tilespmem:s29+$0x5000] =	vst v0;
	s29 =	smov.u32 s28;
	s28 =	sadd.s32 $0x40, s28  }
.Ltmp0:
0x1a: {  	(pc) =	sbr.rel @p0 .LBB2_2-.Ltmp0, $2  }
0x1b: {  	_ =	sdelay $0x2  }
0x1c: {  	s29 =	sshra.s32 s29, $0x2  }
0x1d: {  	[tilespmem:s29+$0x5000] =	vst v0  }
0x1e: {  	[spmem:s6] =	stream.linear.scatter [tilespmem:s16], [sflag:$0x3], $0x800, $0x38;
	[tilespmem:$0x8800] =	vst v63  }
0x1f: {  	_ =	swait.ge [sflag:s14], $0x800  }
0x20: {  	[sflag:s14] =	ssyncset.done $0x0  }
0x21: {  	[sflag:s14] =	ssyncadd.s32 $0xFFFFF800  }
0x22: {  	[spmem:s8] =	stream.linear.scatter [tilespmem:s16], [sflag:$0x3], $0x800, $0x38;
	[tilespmem:$0x8800] =	vst v63  }
0x23: {  	_ =	swait.ge [sflag:s14], $0x800  }
0x24: {  	[sflag:s14] =	ssyncset.done $0x0  }
0x25: {  	[sflag:s14] =	ssyncadd.s32 $0xFFFFF800  }
0x26: {  	[spmem:s9] =	stream.linear.scatter [tilespmem:s16], [sflag:$0x3], $0x800, $0x38;
	[tilespmem:$0x8800] =	vst v63  }
0x27: {  	_ =	swait.ge [sflag:s14], $0x800  }
0x28: {  	[sflag:s14] =	ssyncset.done $0x0  }
0x29: {  	[sflag:s14] =	ssyncadd.s32 $0xFFFFF800  }
0x2a: {  	[spmem:s10] =	stream.linear.scatter [tilespmem:s16], [sflag:$0x3], $0x800, $0x38;
	[tilespmem:$0x8800] =	vst v63  }
0x2b: {  	_ =	swait.ge [sflag:s14], $0x800  }
0x2c: {  	[sflag:s14] =	ssyncset.done $0x0  }
0x2d: {  	[sflag:s14] =	ssyncadd.s32 $0xFFFFF800  }
0x2e: {  	[spmem:s11] =	stream.linear.scatter [tilespmem:s16], [sflag:$0x3], $0x800, $0x38;
	[tilespmem:$0x8800] =	vst v63  }
0x2f: {  	_ =	swait.ge [sflag:s14], $0x800  }
0x30: {  	[sflag:s14] =	ssyncset.done $0x0  }
0x31: {  	[sflag:s14] =	ssyncadd.s32 $0xFFFFF800  }
0x32: {  	s28 =	simm.s32 $0x0;
	[bflag:$0x0] =	sbarrier.arrive $0xFFFF  }
0x33: {  	[tilespmem:s16], [sflag:$0x1] =	stream.indirect.gather [hbm4b:s4+s17], $0x10, s28, s17, $0xb8;
	[tilespmem:$0x8800] =	vst v63  }
0x34: {  	s28 =	simm.s32 $0x80  }
0x35: {  	[tilespmem:s18], [sflag:$0x2] =	stream.indirect.gather [hbm4b:s4+s17], $0x10, s28, s17, $0xb8;
	[tilespmem:$0x8800] =	vst v63  }
0x36: {  	_ =	swait.ge [sflag:s19], $0x800  }
0x37: {  	[sflag:s19] =	ssyncset.done $0x0  }
0x38: {  	s28 =	simm.s32 $0x2800;
	[sflag:s19] =	ssyncadd.s32 $0xFFFFF800  }
0x39: {  	[spmem:s2] =	stream.indirect.scatter.add.f32 [tilespmem:s16], [sflag:$0x3], $0x10, s28, s17, $0xb8;
	[tilespmem:$0x8800] =	vst v63  }
0x3a: {  	_ =	swait.ge [sflag:s14], $0x800  }
0x3b: {  	[sflag:s14] =	ssyncset.done $0x0  }
0x3c: {  	s28 =	simm.s32 $0x100;
	[sflag:s14] =	ssyncadd.s32 $0xFFFFF800  }
0x3d: {  	[tilespmem:s16], [sflag:$0x1] =	stream.indirect.gather [hbm4b:s4+s17], $0x10, s28, s17, $0xb8;
	[tilespmem:$0x8800] =	vst v63  }
0x3e: {  	_ =	swait.ge [sflag:s20], $0x800  }
0x3f: {  	[sflag:s20] =	ssyncset.done $0x0  }
0x40: {  	s28 =	simm.s32 $0x2880;
	[sflag:s20] =	ssyncadd.s32 $0xFFFFF800  }
0x41: {  	[spmem:s2] =	stream.indirect.scatter.add.f32 [tilespmem:s18], [sflag:$0x3], $0x10, s28, s17, $0xb8;
	[tilespmem:$0x8800] =	vst v63  }
0x42: {  	_ =	swait.ge [sflag:s14], $0x800  }
0x43: {  	s29 =	simm.s32 $0x800;
	s28 =	simm.s32 $0x100;
	[sflag:s14] =	ssyncset.done $0x0  }
.LBB2_4:
0x44: {  	s30 =	sadd.s32 $0x80, s28  }
0x45: {  	[sflag:s14] =	ssyncadd.s32 $0xFFFFF800;
	s31 =	smov.u32 s29;
	s1 =	sadd.s32 $0x400, s29  }
0x46: {  	[tilespmem:s18], [sflag:$0x2] =	stream.indirect.gather [hbm4b:s4+s17], $0x10, s30, s17, $0xb8;
	[tilespmem:$0x8800] =	vst v63  }
0x47: {  	p0 =	sne.s32 s29, $0x9800;
	_ =	swait.ge [sflag:s19], $0x800  }
0x48: {  	[sflag:s19] =	ssyncset.done $0x0  }
0x49: {  	s29 =	sadd.s32 $0x2800, s28;
	[sflag:s19] =	ssyncadd.s32 $0xFFFFF800  }
0x4a: {  	[spmem:s2] =	stream.indirect.scatter.add.f32 [tilespmem:s16], [sflag:$0x3], $0x10, s29, s17, $0xb8;
	[tilespmem:$0x8800] =	vst v63  }
0x4b: {  	_ =	swait.ge [sflag:s14], $0x800  }
0x4c: {  	[sflag:s14] =	ssyncset.done $0x0  }
0x4d: {  	s29 =	sadd.s32 $0x100, s28;
	[sflag:s14] =	ssyncadd.s32 $0xFFFFF800  }
0x4e: {  	[tilespmem:s16], [sflag:$0x1] =	stream.indirect.gather [hbm4b:s4+s17], $0x10, s29, s17, $0xb8;
	[tilespmem:$0x8800] =	vst v63  }
0x4f: {  	_ =	swait.ge [sflag:s20], $0x800  }
.Ltmp1:
0x50: {  	[sflag:s20] =	ssyncset.done $0x0;
	(pc) =	sbr.rel @p0 .LBB2_4-.Ltmp1, $4  }
0x51: {  	s28 =	sadd.s32 $0x2880, s28;
	[sflag:s20] =	ssyncadd.s32 $0xFFFFF800  }
0x52: {  	[spmem:s2] =	stream.indirect.scatter.add.f32 [tilespmem:s18], [sflag:$0x3], $0x10, s28, s17, $0xb8;
	[tilespmem:$0x8800] =	vst v63  }
0x53: {  	_ =	swait.ge [sflag:s14], $0x800  }
0x54: {  	s29 =	smov.u32 s1;
	s28 =	sshra.s32 s31, $0x2;
	[sflag:s14] =	ssyncset.done $0x0  }
0x55: {  	s1 =	sadd.s32 $0x80, s28;
	[sflag:s14] =	ssyncadd.s32 $0xFFFFF800  }
0x56: {  	[tilespmem:s18], [sflag:$0x2] =	stream.indirect.gather [hbm4b:s4+s17], $0x10, s1, s17, $0xb8;
	[tilespmem:$0x8800] =	vst v63  }
0x57: {  	_ =	swait.ge [sflag:s19], $0x800  }
0x58: {  	[sflag:s19] =	ssyncset.done $0x0  }
0x59: {  	s29 =	sadd.s32 $0x2800, s28;
	[sflag:s19] =	ssyncadd.s32 $0xFFFFF800  }
0x5a: {  	[spmem:s2] =	stream.indirect.scatter.add.f32 [tilespmem:s16], [sflag:$0x3], $0x10, s29, s17, $0xb8;
	[tilespmem:$0x8800] =	vst v63  }
0x5b: {  	_ =	swait.ge [sflag:s14], $0x800  }
0x5c: {  	[sflag:s14] =	ssyncset.done $0x0  }
0x5d: {  	s30 =	sadd.s32 $0x100, s28;
	[sflag:s14] =	ssyncadd.s32 $0xFFFFF800  }
0x5e: {  	[tilespmem:s16], [sflag:$0x1] =	stream.indirect.gather [hbm4b:s4+s17], $0x10, s30, s17, $0xb8;
	[tilespmem:$0x8800] =	vst v63  }
0x5f: {  	_ =	swait.ge [sflag:s20], $0x800  }
0x60: {  	[sflag:s20] =	ssyncset.done $0x0  }
0x61: {  	s31 =	sadd.s32 $0x2880, s28;
	[sflag:s20] =	ssyncadd.s32 $0xFFFFF800  }
0x62: {  	[spmem:s2] =	stream.indirect.scatter.add.f32 [tilespmem:s18], [sflag:$0x3], $0x10, s31, s17, $0xb8;
	[tilespmem:$0x8800] =	vst v63  }
0x63: {  	_ =	swait.ge [sflag:s14], $0x800  }
0x64: {  	[sflag:s14] =	ssyncset.done $0x0  }
0x65: {  	[sflag:s14] =	ssyncadd.s32 $0xFFFFF800  }
0x66: {  	[tilespmem:s18], [sflag:$0x2] =	stream.indirect.gather [hbm4b:s4+s17], $0x10, s21, s17, $0xb8;
	[tilespmem:$0x8800] =	vst v63  }
0x67: {  	_ =	swait.ge [sflag:s19], $0x800  }
0x68: {  	[sflag:s19] =	ssyncset.done $0x0  }
0x69: {  	[sflag:s19] =	ssyncadd.s32 $0xFFFFF800  }
0x6a: {  	[spmem:s2] =	stream.indirect.scatter.add.f32 [tilespmem:s16], [sflag:$0x3], $0x10, s22, s17, $0xb8;
	[tilespmem:$0x8800] =	vst v63  }
0x6b: {  	_ =	swait.ge [sflag:s14], $0x800  }
0x6c: {  	[sflag:s14] =	ssyncset.done $0x0  }
0x6d: {  	[sflag:s14] =	ssyncadd.s32 $0xFFFFF800  }
0x6e: {  	_ =	swait.ge [sflag:s20], $0x800  }
0x6f: {  	[sflag:s20] =	ssyncset.done $0x0  }
0x70: {  	[sflag:s20] =	ssyncadd.s32 $0xFFFFF800  }
0x71: {  	[spmem:s2] =	stream.indirect.scatter.add.f32 [tilespmem:s18], [sflag:$0x3], $0x10, s23, s17, $0xb8;
	[tilespmem:$0x8800] =	vst v63  }
0x72: {  	_ =	swait.ge [sflag:s14], $0x800  }
0x73: {  	s26 =	sadd.s32 $0x1, s26;
	[sflag:s14] =	ssyncset.done $0x0  }
0x74: {  	p0 =	sne.s32 s26, s13;
	[sflag:s14] =	ssyncadd.s32 $0xFFFFF800  }
.Ltmp2:
0x75: {  	[bflag:$0x0] =	sbarrier.arrive $0xFFFF;
	(pc) =	sbr.rel @p0 .LBB2_1-.Ltmp2, $4  }
0x76: {  	[hbm:s12], [sflag:s24] =	dma.local [spmem:s25], $0x500  }
0x77: {  	_ =	swait.ge [sflag:s14], $0x500  }
0x78: {  	[sflag:s14] =	ssyncset.done $0x0  }
0x79: {  	[sflag:s14] =	ssyncadd.s32 $0xFFFFFB00  }
0x7a: {  	_ =	sfence.sel $0x180000  }
0x7b: {  	[bflag:$0x0] =	sbarrier.arrive $0xFFFF  }
0x7c: {  	_ =	strace $0x90000047  }
0x7d: {  	[bflag:$0x2] =	sbarrier.arrive $0xFFFF  }
0x7e: {  	p0 =	sne.s32 s0, $0x0;
	s0 =	rddreg [dreg:$0x2]  }
0x7f: {  	s0 =	sadd.s32 @!p0 $0x100000, s0  }
0x80: {  	[sflag:s0] =	ssyncadd.tile.s32 @!p0 $0x1;
	_ =	shalt  }
.Lfunc_end2:
_tile_overlayer_lowered:
.L_overlay_start_2:
0x81: {  	(tag) =	ssettag $0x2  }
0x82: {  	s0 =	rddreg [dreg:$0x0];
	s2 =	stileid.u32  }
0x83: {  	s1 =	rddreg [dreg:$0x1];
	p0 =	sne.s32 s2, $0x0  }
0x84: {  	s3 =	rddreg [dreg:$0x2];
	[bflag:$0x3] =	sbarrier.arrive $0xFFFF;
	s2 =	simm.s32 @!p0 $0x1C03  }
0x85: {  	[timem:s3], [sflag:s2] =	dma.local @!p0 [hbm:s0], s1  }
0x86: {  	s0 =	simm.s32 @!p0 $0x3  }
0x87: {  	_ =	swait.ge @!p0 [sflag:s0], s1  }
0x88: {  	s1 =	ssub.s32 @!p0 $0x0, s1;
	[sflag:s0] =	ssyncset.done @!p0 $0x0  }
0x89: {  	[sflag:s0] =	ssyncadd.s32 @!p0 s1  }
0x8a: {  	[bflag:$0x3] =	sbarrier.arrive $0xFFFF  }
0x8b: {  	_ =	shalt  }

// kernel: kernel.16.cloned.1.call-start
scs
__scs_entry_jumppad:
0x0: {  	(pc) =	sbr.rel $0x88, $3  }
0x1: {  	(tag) =	ssettag $0x0;
	lr =	simm.s32 $0x1  }
0x2: {  	[smem:$0x3F91] =	sst lr;
	_ =	strace $0xD0000000  }
0x3: {  	_ = 	snop  }
0x4: {  	_ = 	snop  }
0x5: {  	_ = 	snop  }
0x6: {  	_ = 	snop  }
0x7: {  	_ = 	snop  }
__scs_overlays_trampoline_lowered:
0x8: {  	[smem:$0x3FA0] =	sst s0  }
0x9: {  	[smem:$0x3FA1] =	sst s1  }
0xa: {  	[smem:$0x3FA2] =	sst s2  }
0xb: {  	[smem:$0x3FA3] =	sst s3  }
0xc: {  	[smem:$0x3FA4] =	sst s4  }
0xd: {  	[smem:$0x3FA5] =	sst s5  }
0xe: {  	[smem:$0x3FA6] =	sst s6  }
0xf: {  	[smem:$0x3FA7] =	sst s7  }
0x10: {  	[smem:$0x3FA8] =	sst s8  }
0x11: {  	[smem:$0x3FA9] =	sst s9;
	s0 =	simm.s32 @!p0 $0x0  }
0x12: {  	s1 =	sld [smem:$0x3F8F];
	s0 =	simm.s32 @p0 $0x1  }
0x13: {  	[smem:$0x3FAA] =	sst s0;
	s0 =	simm.s32 @!p1 $0x0  }
0x14: {  	s2 =	sld [smem:$0x3F8E];
	s0 =	simm.s32 @p1 $0x1  }
0x15: {  	[smem:$0x3FAB] =	sst s0;
	s0 =	simm.s32 @!p2 $0x0  }
0x16: {  	s3 =	sld [smem:$0x3FDB];
	s0 =	simm.s32 @p2 $0x1  }
0x17: {  	s4 =	simm.s32 $0x1BF5;
	[smem:$0x3FAD] =	sst s0  }
0x18: {  	s0 =	sld [smem:$0x3F90];
	_ =	swait.ge [sflag:s4], $0x0  }
0x19: {  	s7 =	sld [smem:$0x3F91]  }
0x1a: {  	s8 =	sadd.s32 $0xFFFFE003, lr  }
0x1b: {  	s9 =	sadd.s32 $0xFFFFFEF7, lr;
	s5 =	simm.s32 $0xFFFFFFFF;
	p2 =	slt.u32 s8, $0xFFFFF086  }
0x1c: {  	p1 =	slt.u32 s9, $0xF7A;
	s5 =	simm.s32 @!p2 $0x0  }
0x1d: {  	s5 =	simm.s32 @p1 $0x1;
	p0 =	seq.s32 s7, s2  }
0x1e: {  	s7 =	smul.u32 @!p0 $0xF7A, s2;
	p2 =	seq.s32 @!p0 s5, $0x0  }
0x1f: {  	s9 =	smul.u32 $0xF7A, s1;
	s8 =	simm.s32 @!p0 $0x1BF5;
	p2 =	por !p2, p0  }
0x20: {  	[sflag:s8] =	ssyncset.s32 @!p0 $0xFFFFF086;
	s6 =	sadd.s32 @!p0 s3, s7;
	s7 =	simm.s32 @!p0 $0x108  }
0x21: {  	s3 =	sadd.s32 s3, s9;
	s6 =	sadd.s32 @!p0 $0x88, s6;
	s7 =	simm.s32 @p2 $0x1082  }
0x22: {  	[simem:s7], [sflag:s8] =	dma.local @!p0 [hbm:s6], $0xF7A  }
0x23: {  	s9 =	sor.u32 $0xD0000000, s2;
	s6 =	simm.s32 $0x108;
	_ =	swait.ge @!p0 [sflag:s8], $0x0  }
0x24: {  	s3 =	sadd.s32 $0x88, s3;
	s6 =	simm.s32 @!p1 $0x1082;
	[sflag:s4] =	ssyncset.s32 $0xFFFFF086  }
0x25: {  	[simem:s6], [sflag:s4] =	dma.local [hbm:s3], $0xF7A  }
0x26: {  	[smem:$0x3F91] =	sst s1;
	(tag) =	ssettag s2;
	_ =	strace s9  }
0x27: {  	s1 =	sld [smem:$0x3FA1]  }
0x28: {  	s2 =	sld [smem:$0x3FA2]  }
0x29: {  	s4 =	sld [smem:$0x3FA4]  }
0x2a: {  	p0 =	seq.s32 s5, $0x0;
	s5 =	sld [smem:$0x3FA5]  }
0x2b: {  	s6 =	sld [smem:$0x3FA6]  }
0x2c: {  	s7 =	sld [smem:$0x3FA7]  }
0x2d: {  	s3 =	simm.s32 $0x108;
	s8 =	sld [smem:$0x3FA8]  }
0x2e: {  	s3 =	simm.s32 @!p0 $0x1082;
	s9 =	sld [smem:$0x3FA9]  }
0x2f: {  	lr =	sadd.s32 s0, s3;
	s0 =	sld [smem:$0x3FA0]  }
0x30: {  	s3 =	sld [smem:$0x3FA3]  }
0x31: {  	[smem:$0x3FAC] =	sst s10  }
0x32: {  	s10 =	sld [smem:$0x3FAA];
	_ =	sdelay $0x3  }
0x33: {  	p0 =	seq.s32 s10, $0x1;
	s10 =	sld [smem:$0x3FAC];
	_ =	sdelay $0x3  }
0x34: {  	[smem:$0x3FAC] =	sst s10  }
0x35: {  	s10 =	sld [smem:$0x3FAB];
	_ =	sdelay $0x3  }
0x36: {  	p1 =	seq.s32 s10, $0x1;
	s10 =	sld [smem:$0x3FAC];
	_ =	sdelay $0x3  }
0x37: {  	[smem:$0x3FAC] =	sst s10  }
0x38: {  	s10 =	sld [smem:$0x3FAD]  }
0x39: {  	_ = 	snop;
	(pc) =	sbr.ind lr, $3  }
0x3a: {  	_ = 	snop  }
0x3b: {  	_ = 	snop  }
0x3c: {  	p2 =	seq.s32 s10, $0x1;
	s10 =	sld [smem:$0x3FAC]  }
0x3d: {  	_ =	shalt  }
0x3e: {  	_ =	shalt  }
0x3f: {  	_ =	shalt  }
0x40: {  	_ =	shalt  }
0x41: {  	_ =	shalt  }
0x42: {  	_ =	shalt  }
0x43: {  	_ =	shalt  }
0x44: {  	_ =	shalt  }
0x45: {  	_ =	shalt  }
0x46: {  	_ =	shalt  }
0x47: {  	_ =	shalt  }
0x48: {  	_ =	shalt  }
0x49: {  	_ =	shalt  }
0x4a: {  	_ =	shalt  }
0x4b: {  	_ =	shalt  }
0x4c: {  	_ =	shalt  }
0x4d: {  	_ =	shalt  }
0x4e: {  	_ =	shalt  }
0x4f: {  	_ =	shalt  }
0x50: {  	_ =	shalt  }
0x51: {  	_ =	shalt  }
0x52: {  	_ =	shalt  }
0x53: {  	_ =	shalt  }
0x54: {  	_ =	shalt  }
0x55: {  	_ =	shalt  }
0x56: {  	_ =	shalt  }
0x57: {  	_ =	shalt  }
0x58: {  	_ =	shalt  }
0x59: {  	_ =	shalt  }
0x5a: {  	_ =	shalt  }
0x5b: {  	_ =	shalt  }
0x5c: {  	_ =	shalt  }
0x5d: {  	_ =	shalt  }
0x5e: {  	_ =	shalt  }
0x5f: {  	_ =	shalt  }
0x60: {  	_ =	shalt  }
0x61: {  	_ =	shalt  }
0x62: {  	_ =	shalt  }
0x63: {  	_ =	shalt  }
0x64: {  	_ =	shalt  }
0x65: {  	_ =	shalt  }
0x66: {  	_ =	shalt  }
0x67: {  	_ =	shalt  }
0x68: {  	_ =	shalt  }
0x69: {  	_ =	shalt  }
0x6a: {  	_ =	shalt  }
0x6b: {  	_ =	shalt  }
0x6c: {  	_ =	shalt  }
0x6d: {  	_ =	shalt  }
0x6e: {  	_ =	shalt  }
0x6f: {  	_ =	shalt  }
0x70: {  	_ =	shalt  }
0x71: {  	_ =	shalt  }
0x72: {  	_ =	shalt  }
0x73: {  	_ =	shalt  }
0x74: {  	_ =	shalt  }
0x75: {  	_ =	shalt  }
0x76: {  	_ =	shalt  }
0x77: {  	_ =	shalt  }
0x78: {  	_ =	shalt  }
0x79: {  	_ =	shalt  }
0x7a: {  	_ =	shalt  }
0x7b: {  	_ =	shalt  }
0x7c: {  	_ =	shalt  }
0x7d: {  	_ =	shalt  }
0x7e: {  	_ =	shalt  }
0x7f: {  	_ =	shalt  }
0x80: {  	_ =	shalt  }
0x81: {  	_ =	shalt  }
0x82: {  	_ =	shalt  }
0x83: {  	_ =	shalt  }
0x84: {  	_ =	shalt  }
0x85: {  	_ =	shalt  }
0x86: {  	_ =	shalt  }
0x87: {  	_ =	shalt  }
.Lfunc_end0:
.L_simem_size_0:
called_computation.1_lowered:
.L_overlay_start_0:
0x88: {  	s2 =	sld [smem:$0x3FD9]  }
0x89: {  	s3 =	sld [smem:$0x3FFE];
	_ =	sdelay $0x1  }
0x8a: {  	s1 =	srdreg.scid  }
0x8b: {  	s0 =	sand.u32 $0x1, s1  }
0x8c: {  	s16 =	sshll.u32 s0, $0xA;
	s2 =	sadd.s32 s3, s2  }
0x8d: {  	s2 =	sadd.s32 s2, s16  }
0x8e: {  	[smem:$0x3FB8] =	sst s2  }
0x8f: {  	_ = 	snop  }
0x90: {  	(tm) =	ssettm $0x1  }
0x91: {  	s17 =	sld [smem:$0x3FFB];
	_ =	sdelay $0x3  }
0x92: {  	_ =	strace s17  }
0x93: {  	s2 =	sld [smem:$0x3FFC];
	_ =	sdelay $0x3  }
0x94: {  	_ =	strace s2  }
0x95: {  	s2 =	sld [smem:$0x3FFD];
	_ =	sdelay $0x3  }
0x96: {  	_ =	strace s2  }
0x97: {  	_ =	strace $0x8FFFFFFF  }
0x98: {  	s18 =	sld [smem:$0x3FDB];
	_ =	sdelay $0x1  }
0x99: {  	s19 =	simm.s32 $_scs_section_size  }
0x9a: {  	s4 =	simm.s32 $_size__tile_overlayer_lowered;
	s5 =	simm.s32 $_tile_overlayer_lowered  }
0x9b: {  	s22 =	simm.s32 $0x1BFF;
	s21 =	sshll.u32 s5, $0x1;
	s2 =	sadd.s32 s19, s18  }
0x9c: {  	s6 =	simm.s32 $0x0;
	s20 =	sshll.u32 s4, $0x1;
	s4 =	sadd.s32 s21, s2  }
0x9d: {  	[timem:s6], [sflag:s22] =	dma.local [hbm:s4], s20  }
0x9e: {  	_ =	swait.ge [sflag:s22], s20  }
0x9f: {  	s3 =	ssub.s32 $0x0, s20;
	[sflag:s22] =	ssyncset.done $0x0  }
0xa0: {  	[sflag:s22] =	ssyncadd.s32 s3;
	_ =	sdelay $0x1  }
0xa1: {  	s23 =	simm.s32 $0x1B8B  }
0xa2: {  	_ =	swait.ge [sflag:s23], $0x1  }
0xa3: {  	[sflag:s23] =	ssyncset.done $0x0  }
0xa4: {  	s25 =	simm.s32 $0x1B8E;
	s24 =	sld [smem:$0x3FFE];
	[sflag:s23] =	ssyncadd.s32 $0xFFFFFFFF  }
0xa5: {  	s26 =	simm.s32 $execute0_lowered;
	[smem:$0x3FD2] =	sst s25  }
0xa6: {  	s4 =	sshll.u32 s26, $0x1;
	_ =	strace $0x80000049;
	[dreg:$0x1] =	wrdreg $0xFFFFFFFF  }
0xa7: {  	s28 =	simm.s32 $_size_execute0_lowered;
	s2 =	sadd.s32 s2, s4;
	[dreg:$0x0] =	wrdreg $0x0  }
0xa8: {  	s4 =	sshll.u32 s28, $0x1;
	[dreg:$0x2] =	wrdreg s2  }
0xa9: {  	[dreg:$0x3] =	wrdreg s4  }
0xaa: {  	[dreg:$0x4] =	wrdreg $0xC0  }
0xab: {  	_ =	task [dreg:s6], $0x5FFFF  }
0xac: {  	[dreg:$0x1] =	wrdreg $0xFFFFFFFF  }
0xad: {  	[dreg:$0x0] =	wrdreg $0x60  }
0xae: {  	[dreg:$0x2] =	wrdreg s24  }
0xaf: {  	[dreg:$0x3] =	wrdreg $0xCD800  }
0xb0: {  	[dreg:$0x4] =	wrdreg $0x9  }
0xb1: {  	_ =	task.clear_ibuf [dreg:s6], $0x5FFFF;
	_ =	strace $0x90000049  }
0xb2: {  	s29 =	simm.s32 $0x9;
	_ =	strace $0x8000004B  }
0xb3: {  	_ =	swait.ge [sflag:s29], $0x1  }
0xb4: {  	[sflag:s29] =	ssyncadd.s32 $0xFFFFFFFF  }
0xb5: {  	_ =	strace $0x9000004B  }
0xb6: {  	_ =	sfence  }
0xb7: {  	s30 =	sld [smem:$0x0];
	_ =	sdelay $0x2  }
0xb8: {  	s31 =	sshll.u32 s1, $0xD;
	s1 =	sshrl.u32 s1, $0x2  }
0xb9: {  	s3 =	sand.u32 $0x4000, s31;
	s1 =	sadd.s32 s1, s30  }
0xba: {  	s0 =	sor.u32 s3, s0;
	s1 =	sshll.u32 s1, $0x11  }
0xbb: {  	s0 =	sor.u32 s1, s0  }
0xbc: {  	s0 =	sadd.s32 $0x8F2B, s0  }
0xbd: {  	[sflag:s0] =	ssyncadd.remote.s32 $0x1  }
0xbe: {  	_ =	sfence.sel $0xFFFF  }
0xbf: {  	[dreg:$0x0] =	wrdreg $0xFFFFFFFF;
	(pc) =	sbr.abs _section_cstart, $3  }
0xc0: {  	[dreg:$0x1] =	wrdreg $0xFFFFFFFF  }
0xc1: {  	_ =	task.clear_ibuf [dreg:s6], $0x2FFFF;
	_ =	strace $0x9FFFFFFF  }
0xc2: {  	(tm) =	ssettm $0x7FFFFFFF  }
0xc3: {  	_ =	shalt  }
tec
execute0_lowered:
.L_overlay_start_1:
0x0: {  	(tag) =	ssettag $0x1  }
0x1: {  	s0 =	srdreg.scid;
	s6 =	rddreg [dreg:$0x0]  }
0x2: {  	s2 =	rddreg [dreg:$0x1];
	s3 =	simm.s32 $0x0;
	s16 =	simm.s32 $0x3  }
0x3: {  	s17 =	simm.s32 $0x4EC0;
	s18 =	simm.s32 $0x9D80;
	s19 =	simm.s32 $0x60  }
0x4: {  	s20 =	simm.s32 $0xB580;
	s21 =	simm.s32 $0x1;
	s22 =	simm.s32 $0x2  }
0x5: {  	s23 =	simm.s32 $0x4E60;
	s24 =	simm.s32 $0x9CC0;
	s25 =	simm.s32 $0x9D20  }
0x6: {  	s26 =	simm.s32 $0x0;
	s5 =	sand.u32 $0x1, s0;
	s0 =	stileid.u32  }
0x7: {  	[smem:$0x7FF] =	sst s3;
	s4 =	sadd.s32 $0x4D600, s6;
	s8 =	smul.u32 $0x1400, s0  }
0x8: {  	s1 =	sshll.u32 s5, $0x4;
	s9 =	smul.u32 $0x14000, s5;
	_ =	strace $0x8000004A  }
0x9: {  	s10 =	smul.u32 $0x28000, s0;
	s5 =	ssub.s32 $0x2, s5;
	s1 =	sor.u32 s0, s1  }
0xa: {  	s31 =	sshrl.u32 s5, $0x1;
	s7 =	smul.u32 $0x9D8, s1;
	s8 =	sadd.s32 s8, s9  }
0xb: {  	s10 =	sshrl.u32 s10, $0x2;
	s15 =	ssub.s32 s5, s31;
	s14 =	sadd.s32 s8, s6  }
0xc: {  	s5 =	sadd.s32 s10, s2;
	s15 =	smax.u32 s15, $0x1;
	s7 =	sadd.s32 s7, s6  }
0xd: {  	s8 =	sadd.s32 $0x1800, s5;
	s9 =	sadd.s32 $0x3000, s5;
	s10 =	sadd.s32 $0x4800, s5  }
0xe: {  	s11 =	sadd.s32 $0x6000, s5;
	s12 =	sadd.s32 $0x7800, s5;
	s13 =	sadd.s32 $0x9000, s5  }
0xf: {  	v0 =	vimm.f32 $0.0e+00;
	s14 =	sadd.s32 $0x75600, s14;
	s6 =	sadd.s32 $0x25E00, s7;
	s7 =	sadd.s32 $0x39A00, s7  }
.LBB2_1:
0x10: {  	[tilespmem:s3], [sflag:$0x3] =	stream.linear.gather [hbm4b:s6+s3], $0x4EC0, $0x38;
	[tilespmem:$0x16D80] =	vst v63  }
0x11: {  	_ =	swait.ge [sflag:s16], $0x4EC0  }
0x12: {  	[sflag:s16] =	ssyncset.done $0x0  }
0x13: {  	[sflag:s16] =	ssyncadd.s32 $0xFFFFB140  }
0x14: {  	[tilespmem:s17], [sflag:$0x3] =	stream.linear.gather [hbm4b:s7+s3], $0x4EC0, $0x38;
	[tilespmem:$0x16D80] =	vst v63  }
0x15: {  	_ =	swait.ge [sflag:s16], $0x4EC0  }
0x16: {  	[sflag:s16] =	ssyncset.done $0x0  }
0x17: {  	s29 =	simm.s32 $0x100;
	s28 =	simm.s32 $0x0;
	[sflag:s16] =	ssyncadd.s32 $0xFFFFB140  }
.LBB2_2:
0x18: {  	p0 =	sne.s32 s29, $0x5F00;
	[tilespmem:s28+$0x9DB0] =	vst v0;
	s30 =	smov.u32 s29;
	s29 =	sadd.s32 $0x100, s29  }
.Ltmp0:
0x19: {  	[tilespmem:s28+$0x9DA0] =	vst v0;
	(pc) =	sbr.rel @p0 .LBB2_2-.Ltmp0, $3  }
0x1a: {  	[tilespmem:s28+$0x9D80] =	vst v0  }
0x1b: {  	[tilespmem:s28+$0x9D90] =	vst v0;
	_ =	sdelay $0x1  }
0x1c: {  	s28 =	sshra.s32 s30, $0x2  }
0x1d: {  	[tilespmem:s28+$0x9DB0] =	vst v0  }
0x1e: {  	[tilespmem:s28+$0x9DA0] =	vst v0  }
0x1f: {  	[tilespmem:s28+$0x9D80] =	vst v0  }
0x20: {  	[tilespmem:s28+$0x9D90] =	vst v0  }
0x21: {  	[spmem:s5] =	stream.linear.scatter [tilespmem:s18], [sflag:$0x3], $0x1800, $0x38;
	[tilespmem:$0x16D80] =	vst v63  }
0x22: {  	_ =	swait.ge [sflag:s16], $0x1800  }
0x23: {  	[sflag:s16] =	ssyncset.done $0x0  }
0x24: {  	[sflag:s16] =	ssyncadd.s32 $0xFFFFE800  }
0x25: {  	[spmem:s8] =	stream.linear.scatter [tilespmem:s18], [sflag:$0x3], $0x1800, $0x38;
	[tilespmem:$0x16D80] =	vst v63  }
0x26: {  	_ =	swait.ge [sflag:s16], $0x1800  }
0x27: {  	[sflag:s16] =	ssyncset.done $0x0  }
0x28: {  	[sflag:s16] =	ssyncadd.s32 $0xFFFFE800  }
0x29: {  	[spmem:s9] =	stream.linear.scatter [tilespmem:s18], [sflag:$0x3], $0x1800, $0x38;
	[tilespmem:$0x16D80] =	vst v63  }
0x2a: {  	_ =	swait.ge [sflag:s16], $0x1800  }
0x2b: {  	[sflag:s16] =	ssyncset.done $0x0  }
0x2c: {  	[sflag:s16] =	ssyncadd.s32 $0xFFFFE800  }
0x2d: {  	[spmem:s10] =	stream.linear.scatter [tilespmem:s18], [sflag:$0x3], $0x1800, $0x38;
	[tilespmem:$0x16D80] =	vst v63  }
0x2e: {  	_ =	swait.ge [sflag:s16], $0x1800  }
0x2f: {  	[sflag:s16] =	ssyncset.done $0x0  }
0x30: {  	[sflag:s16] =	ssyncadd.s32 $0xFFFFE800  }
0x31: {  	[spmem:s11] =	stream.linear.scatter [tilespmem:s18], [sflag:$0x3], $0x1800, $0x38;
	[tilespmem:$0x16D80] =	vst v63  }
0x32: {  	_ =	swait.ge [sflag:s16], $0x1800  }
0x33: {  	[sflag:s16] =	ssyncset.done $0x0  }
0x34: {  	[sflag:s16] =	ssyncadd.s32 $0xFFFFE800  }
0x35: {  	[spmem:s12] =	stream.linear.scatter [tilespmem:s18], [sflag:$0x3], $0x1800, $0x38;
	[tilespmem:$0x16D80] =	vst v63  }
0x36: {  	_ =	swait.ge [sflag:s16], $0x1800  }
0x37: {  	[sflag:s16] =	ssyncset.done $0x0  }
0x38: {  	[sflag:s16] =	ssyncadd.s32 $0xFFFFE800  }
0x39: {  	[spmem:s13] =	stream.linear.scatter [tilespmem:s18], [sflag:$0x3], $0x1000, $0x38;
	[tilespmem:$0x16D80] =	vst v63  }
0x3a: {  	_ =	swait.ge [sflag:s16], $0x1000  }
0x3b: {  	[sflag:s16] =	ssyncset.done $0x0  }
0x3c: {  	[sflag:s16] =	ssyncadd.s32 $0xFFFFF000  }
0x3d: {  	s28 =	simm.s32 $0x0;
	[bflag:$0x0] =	sbarrier.arrive $0xFFFF  }
0x3e: {  	[tilespmem:s18], [sflag:$0x1] =	stream.indirect.gather [hbm4b:s4+s19], $0x40, s28, s19, $0xb8;
	[tilespmem:$0x16D80] =	vst v63  }
0x3f: {  	s28 =	simm.s32 $0x60  }
0x40: {  	[tilespmem:s20], [sflag:$0x2] =	stream.indirect.gather [hbm4b:s4+s19], $0x40, s28, s19, $0xb8;
	[tilespmem:$0x16D80] =	vst v63  }
0x41: {  	_ =	swait.ge [sflag:s21], $0x1800  }
0x42: {  	[sflag:s21] =	ssyncset.done $0x0  }
0x43: {  	s28 =	simm.s32 $0x4EC0;
	[sflag:s21] =	ssyncadd.s32 $0xFFFFE800  }
0x44: {  	[spmem:s2] =	stream.indirect.scatter.add.f32 [tilespmem:s18], [sflag:$0x3], $0x40, s28, s19, $0xb8;
	[tilespmem:$0x16D80] =	vst v63  }
0x45: {  	_ =	swait.ge [sflag:s16], $0x1800  }
0x46: {  	[sflag:s16] =	ssyncset.done $0x0  }
0x47: {  	s28 =	simm.s32 $0xC0;
	[sflag:s16] =	ssyncadd.s32 $0xFFFFE800  }
0x48: {  	[tilespmem:s18], [sflag:$0x1] =	stream.indirect.gather [hbm4b:s4+s19], $0x40, s28, s19, $0xb8;
	[tilespmem:$0x16D80] =	vst v63  }
0x49: {  	_ =	swait.ge [sflag:s22], $0x1800  }
0x4a: {  	[sflag:s22] =	ssyncset.done $0x0  }
0x4b: {  	s28 =	simm.s32 $0x4F20;
	[sflag:s22] =	ssyncadd.s32 $0xFFFFE800  }
0x4c: {  	[spmem:s2] =	stream.indirect.scatter.add.f32 [tilespmem:s20], [sflag:$0x3], $0x40, s28, s19, $0xb8;
	[tilespmem:$0x16D80] =	vst v63  }
0x4d: {  	_ =	swait.ge [sflag:s16], $0x1800  }
0x4e: {  	s29 =	simm.s32 $0x600;
	s28 =	simm.s32 $0xC0;
	[sflag:s16] =	ssyncset.done $0x0  }
.LBB2_4:
0x4f: {  	s30 =	sadd.s32 $0x60, s28  }
0x50: {  	[sflag:s16] =	ssyncadd.s32 $0xFFFFE800;
	s31 =	smov.u32 s29;
	s1 =	sadd.s32 $0x300, s29  }
0x51: {  	[tilespmem:s20], [sflag:$0x2] =	stream.indirect.gather [hbm4b:s4+s19], $0x40, s30, s19, $0xb8;
	[tilespmem:$0x16D80] =	vst v63  }
0x52: {  	p0 =	sne.s32 s29, $0x13500;
	_ =	swait.ge [sflag:s21], $0x1800  }
0x53: {  	[sflag:s21] =	ssyncset.done $0x0  }
0x54: {  	s29 =	sadd.s32 $0x4EC0, s28;
	[sflag:s21] =	ssyncadd.s32 $0xFFFFE800  }
0x55: {  	[spmem:s2] =	stream.indirect.scatter.add.f32 [tilespmem:s18], [sflag:$0x3], $0x40, s29, s19, $0xb8;
	[tilespmem:$0x16D80] =	vst v63  }
0x56: {  	_ =	swait.ge [sflag:s16], $0x1800  }
0x57: {  	[sflag:s16] =	ssyncset.done $0x0  }
0x58: {  	s29 =	sadd.s32 $0xC0, s28;
	[sflag:s16] =	ssyncadd.s32 $0xFFFFE800  }
0x59: {  	[tilespmem:s18], [sflag:$0x1] =	stream.indirect.gather [hbm4b:s4+s19], $0x40, s29, s19, $0xb8;
	[tilespmem:$0x16D80] =	vst v63  }
0x5a: {  	_ =	swait.ge [sflag:s22], $0x1800  }
.Ltmp1:
0x5b: {  	[sflag:s22] =	ssyncset.done $0x0;
	(pc) =	sbr.rel @p0 .LBB2_4-.Ltmp1, $4  }
0x5c: {  	s28 =	sadd.s32 $0x4F20, s28;
	[sflag:s22] =	ssyncadd.s32 $0xFFFFE800  }
0x5d: {  	[spmem:s2] =	stream.indirect.scatter.add.f32 [tilespmem:s20], [sflag:$0x3], $0x40, s28, s19, $0xb8;
	[tilespmem:$0x16D80] =	vst v63  }
0x5e: {  	_ =	swait.ge [sflag:s16], $0x1800  }
0x5f: {  	s29 =	smov.u32 s1;
	s28 =	sshra.s32 s31, $0x2;
	[sflag:s16] =	ssyncset.done $0x0  }
0x60: {  	s1 =	sadd.s32 $0x60, s28;
	[sflag:s16] =	ssyncadd.s32 $0xFFFFE800  }
0x61: {  	[tilespmem:s20], [sflag:$0x2] =	stream.indirect.gather [hbm4b:s4+s19], $0x40, s1, s19, $0xb8;
	[tilespmem:$0x16D80] =	vst v63  }
0x62: {  	_ =	swait.ge [sflag:s21], $0x1800  }
0x63: {  	[sflag:s21] =	ssyncset.done $0x0  }
0x64: {  	s30 =	sadd.s32 $0x4EC0, s28;
	[sflag:s21] =	ssyncadd.s32 $0xFFFFE800  }
0x65: {  	[spmem:s2] =	stream.indirect.scatter.add.f32 [tilespmem:s18], [sflag:$0x3], $0x40, s30, s19, $0xb8;
	[tilespmem:$0x16D80] =	vst v63  }
0x66: {  	_ =	swait.ge [sflag:s16], $0x1800  }
0x67: {  	[sflag:s16] =	ssyncset.done $0x0  }
0x68: {  	s31 =	sadd.s32 $0xC0, s28;
	[sflag:s16] =	ssyncadd.s32 $0xFFFFE800  }
0x69: {  	[tilespmem:s18], [sflag:$0x1] =	stream.indirect.gather [hbm4b:s4+s19], $0x40, s31, s19, $0xb8;
	[tilespmem:$0x16D80] =	vst v63  }
0x6a: {  	_ =	swait.ge [sflag:s22], $0x1800  }
0x6b: {  	[sflag:s22] =	ssyncset.done $0x0  }
0x6c: {  	s29 =	sadd.s32 $0x4F20, s28;
	[sflag:s22] =	ssyncadd.s32 $0xFFFFE800  }
0x6d: {  	[spmem:s2] =	stream.indirect.scatter.add.f32 [tilespmem:s20], [sflag:$0x3], $0x40, s29, s19, $0xb8;
	[tilespmem:$0x16D80] =	vst v63  }
0x6e: {  	_ =	swait.ge [sflag:s16], $0x1800  }
0x6f: {  	[sflag:s16] =	ssyncset.done $0x0  }
0x70: {  	[sflag:s16] =	ssyncadd.s32 $0xFFFFE800  }
0x71: {  	[tilespmem:s20], [sflag:$0x2] =	stream.indirect.gather [hbm4b:s4+s19], $0x40, s23, s19, $0xb8;
	[tilespmem:$0x16D80] =	vst v63  }
0x72: {  	_ =	swait.ge [sflag:s21], $0x1800  }
0x73: {  	[sflag:s21] =	ssyncset.done $0x0  }
0x74: {  	[sflag:s21] =	ssyncadd.s32 $0xFFFFE800  }
0x75: {  	[spmem:s2] =	stream.indirect.scatter.add.f32 [tilespmem:s18], [sflag:$0x3], $0x40, s24, s19, $0xb8;
	[tilespmem:$0x16D80] =	vst v63  }
0x76: {  	_ =	swait.ge [sflag:s16], $0x1800  }
0x77: {  	[sflag:s16] =	ssyncset.done $0x0  }
0x78: {  	[sflag:s16] =	ssyncadd.s32 $0xFFFFE800  }
0x79: {  	_ =	swait.ge [sflag:s22], $0x1800  }
0x7a: {  	[sflag:s22] =	ssyncset.done $0x0  }
0x7b: {  	[sflag:s22] =	ssyncadd.s32 $0xFFFFE800  }
0x7c: {  	[spmem:s2] =	stream.indirect.scatter.add.f32 [tilespmem:s20], [sflag:$0x3], $0x40, s25, s19, $0xb8;
	[tilespmem:$0x16D80] =	vst v63  }
0x7d: {  	_ =	swait.ge [sflag:s16], $0x1800  }
0x7e: {  	s26 =	sadd.s32 $0x1, s26;
	s30 =	sshll.u32 s0, $0x6;
	[sflag:s16] =	ssyncset.done $0x0  }
0x7f: {  	p0 =	sne.s32 s26, s15;
	s1 =	sor.u32 $0x1C03, s30;
	[sflag:s16] =	ssyncadd.s32 $0xFFFFE800  }
.Ltmp2:
0x80: {  	s31 =	sshrl.u32 s5, $0x3;
	[bflag:$0x0] =	sbarrier.arrive $0xFFFF;
	(pc) =	sbr.rel @p0 .LBB2_1-.Ltmp2, $4  }
0x81: {  	[hbm:s14], [sflag:s1] =	dma.local [spmem:s31], $0x1400  }
0x82: {  	_ =	swait.ge [sflag:s16], $0x1400  }
0x83: {  	[sflag:s16] =	ssyncset.done $0x0  }
0x84: {  	[sflag:s16] =	ssyncadd.s32 $0xFFFFEC00  }
0x85: {  	_ =	sfence.sel $0x180000  }
0x86: {  	[bflag:$0x0] =	sbarrier.arrive $0xFFFF  }
0x87: {  	_ =	strace $0x9000004A  }
0x88: {  	[bflag:$0x2] =	sbarrier.arrive $0xFFFF  }
0x89: {  	p0 =	sne.s32 s0, $0x0;
	s0 =	rddreg [dreg:$0x2]  }
0x8a: {  	s0 =	sadd.s32 @!p0 $0x100000, s0  }
0x8b: {  	[sflag:s0] =	ssyncadd.tile.s32 @!p0 $0x1;
	_ =	shalt  }
.Lfunc_end2:
_tile_overlayer_lowered:
.L_overlay_start_2:
0x8c: {  	(tag) =	ssettag $0x2  }
0x8d: {  	s0 =	rddreg [dreg:$0x0];
	s2 =	stileid.u32  }
0x8e: {  	s1 =	rddreg [dreg:$0x1];
	p0 =	sne.s32 s2, $0x0  }
0x8f: {  	s3 =	rddreg [dreg:$0x2];
	[bflag:$0x3] =	sbarrier.arrive $0xFFFF;
	s2 =	simm.s32 @!p0 $0x1C03  }
0x90: {  	[timem:s3], [sflag:s2] =	dma.local @!p0 [hbm:s0], s1  }
0x91: {  	s0 =	simm.s32 @!p0 $0x3  }
0x92: {  	_ =	swait.ge @!p0 [sflag:s0], s1  }
0x93: {  	s1 =	ssub.s32 @!p0 $0x0, s1;
	[sflag:s0] =	ssyncset.done @!p0 $0x0  }
0x94: {  	[sflag:s0] =	ssyncadd.s32 @!p0 s1  }
0x95: {  	[bflag:$0x3] =	sbarrier.arrive $0xFFFF  }
0x96: {  	_ =	shalt  }

// kernel: kernel.19.cloned.1.call-start
scs
__scs_entry_jumppad:
0x0: {  	(pc) =	sbr.rel $0x88, $3  }
0x1: {  	(tag) =	ssettag $0x0;
	lr =	simm.s32 $0x1  }
0x2: {  	[smem:$0x3F91] =	sst lr;
	_ =	strace $0xD0000000  }
0x3: {  	_ = 	snop  }
0x4: {  	_ = 	snop  }
0x5: {  	_ = 	snop  }
0x6: {  	_ = 	snop  }
0x7: {  	_ = 	snop  }
__scs_overlays_trampoline_lowered:
0x8: {  	[smem:$0x3FA0] =	sst s0  }
0x9: {  	[smem:$0x3FA1] =	sst s1  }
0xa: {  	[smem:$0x3FA2] =	sst s2  }
0xb: {  	[smem:$0x3FA3] =	sst s3  }
0xc: {  	[smem:$0x3FA4] =	sst s4  }
0xd: {  	[smem:$0x3FA5] =	sst s5  }
0xe: {  	[smem:$0x3FA6] =	sst s6  }
0xf: {  	[smem:$0x3FA7] =	sst s7  }
0x10: {  	[smem:$0x3FA8] =	sst s8  }
0x11: {  	[smem:$0x3FA9] =	sst s9;
	s0 =	simm.s32 @!p0 $0x0  }
0x12: {  	s1 =	sld [smem:$0x3F8F];
	s0 =	simm.s32 @p0 $0x1  }
0x13: {  	[smem:$0x3FAA] =	sst s0;
	s0 =	simm.s32 @!p1 $0x0  }
0x14: {  	s2 =	sld [smem:$0x3F8E];
	s0 =	simm.s32 @p1 $0x1  }
0x15: {  	[smem:$0x3FAB] =	sst s0;
	s0 =	simm.s32 @!p2 $0x0  }
0x16: {  	s3 =	sld [smem:$0x3FDB];
	s0 =	simm.s32 @p2 $0x1  }
0x17: {  	s4 =	simm.s32 $0x1BF5;
	[smem:$0x3FAD] =	sst s0  }
0x18: {  	s0 =	sld [smem:$0x3F90];
	_ =	swait.ge [sflag:s4], $0x0  }
0x19: {  	s7 =	sld [smem:$0x3F91]  }
0x1a: {  	s8 =	sadd.s32 $0xFFFFE003, lr  }
0x1b: {  	s9 =	sadd.s32 $0xFFFFFEF7, lr;
	s5 =	simm.s32 $0xFFFFFFFF;
	p2 =	slt.u32 s8, $0xFFFFF086  }
0x1c: {  	p1 =	slt.u32 s9, $0xF7A;
	s5 =	simm.s32 @!p2 $0x0  }
0x1d: {  	s5 =	simm.s32 @p1 $0x1;
	p0 =	seq.s32 s7, s2  }
0x1e: {  	s7 =	smul.u32 @!p0 $0xF7A, s2;
	p2 =	seq.s32 @!p0 s5, $0x0  }
0x1f: {  	s9 =	smul.u32 $0xF7A, s1;
	s8 =	simm.s32 @!p0 $0x1BF5;
	p2 =	por !p2, p0  }
0x20: {  	[sflag:s8] =	ssyncset.s32 @!p0 $0xFFFFF086;
	s6 =	sadd.s32 @!p0 s3, s7;
	s7 =	simm.s32 @!p0 $0x108  }
0x21: {  	s3 =	sadd.s32 s3, s9;
	s6 =	sadd.s32 @!p0 $0x88, s6;
	s7 =	simm.s32 @p2 $0x1082  }
0x22: {  	[simem:s7], [sflag:s8] =	dma.local @!p0 [hbm:s6], $0xF7A  }
0x23: {  	s9 =	sor.u32 $0xD0000000, s2;
	s6 =	simm.s32 $0x108;
	_ =	swait.ge @!p0 [sflag:s8], $0x0  }
0x24: {  	s3 =	sadd.s32 $0x88, s3;
	s6 =	simm.s32 @!p1 $0x1082;
	[sflag:s4] =	ssyncset.s32 $0xFFFFF086  }
0x25: {  	[simem:s6], [sflag:s4] =	dma.local [hbm:s3], $0xF7A  }
0x26: {  	[smem:$0x3F91] =	sst s1;
	(tag) =	ssettag s2;
	_ =	strace s9  }
0x27: {  	s1 =	sld [smem:$0x3FA1]  }
0x28: {  	s2 =	sld [smem:$0x3FA2]  }
0x29: {  	s4 =	sld [smem:$0x3FA4]  }
0x2a: {  	p0 =	seq.s32 s5, $0x0;
	s5 =	sld [smem:$0x3FA5]  }
0x2b: {  	s6 =	sld [smem:$0x3FA6]  }
0x2c: {  	s7 =	sld [smem:$0x3FA7]  }
0x2d: {  	s3 =	simm.s32 $0x108;
	s8 =	sld [smem:$0x3FA8]  }
0x2e: {  	s3 =	simm.s32 @!p0 $0x1082;
	s9 =	sld [smem:$0x3FA9]  }
0x2f: {  	lr =	sadd.s32 s0, s3;
	s0 =	sld [smem:$0x3FA0]  }
0x30: {  	s3 =	sld [smem:$0x3FA3]  }
0x31: {  	[smem:$0x3FAC] =	sst s10  }
0x32: {  	s10 =	sld [smem:$0x3FAA];
	_ =	sdelay $0x3  }
0x33: {  	p0 =	seq.s32 s10, $0x1;
	s10 =	sld [smem:$0x3FAC];
	_ =	sdelay $0x3  }
0x34: {  	[smem:$0x3FAC] =	sst s10  }
0x35: {  	s10 =	sld [smem:$0x3FAB];
	_ =	sdelay $0x3  }
0x36: {  	p1 =	seq.s32 s10, $0x1;
	s10 =	sld [smem:$0x3FAC];
	_ =	sdelay $0x3  }
0x37: {  	[smem:$0x3FAC] =	sst s10  }
0x38: {  	s10 =	sld [smem:$0x3FAD]  }
0x39: {  	_ = 	snop;
	(pc) =	sbr.ind lr, $3  }
0x3a: {  	_ = 	snop  }
0x3b: {  	_ = 	snop  }
0x3c: {  	p2 =	seq.s32 s10, $0x1;
	s10 =	sld [smem:$0x3FAC]  }
0x3d: {  	_ =	shalt  }
0x3e: {  	_ =	shalt  }
0x3f: {  	_ =	shalt  }
0x40: {  	_ =	shalt  }
0x41: {  	_ =	shalt  }
0x42: {  	_ =	shalt  }
0x43: {  	_ =	shalt  }
0x44: {  	_ =	shalt  }
0x45: {  	_ =	shalt  }
0x46: {  	_ =	shalt  }
0x47: {  	_ =	shalt  }
0x48: {  	_ =	shalt  }
0x49: {  	_ =	shalt  }
0x4a: {  	_ =	shalt  }
0x4b: {  	_ =	shalt  }
0x4c: {  	_ =	shalt  }
0x4d: {  	_ =	shalt  }
0x4e: {  	_ =	shalt  }
0x4f: {  	_ =	shalt  }
0x50: {  	_ =	shalt  }
0x51: {  	_ =	shalt  }
0x52: {  	_ =	shalt  }
0x53: {  	_ =	shalt  }
0x54: {  	_ =	shalt  }
0x55: {  	_ =	shalt  }
0x56: {  	_ =	shalt  }
0x57: {  	_ =	shalt  }
0x58: {  	_ =	shalt  }
0x59: {  	_ =	shalt  }
0x5a: {  	_ =	shalt  }
0x5b: {  	_ =	shalt  }
0x5c: {  	_ =	shalt  }
0x5d: {  	_ =	shalt  }
0x5e: {  	_ =	shalt  }
0x5f: {  	_ =	shalt  }
0x60: {  	_ =	shalt  }
0x61: {  	_ =	shalt  }
0x62: {  	_ =	shalt  }
0x63: {  	_ =	shalt  }
0x64: {  	_ =	shalt  }
0x65: {  	_ =	shalt  }
0x66: {  	_ =	shalt  }
0x67: {  	_ =	shalt  }
0x68: {  	_ =	shalt  }
0x69: {  	_ =	shalt  }
0x6a: {  	_ =	shalt  }
0x6b: {  	_ =	shalt  }
0x6c: {  	_ =	shalt  }
0x6d: {  	_ =	shalt  }
0x6e: {  	_ =	shalt  }
0x6f: {  	_ =	shalt  }
0x70: {  	_ =	shalt  }
0x71: {  	_ =	shalt  }
0x72: {  	_ =	shalt  }
0x73: {  	_ =	shalt  }
0x74: {  	_ =	shalt  }
0x75: {  	_ =	shalt  }
0x76: {  	_ =	shalt  }
0x77: {  	_ =	shalt  }
0x78: {  	_ =	shalt  }
0x79: {  	_ =	shalt  }
0x7a: {  	_ =	shalt  }
0x7b: {  	_ =	shalt  }
0x7c: {  	_ =	shalt  }
0x7d: {  	_ =	shalt  }
0x7e: {  	_ =	shalt  }
0x7f: {  	_ =	shalt  }
0x80: {  	_ =	shalt  }
0x81: {  	_ =	shalt  }
0x82: {  	_ =	shalt  }
0x83: {  	_ =	shalt  }
0x84: {  	_ =	shalt  }
0x85: {  	_ =	shalt  }
0x86: {  	_ =	shalt  }
0x87: {  	_ =	shalt  }
.Lfunc_end0:
.L_simem_size_0:
called_computation.2_lowered:
.L_overlay_start_0:
0x88: {  	s2 =	sld [smem:$0x3FD9]  }
0x89: {  	s3 =	sld [smem:$0x3FFE];
	_ =	sdelay $0x1  }
0x8a: {  	s1 =	srdreg.scid  }
0x8b: {  	s0 =	sand.u32 $0x1, s1  }
0x8c: {  	s16 =	sshll.u32 s0, $0xA;
	s2 =	sadd.s32 s3, s2  }
0x8d: {  	s2 =	sadd.s32 s2, s16  }
0x8e: {  	[smem:$0x3FB8] =	sst s2  }
0x8f: {  	_ = 	snop  }
0x90: {  	(tm) =	ssettm $0x1  }
0x91: {  	s17 =	sld [smem:$0x3FFB];
	_ =	sdelay $0x3  }
0x92: {  	_ =	strace s17  }
0x93: {  	s2 =	sld [smem:$0x3FFC];
	_ =	sdelay $0x3  }
0x94: {  	_ =	strace s2  }
0x95: {  	s2 =	sld [smem:$0x3FFD];
	_ =	sdelay $0x3  }
0x96: {  	_ =	strace s2  }
0x97: {  	_ =	strace $0x8FFFFFFF  }
0x98: {  	s18 =	sld [smem:$0x3FDB];
	_ =	sdelay $0x1  }
0x99: {  	s19 =	simm.s32 $_scs_section_size  }
0x9a: {  	s4 =	simm.s32 $_size__tile_overlayer_lowered;
	s5 =	simm.s32 $_tile_overlayer_lowered  }
0x9b: {  	s22 =	simm.s32 $0x1BFF;
	s21 =	sshll.u32 s5, $0x1;
	s2 =	sadd.s32 s19, s18  }
0x9c: {  	s6 =	simm.s32 $0x0;
	s20 =	sshll.u32 s4, $0x1;
	s4 =	sadd.s32 s21, s2  }
0x9d: {  	[timem:s6], [sflag:s22] =	dma.local [hbm:s4], s20  }
0x9e: {  	_ =	swait.ge [sflag:s22], s20  }
0x9f: {  	s3 =	ssub.s32 $0x0, s20;
	[sflag:s22] =	ssyncset.done $0x0  }
0xa0: {  	[sflag:s22] =	ssyncadd.s32 s3;
	_ =	sdelay $0x1  }
0xa1: {  	s23 =	simm.s32 $0x1B8B  }
0xa2: {  	_ =	swait.ge [sflag:s23], $0x1  }
0xa3: {  	[sflag:s23] =	ssyncset.done $0x0  }
0xa4: {  	s25 =	simm.s32 $0x1B8E;
	s24 =	sld [smem:$0x3FFE];
	[sflag:s23] =	ssyncadd.s32 $0xFFFFFFFF  }
0xa5: {  	s26 =	simm.s32 $execute0_lowered;
	[smem:$0x3FD2] =	sst s25  }
0xa6: {  	s4 =	sshll.u32 s26, $0x1;
	_ =	strace $0x8000004C;
	[dreg:$0x1] =	wrdreg $0xFFFFFFFF  }
0xa7: {  	s28 =	simm.s32 $_size_execute0_lowered;
	s2 =	sadd.s32 s2, s4;
	[dreg:$0x0] =	wrdreg $0x0  }
0xa8: {  	s4 =	sshll.u32 s28, $0x1;
	[dreg:$0x2] =	wrdreg s2  }
0xa9: {  	[dreg:$0x3] =	wrdreg s4  }
0xaa: {  	[dreg:$0x4] =	wrdreg $0xC0  }
0xab: {  	_ =	task [dreg:s6], $0x5FFFF  }
0xac: {  	[dreg:$0x1] =	wrdreg $0xFFFFFFFF  }
0xad: {  	[dreg:$0x0] =	wrdreg $0x60  }
0xae: {  	[dreg:$0x2] =	wrdreg s24  }
0xaf: {  	[dreg:$0x3] =	wrdreg $0x60000  }
0xb0: {  	[dreg:$0x4] =	wrdreg $0x9  }
0xb1: {  	_ =	task.clear_ibuf [dreg:s6], $0x5FFFF;
	_ =	strace $0x9000004C  }
0xb2: {  	s29 =	simm.s32 $0x9;
	_ =	strace $0x8000004E  }
0xb3: {  	_ =	swait.ge [sflag:s29], $0x1  }
0xb4: {  	[sflag:s29] =	ssyncadd.s32 $0xFFFFFFFF  }
0xb5: {  	_ =	strace $0x9000004E  }
0xb6: {  	_ =	sfence  }
0xb7: {  	s30 =	sld [smem:$0x0];
	_ =	sdelay $0x2  }
0xb8: {  	s31 =	sshll.u32 s1, $0xD;
	s1 =	sshrl.u32 s1, $0x2  }
0xb9: {  	s3 =	sand.u32 $0x4000, s31;
	s1 =	sadd.s32 s1, s30  }
0xba: {  	s0 =	sor.u32 s3, s0;
	s1 =	sshll.u32 s1, $0x11  }
0xbb: {  	s0 =	sor.u32 s1, s0  }
0xbc: {  	s0 =	sadd.s32 $0x8F2B, s0  }
0xbd: {  	[sflag:s0] =	ssyncadd.remote.s32 $0x1  }
0xbe: {  	_ =	sfence.sel $0xFFFF  }
0xbf: {  	[dreg:$0x0] =	wrdreg $0xFFFFFFFF;
	(pc) =	sbr.abs _section_cstart, $3  }
0xc0: {  	[dreg:$0x1] =	wrdreg $0xFFFFFFFF  }
0xc1: {  	_ =	task.clear_ibuf [dreg:s6], $0x2FFFF;
	_ =	strace $0x9FFFFFFF  }
0xc2: {  	(tm) =	ssettm $0x7FFFFFFF  }
0xc3: {  	_ =	shalt  }
tec
execute0_lowered:
.L_overlay_start_1:
0x0: {  	(tag) =	ssettag $0x1  }
0x1: {  	s6 =	rddreg [dreg:$0x0]  }
0x2: {  	s0 =	srdreg.scid;
	s2 =	rddreg [dreg:$0x1]  }
0x3: {  	s3 =	simm.s32 $0x0;
	s14 =	simm.s32 $0x3;
	s15 =	simm.s32 $0x2800  }
0x4: {  	s16 =	simm.s32 $0x5000;
	s17 =	simm.s32 $0x80;
	s18 =	simm.s32 $0x5800  }
0x5: {  	s19 =	simm.s32 $0x1;
	s20 =	simm.s32 $0x2;
	s21 =	simm.s32 $0x2780  }
0x6: {  	s22 =	simm.s32 $0x4F00;
	s5 =	sand.u32 $0x1, s0;
	s0 =	stileid.u32  }
0x7: {  	s23 =	simm.s32 $0x4F80;
	s26 =	simm.s32 $0x0;
	s8 =	smul.u32 $0x500, s0  }
0x8: {  	[smem:$0x7FF] =	sst s3;
	s4 =	sadd.s32 $0x2E00, s6;
	s9 =	smul.u32 $0x5000, s5  }
0x9: {  	s1 =	sshll.u32 s5, $0x4;
	_ =	strace $0x8000004D;
	s10 =	smul.u32 $0xA000, s0  }
0xa: {  	s5 =	ssub.s32 $0x2, s5;
	s24 =	sshll.u32 s0, $0x6;
	s1 =	sor.u32 s0, s1  }
0xb: {  	s30 =	sshrl.u32 s5, $0x1;
	s24 =	sor.u32 $0x1C03, s24;
	s7 =	smul.u32 $0x500, s1  }
0xc: {  	s8 =	sadd.s32 s8, s9;
	s31 =	sshrl.u32 s10, $0x2;
	s13 =	ssub.s32 s5, s30  }
0xd: {  	s12 =	sadd.s32 s8, s6;
	s13 =	smax.u32 s13, $0x1;
	s7 =	sadd.s32 s7, s6  }
0xe: {  	s6 =	sadd.s32 s31, s2;
	s12 =	sadd.s32 $0x1BE00, s12;
	s5 =	sadd.s32 $0x11E00, s7  }
0xf: {  	s7 =	sadd.s32 $0x7E00, s7;
	s8 =	sadd.s32 $0x800, s6;
	s9 =	sadd.s32 $0x1000, s6  }
0x10: {  	v0 =	vimm.f32 $0.0e+00;
	s10 =	sadd.s32 $0x1800, s6;
	s11 =	sadd.s32 $0x2000, s6;
	s25 =	sshrl.u32 s6, $0x3  }
.LBB2_1:
0x11: {  	[tilespmem:s3], [sflag:$0x3] =	stream.linear.gather [hbm4b:s5+s3], $0x2800, $0x38;
	[tilespmem:$0x8800] =	vst v63  }
0x12: {  	_ =	swait.ge [sflag:s14], $0x2800  }
0x13: {  	[sflag:s14] =	ssyncset.done $0x0  }
0x14: {  	[sflag:s14] =	ssyncadd.s32 $0xFFFFD800  }
0x15: {  	[tilespmem:s15], [sflag:$0x3] =	stream.linear.gather [hbm4b:s7+s3], $0x2800, $0x38;
	[tilespmem:$0x8800] =	vst v63  }
0x16: {  	_ =	swait.ge [sflag:s14], $0x2800  }
0x17: {  	[sflag:s14] =	ssyncset.done $0x0  }
0x18: {  	s28 =	simm.s32 $0x40;
	s29 =	simm.s32 $0x0;
	[sflag:s14] =	ssyncadd.s32 $0xFFFFD800  }
.LBB2_2:
0x19: {  	p0 =	sne.s32 s28, $0x1FC0;
	[tilespmem:s29+$0x5000] =	vst v0;
	s29 =	smov.u32 s28;
	s28 =	sadd.s32 $0x40, s28  }
.Ltmp0:
0x1a: {  	(pc) =	sbr.rel @p0 .LBB2_2-.Ltmp0, $2  }
0x1b: {  	_ =	sdelay $0x2  }
0x1c: {  	s29 =	sshra.s32 s29, $0x2  }
0x1d: {  	[tilespmem:s29+$0x5000] =	vst v0  }
0x1e: {  	[spmem:s6] =	stream.linear.scatter [tilespmem:s16], [sflag:$0x3], $0x800, $0x38;
	[tilespmem:$0x8800] =	vst v63  }
0x1f: {  	_ =	swait.ge [sflag:s14], $0x800  }
0x20: {  	[sflag:s14] =	ssyncset.done $0x0  }
0x21: {  	[sflag:s14] =	ssyncadd.s32 $0xFFFFF800  }
0x22: {  	[spmem:s8] =	stream.linear.scatter [tilespmem:s16], [sflag:$0x3], $0x800, $0x38;
	[tilespmem:$0x8800] =	vst v63  }
0x23: {  	_ =	swait.ge [sflag:s14], $0x800  }
0x24: {  	[sflag:s14] =	ssyncset.done $0x0  }
0x25: {  	[sflag:s14] =	ssyncadd.s32 $0xFFFFF800  }
0x26: {  	[spmem:s9] =	stream.linear.scatter [tilespmem:s16], [sflag:$0x3], $0x800, $0x38;
	[tilespmem:$0x8800] =	vst v63  }
0x27: {  	_ =	swait.ge [sflag:s14], $0x800  }
0x28: {  	[sflag:s14] =	ssyncset.done $0x0  }
0x29: {  	[sflag:s14] =	ssyncadd.s32 $0xFFFFF800  }
0x2a: {  	[spmem:s10] =	stream.linear.scatter [tilespmem:s16], [sflag:$0x3], $0x800, $0x38;
	[tilespmem:$0x8800] =	vst v63  }
0x2b: {  	_ =	swait.ge [sflag:s14], $0x800  }
0x2c: {  	[sflag:s14] =	ssyncset.done $0x0  }
0x2d: {  	[sflag:s14] =	ssyncadd.s32 $0xFFFFF800  }
0x2e: {  	[spmem:s11] =	stream.linear.scatter [tilespmem:s16], [sflag:$0x3], $0x800, $0x38;
	[tilespmem:$0x8800] =	vst v63  }
0x2f: {  	_ =	swait.ge [sflag:s14], $0x800  }
0x30: {  	[sflag:s14] =	ssyncset.done $0x0  }
0x31: {  	[sflag:s14] =	ssyncadd.s32 $0xFFFFF800  }
0x32: {  	s28 =	simm.s32 $0x0;
	[bflag:$0x0] =	sbarrier.arrive $0xFFFF  }
0x33: {  	[tilespmem:s16], [sflag:$0x1] =	stream.indirect.gather [hbm4b:s4+s17], $0x10, s28, s17, $0xb8;
	[tilespmem:$0x8800] =	vst v63  }
0x34: {  	s28 =	simm.s32 $0x80  }
0x35: {  	[tilespmem:s18], [sflag:$0x2] =	stream.indirect.gather [hbm4b:s4+s17], $0x10, s28, s17, $0xb8;
	[tilespmem:$0x8800] =	vst v63  }
0x36: {  	_ =	swait.ge [sflag:s19], $0x800  }
0x37: {  	[sflag:s19] =	ssyncset.done $0x0  }
0x38: {  	s28 =	simm.s32 $0x2800;
	[sflag:s19] =	ssyncadd.s32 $0xFFFFF800  }
0x39: {  	[spmem:s2] =	stream.indirect.scatter.add.f32 [tilespmem:s16], [sflag:$0x3], $0x10, s28, s17, $0xb8;
	[tilespmem:$0x8800] =	vst v63  }
0x3a: {  	_ =	swait.ge [sflag:s14], $0x800  }
0x3b: {  	[sflag:s14] =	ssyncset.done $0x0  }
0x3c: {  	s28 =	simm.s32 $0x100;
	[sflag:s14] =	ssyncadd.s32 $0xFFFFF800  }
0x3d: {  	[tilespmem:s16], [sflag:$0x1] =	stream.indirect.gather [hbm4b:s4+s17], $0x10, s28, s17, $0xb8;
	[tilespmem:$0x8800] =	vst v63  }
0x3e: {  	_ =	swait.ge [sflag:s20], $0x800  }
0x3f: {  	[sflag:s20] =	ssyncset.done $0x0  }
0x40: {  	s28 =	simm.s32 $0x2880;
	[sflag:s20] =	ssyncadd.s32 $0xFFFFF800  }
0x41: {  	[spmem:s2] =	stream.indirect.scatter.add.f32 [tilespmem:s18], [sflag:$0x3], $0x10, s28, s17, $0xb8;
	[tilespmem:$0x8800] =	vst v63  }
0x42: {  	_ =	swait.ge [sflag:s14], $0x800  }
0x43: {  	s29 =	simm.s32 $0x800;
	s28 =	simm.s32 $0x100;
	[sflag:s14] =	ssyncset.done $0x0  }
.LBB2_4:
0x44: {  	s30 =	sadd.s32 $0x80, s28  }
0x45: {  	[sflag:s14] =	ssyncadd.s32 $0xFFFFF800;
	s31 =	smov.u32 s29;
	s1 =	sadd.s32 $0x400, s29  }
0x46: {  	[tilespmem:s18], [sflag:$0x2] =	stream.indirect.gather [hbm4b:s4+s17], $0x10, s30, s17, $0xb8;
	[tilespmem:$0x8800] =	vst v63  }
0x47: {  	p0 =	sne.s32 s29, $0x9800;
	_ =	swait.ge [sflag:s19], $0x800  }
0x48: {  	[sflag:s19] =	ssyncset.done $0x0  }
0x49: {  	s29 =	sadd.s32 $0x2800, s28;
	[sflag:s19] =	ssyncadd.s32 $0xFFFFF800  }
0x4a: {  	[spmem:s2] =	stream.indirect.scatter.add.f32 [tilespmem:s16], [sflag:$0x3], $0x10, s29, s17, $0xb8;
	[tilespmem:$0x8800] =	vst v63  }
0x4b: {  	_ =	swait.ge [sflag:s14], $0x800  }
0x4c: {  	[sflag:s14] =	ssyncset.done $0x0  }
0x4d: {  	s29 =	sadd.s32 $0x100, s28;
	[sflag:s14] =	ssyncadd.s32 $0xFFFFF800  }
0x4e: {  	[tilespmem:s16], [sflag:$0x1] =	stream.indirect.gather [hbm4b:s4+s17], $0x10, s29, s17, $0xb8;
	[tilespmem:$0x8800] =	vst v63  }
0x4f: {  	_ =	swait.ge [sflag:s20], $0x800  }
.Ltmp1:
0x50: {  	[sflag:s20] =	ssyncset.done $0x0;
	(pc) =	sbr.rel @p0 .LBB2_4-.Ltmp1, $4  }
0x51: {  	s28 =	sadd.s32 $0x2880, s28;
	[sflag:s20] =	ssyncadd.s32 $0xFFFFF800  }
0x52: {  	[spmem:s2] =	stream.indirect.scatter.add.f32 [tilespmem:s18], [sflag:$0x3], $0x10, s28, s17, $0xb8;
	[tilespmem:$0x8800] =	vst v63  }
0x53: {  	_ =	swait.ge [sflag:s14], $0x800  }
0x54: {  	s29 =	smov.u32 s1;
	s28 =	sshra.s32 s31, $0x2;
	[sflag:s14] =	ssyncset.done $0x0  }
0x55: {  	s1 =	sadd.s32 $0x80, s28;
	[sflag:s14] =	ssyncadd.s32 $0xFFFFF800  }
0x56: {  	[tilespmem:s18], [sflag:$0x2] =	stream.indirect.gather [hbm4b:s4+s17], $0x10, s1, s17, $0xb8;
	[tilespmem:$0x8800] =	vst v63  }
0x57: {  	_ =	swait.ge [sflag:s19], $0x800  }
0x58: {  	[sflag:s19] =	ssyncset.done $0x0  }
0x59: {  	s29 =	sadd.s32 $0x2800, s28;
	[sflag:s19] =	ssyncadd.s32 $0xFFFFF800  }
0x5a: {  	[spmem:s2] =	stream.indirect.scatter.add.f32 [tilespmem:s16], [sflag:$0x3], $0x10, s29, s17, $0xb8;
	[tilespmem:$0x8800] =	vst v63  }
0x5b: {  	_ =	swait.ge [sflag:s14], $0x800  }
0x5c: {  	[sflag:s14] =	ssyncset.done $0x0  }
0x5d: {  	s30 =	sadd.s32 $0x100, s28;
	[sflag:s14] =	ssyncadd.s32 $0xFFFFF800  }
0x5e: {  	[tilespmem:s16], [sflag:$0x1] =	stream.indirect.gather [hbm4b:s4+s17], $0x10, s30, s17, $0xb8;
	[tilespmem:$0x8800] =	vst v63  }
0x5f: {  	_ =	swait.ge [sflag:s20], $0x800  }
0x60: {  	[sflag:s20] =	ssyncset.done $0x0  }
0x61: {  	s31 =	sadd.s32 $0x2880, s28;
	[sflag:s20] =	ssyncadd.s32 $0xFFFFF800  }
0x62: {  	[spmem:s2] =	stream.indirect.scatter.add.f32 [tilespmem:s18], [sflag:$0x3], $0x10, s31, s17, $0xb8;
	[tilespmem:$0x8800] =	vst v63  }
0x63: {  	_ =	swait.ge [sflag:s14], $0x800  }
0x64: {  	[sflag:s14] =	ssyncset.done $0x0  }
0x65: {  	[sflag:s14] =	ssyncadd.s32 $0xFFFFF800  }
0x66: {  	[tilespmem:s18], [sflag:$0x2] =	stream.indirect.gather [hbm4b:s4+s17], $0x10, s21, s17, $0xb8;
	[tilespmem:$0x8800] =	vst v63  }
0x67: {  	_ =	swait.ge [sflag:s19], $0x800  }
0x68: {  	[sflag:s19] =	ssyncset.done $0x0  }
0x69: {  	[sflag:s19] =	ssyncadd.s32 $0xFFFFF800  }
0x6a: {  	[spmem:s2] =	stream.indirect.scatter.add.f32 [tilespmem:s16], [sflag:$0x3], $0x10, s22, s17, $0xb8;
	[tilespmem:$0x8800] =	vst v63  }
0x6b: {  	_ =	swait.ge [sflag:s14], $0x800  }
0x6c: {  	[sflag:s14] =	ssyncset.done $0x0  }
0x6d: {  	[sflag:s14] =	ssyncadd.s32 $0xFFFFF800  }
0x6e: {  	_ =	swait.ge [sflag:s20], $0x800  }
0x6f: {  	[sflag:s20] =	ssyncset.done $0x0  }
0x70: {  	[sflag:s20] =	ssyncadd.s32 $0xFFFFF800  }
0x71: {  	[spmem:s2] =	stream.indirect.scatter.add.f32 [tilespmem:s18], [sflag:$0x3], $0x10, s23, s17, $0xb8;
	[tilespmem:$0x8800] =	vst v63  }
0x72: {  	_ =	swait.ge [sflag:s14], $0x800  }
0x73: {  	s26 =	sadd.s32 $0x1, s26;
	[sflag:s14] =	ssyncset.done $0x0  }
0x74: {  	p0 =	sne.s32 s26, s13;
	[sflag:s14] =	ssyncadd.s32 $0xFFFFF800  }
.Ltmp2:
0x75: {  	[bflag:$0x0] =	sbarrier.arrive $0xFFFF;
	(pc) =	sbr.rel @p0 .LBB2_1-.Ltmp2, $4  }
0x76: {  	[hbm:s12], [sflag:s24] =	dma.local [spmem:s25], $0x500  }
0x77: {  	_ =	swait.ge [sflag:s14], $0x500  }
0x78: {  	[sflag:s14] =	ssyncset.done $0x0  }
0x79: {  	[sflag:s14] =	ssyncadd.s32 $0xFFFFFB00  }
0x7a: {  	_ =	sfence.sel $0x180000  }
0x7b: {  	[bflag:$0x0] =	sbarrier.arrive $0xFFFF  }
0x7c: {  	_ =	strace $0x9000004D  }
0x7d: {  	[bflag:$0x2] =	sbarrier.arrive $0xFFFF  }
0x7e: {  	p0 =	sne.s32 s0, $0x0;
	s0 =	rddreg [dreg:$0x2]  }
0x7f: {  	s0 =	sadd.s32 @!p0 $0x100000, s0  }
0x80: {  	[sflag:s0] =	ssyncadd.tile.s32 @!p0 $0x1;
	_ =	shalt  }
.Lfunc_end2:
_tile_overlayer_lowered:
.L_overlay_start_2:
0x81: {  	(tag) =	ssettag $0x2  }
0x82: {  	s0 =	rddreg [dreg:$0x0];
	s2 =	stileid.u32  }
0x83: {  	s1 =	rddreg [dreg:$0x1];
	p0 =	sne.s32 s2, $0x0  }
0x84: {  	s3 =	rddreg [dreg:$0x2];
	[bflag:$0x3] =	sbarrier.arrive $0xFFFF;
	s2 =	simm.s32 @!p0 $0x1C03  }
0x85: {  	[timem:s3], [sflag:s2] =	dma.local @!p0 [hbm:s0], s1  }
0x86: {  	s0 =	simm.s32 @!p0 $0x3  }
0x87: {  	_ =	swait.ge @!p0 [sflag:s0], s1  }
0x88: {  	s1 =	ssub.s32 @!p0 $0x0, s1;
	[sflag:s0] =	ssyncset.done @!p0 $0x0  }
0x89: {  	[sflag:s0] =	ssyncadd.s32 @!p0 s1  }
0x8a: {  	[bflag:$0x3] =	sbarrier.arrive $0xFFFF  }
0x8b: {  	_ =	shalt  }

// kernel: kernel.22.cloned.1.call-start
scs
__scs_entry_jumppad:
0x0: {  	(pc) =	sbr.rel $0x88, $3  }
0x1: {  	(tag) =	ssettag $0x0;
	lr =	simm.s32 $0x1  }
0x2: {  	[smem:$0x3F91] =	sst lr;
	_ =	strace $0xD0000000  }
0x3: {  	_ = 	snop  }
0x4: {  	_ = 	snop  }
0x5: {  	_ = 	snop  }
0x6: {  	_ = 	snop  }
0x7: {  	_ = 	snop  }
__scs_overlays_trampoline_lowered:
0x8: {  	[smem:$0x3FA0] =	sst s0  }
0x9: {  	[smem:$0x3FA1] =	sst s1  }
0xa: {  	[smem:$0x3FA2] =	sst s2  }
0xb: {  	[smem:$0x3FA3] =	sst s3  }
0xc: {  	[smem:$0x3FA4] =	sst s4  }
0xd: {  	[smem:$0x3FA5] =	sst s5  }
0xe: {  	[smem:$0x3FA6] =	sst s6  }
0xf: {  	[smem:$0x3FA7] =	sst s7  }
0x10: {  	[smem:$0x3FA8] =	sst s8  }
0x11: {  	[smem:$0x3FA9] =	sst s9;
	s0 =	simm.s32 @!p0 $0x0  }
0x12: {  	s1 =	sld [smem:$0x3F8F];
	s0 =	simm.s32 @p0 $0x1  }
0x13: {  	[smem:$0x3FAA] =	sst s0;
	s0 =	simm.s32 @!p1 $0x0  }
0x14: {  	s2 =	sld [smem:$0x3F8E];
	s0 =	simm.s32 @p1 $0x1  }
0x15: {  	[smem:$0x3FAB] =	sst s0;
	s0 =	simm.s32 @!p2 $0x0  }
0x16: {  	s3 =	sld [smem:$0x3FDB];
	s0 =	simm.s32 @p2 $0x1  }
0x17: {  	s4 =	simm.s32 $0x1BF5;
	[smem:$0x3FAD] =	sst s0  }
0x18: {  	s0 =	sld [smem:$0x3F90];
	_ =	swait.ge [sflag:s4], $0x0  }
0x19: {  	s7 =	sld [smem:$0x3F91]  }
0x1a: {  	s8 =	sadd.s32 $0xFFFFE003, lr  }
0x1b: {  	s9 =	sadd.s32 $0xFFFFFEF7, lr;
	s5 =	simm.s32 $0xFFFFFFFF;
	p2 =	slt.u32 s8, $0xFFFFF086  }
0x1c: {  	p1 =	slt.u32 s9, $0xF7A;
	s5 =	simm.s32 @!p2 $0x0  }
0x1d: {  	s5 =	simm.s32 @p1 $0x1;
	p0 =	seq.s32 s7, s2  }
0x1e: {  	s7 =	smul.u32 @!p0 $0xF7A, s2;
	p2 =	seq.s32 @!p0 s5, $0x0  }
0x1f: {  	s9 =	smul.u32 $0xF7A, s1;
	s8 =	simm.s32 @!p0 $0x1BF5;
	p2 =	por !p2, p0  }
0x20: {  	[sflag:s8] =	ssyncset.s32 @!p0 $0xFFFFF086;
	s6 =	sadd.s32 @!p0 s3, s7;
	s7 =	simm.s32 @!p0 $0x108  }
0x21: {  	s3 =	sadd.s32 s3, s9;
	s6 =	sadd.s32 @!p0 $0x88, s6;
	s7 =	simm.s32 @p2 $0x1082  }
0x22: {  	[simem:s7], [sflag:s8] =	dma.local @!p0 [hbm:s6], $0xF7A  }
0x23: {  	s9 =	sor.u32 $0xD0000000, s2;
	s6 =	simm.s32 $0x108;
	_ =	swait.ge @!p0 [sflag:s8], $0x0  }
0x24: {  	s3 =	sadd.s32 $0x88, s3;
	s6 =	simm.s32 @!p1 $0x1082;
	[sflag:s4] =	ssyncset.s32 $0xFFFFF086  }
0x25: {  	[simem:s6], [sflag:s4] =	dma.local [hbm:s3], $0xF7A  }
0x26: {  	[smem:$0x3F91] =	sst s1;
	(tag) =	ssettag s2;
	_ =	strace s9  }
0x27: {  	s1 =	sld [smem:$0x3FA1]  }
0x28: {  	s2 =	sld [smem:$0x3FA2]  }
0x29: {  	s4 =	sld [smem:$0x3FA4]  }
0x2a: {  	p0 =	seq.s32 s5, $0x0;
	s5 =	sld [smem:$0x3FA5]  }
0x2b: {  	s6 =	sld [smem:$0x3FA6]  }
0x2c: {  	s7 =	sld [smem:$0x3FA7]  }
0x2d: {  	s3 =	simm.s32 $0x108;
	s8 =	sld [smem:$0x3FA8]  }
0x2e: {  	s3 =	simm.s32 @!p0 $0x1082;
	s9 =	sld [smem:$0x3FA9]  }
0x2f: {  	lr =	sadd.s32 s0, s3;
	s0 =	sld [smem:$0x3FA0]  }
0x30: {  	s3 =	sld [smem:$0x3FA3]  }
0x31: {  	[smem:$0x3FAC] =	sst s10  }
0x32: {  	s10 =	sld [smem:$0x3FAA];
	_ =	sdelay $0x3  }
0x33: {  	p0 =	seq.s32 s10, $0x1;
	s10 =	sld [smem:$0x3FAC];
	_ =	sdelay $0x3  }
0x34: {  	[smem:$0x3FAC] =	sst s10  }
0x35: {  	s10 =	sld [smem:$0x3FAB];
	_ =	sdelay $0x3  }
0x36: {  	p1 =	seq.s32 s10, $0x1;
	s10 =	sld [smem:$0x3FAC];
	_ =	sdelay $0x3  }
0x37: {  	[smem:$0x3FAC] =	sst s10  }
0x38: {  	s10 =	sld [smem:$0x3FAD]  }
0x39: {  	_ = 	snop;
	(pc) =	sbr.ind lr, $3  }
0x3a: {  	_ = 	snop  }
0x3b: {  	_ = 	snop  }
0x3c: {  	p2 =	seq.s32 s10, $0x1;
	s10 =	sld [smem:$0x3FAC]  }
0x3d: {  	_ =	shalt  }
0x3e: {  	_ =	shalt  }
0x3f: {  	_ =	shalt  }
0x40: {  	_ =	shalt  }
0x41: {  	_ =	shalt  }
0x42: {  	_ =	shalt  }
0x43: {  	_ =	shalt  }
0x44: {  	_ =	shalt  }
0x45: {  	_ =	shalt  }
0x46: {  	_ =	shalt  }
0x47: {  	_ =	shalt  }
0x48: {  	_ =	shalt  }
0x49: {  	_ =	shalt  }
0x4a: {  	_ =	shalt  }
0x4b: {  	_ =	shalt  }
0x4c: {  	_ =	shalt  }
0x4d: {  	_ =	shalt  }
0x4e: {  	_ =	shalt  }
0x4f: {  	_ =	shalt  }
0x50: {  	_ =	shalt  }
0x51: {  	_ =	shalt  }
0x52: {  	_ =	shalt  }
0x53: {  	_ =	shalt  }
0x54: {  	_ =	shalt  }
0x55: {  	_ =	shalt  }
0x56: {  	_ =	shalt  }
0x57: {  	_ =	shalt  }
0x58: {  	_ =	shalt  }
0x59: {  	_ =	shalt  }
0x5a: {  	_ =	shalt  }
0x5b: {  	_ =	shalt  }
0x5c: {  	_ =	shalt  }
0x5d: {  	_ =	shalt  }
0x5e: {  	_ =	shalt  }
0x5f: {  	_ =	shalt  }
0x60: {  	_ =	shalt  }
0x61: {  	_ =	shalt  }
0x62: {  	_ =	shalt  }
0x63: {  	_ =	shalt  }
0x64: {  	_ =	shalt  }
0x65: {  	_ =	shalt  }
0x66: {  	_ =	shalt  }
0x67: {  	_ =	shalt  }
0x68: {  	_ =	shalt  }
0x69: {  	_ =	shalt  }
0x6a: {  	_ =	shalt  }
0x6b: {  	_ =	shalt  }
0x6c: {  	_ =	shalt  }
0x6d: {  	_ =	shalt  }
0x6e: {  	_ =	shalt  }
0x6f: {  	_ =	shalt  }
0x70: {  	_ =	shalt  }
0x71: {  	_ =	shalt  }
0x72: {  	_ =	shalt  }
0x73: {  	_ =	shalt  }
0x74: {  	_ =	shalt  }
0x75: {  	_ =	shalt  }
0x76: {  	_ =	shalt  }
0x77: {  	_ =	shalt  }
0x78: {  	_ =	shalt  }
0x79: {  	_ =	shalt  }
0x7a: {  	_ =	shalt  }
0x7b: {  	_ =	shalt  }
0x7c: {  	_ =	shalt  }
0x7d: {  	_ =	shalt  }
0x7e: {  	_ =	shalt  }
0x7f: {  	_ =	shalt  }
0x80: {  	_ =	shalt  }
0x81: {  	_ =	shalt  }
0x82: {  	_ =	shalt  }
0x83: {  	_ =	shalt  }
0x84: {  	_ =	shalt  }
0x85: {  	_ =	shalt  }
0x86: {  	_ =	shalt  }
0x87: {  	_ =	shalt  }
.Lfunc_end0:
.L_simem_size_0:
called_computation.3_lowered:
.L_overlay_start_0:
0x88: {  	s2 =	sld [smem:$0x3FD9]  }
0x89: {  	s3 =	sld [smem:$0x3FFE];
	_ =	sdelay $0x1  }
0x8a: {  	s1 =	srdreg.scid  }
0x8b: {  	s0 =	sand.u32 $0x1, s1  }
0x8c: {  	s16 =	sshll.u32 s0, $0xA;
	s2 =	sadd.s32 s3, s2  }
0x8d: {  	s2 =	sadd.s32 s2, s16  }
0x8e: {  	[smem:$0x3FB8] =	sst s2  }
0x8f: {  	_ = 	snop  }
0x90: {  	(tm) =	ssettm $0x1  }
0x91: {  	s17 =	sld [smem:$0x3FFB];
	_ =	sdelay $0x3  }
0x92: {  	_ =	strace s17  }
0x93: {  	s2 =	sld [smem:$0x3FFC];
	_ =	sdelay $0x3  }
0x94: {  	_ =	strace s2  }
0x95: {  	s2 =	sld [smem:$0x3FFD];
	_ =	sdelay $0x3  }
0x96: {  	_ =	strace s2  }
0x97: {  	_ =	strace $0x8FFFFFFF  }
0x98: {  	s18 =	sld [smem:$0x3FDB];
	_ =	sdelay $0x1  }
0x99: {  	s19 =	simm.s32 $_scs_section_size  }
0x9a: {  	s4 =	simm.s32 $_size__tile_overlayer_lowered;
	s5 =	simm.s32 $_tile_overlayer_lowered  }
0x9b: {  	s22 =	simm.s32 $0x1BFF;
	s21 =	sshll.u32 s5, $0x1;
	s2 =	sadd.s32 s19, s18  }
0x9c: {  	s6 =	simm.s32 $0x0;
	s20 =	sshll.u32 s4, $0x1;
	s4 =	sadd.s32 s21, s2  }
0x9d: {  	[timem:s6], [sflag:s22] =	dma.local [hbm:s4], s20  }
0x9e: {  	_ =	swait.ge [sflag:s22], s20  }
0x9f: {  	s3 =	ssub.s32 $0x0, s20;
	[sflag:s22] =	ssyncset.done $0x0  }
0xa0: {  	[sflag:s22] =	ssyncadd.s32 s3;
	_ =	sdelay $0x1  }
0xa1: {  	s23 =	simm.s32 $0x1B8B  }
0xa2: {  	_ =	swait.ge [sflag:s23], $0x1  }
0xa3: {  	[sflag:s23] =	ssyncset.done $0x0  }
0xa4: {  	s25 =	simm.s32 $0x1B8E;
	s24 =	sld [smem:$0x3FFE];
	[sflag:s23] =	ssyncadd.s32 $0xFFFFFFFF  }
0xa5: {  	s26 =	simm.s32 $execute0_lowered;
	[smem:$0x3FD2] =	sst s25  }
0xa6: {  	s4 =	sshll.u32 s26, $0x1;
	_ =	strace $0x8000004F;
	[dreg:$0x1] =	wrdreg $0xFFFFFFFF  }
0xa7: {  	s28 =	simm.s32 $_size_execute0_lowered;
	s2 =	sadd.s32 s2, s4;
	[dreg:$0x0] =	wrdreg $0x0  }
0xa8: {  	s4 =	sshll.u32 s28, $0x1;
	[dreg:$0x2] =	wrdreg s2  }
0xa9: {  	[dreg:$0x3] =	wrdreg s4  }
0xaa: {  	[dreg:$0x4] =	wrdreg $0xC0  }
0xab: {  	_ =	task [dreg:s6], $0x5FFFF  }
0xac: {  	[dreg:$0x1] =	wrdreg $0xFFFFFFFF  }
0xad: {  	[dreg:$0x0] =	wrdreg $0x60  }
0xae: {  	[dreg:$0x2] =	wrdreg s24  }
0xaf: {  	[dreg:$0x3] =	wrdreg $0xCD800  }
0xb0: {  	[dreg:$0x4] =	wrdreg $0x9  }
0xb1: {  	_ =	task.clear_ibuf [dreg:s6], $0x5FFFF;
	_ =	strace $0x9000004F  }
0xb2: {  	s29 =	simm.s32 $0x9;
	_ =	strace $0x80000051  }
0xb3: {  	_ =	swait.ge [sflag:s29], $0x1  }
0xb4: {  	[sflag:s29] =	ssyncadd.s32 $0xFFFFFFFF  }
0xb5: {  	_ =	strace $0x90000051  }
0xb6: {  	_ =	sfence  }
0xb7: {  	s30 =	sld [smem:$0x0];
	_ =	sdelay $0x2  }
0xb8: {  	s31 =	sshll.u32 s1, $0xD;
	s1 =	sshrl.u32 s1, $0x2  }
0xb9: {  	s3 =	sand.u32 $0x4000, s31;
	s1 =	sadd.s32 s1, s30  }
0xba: {  	s0 =	sor.u32 s3, s0;
	s1 =	sshll.u32 s1, $0x11  }
0xbb: {  	s0 =	sor.u32 s1, s0  }
0xbc: {  	s0 =	sadd.s32 $0x8F2B, s0  }
0xbd: {  	[sflag:s0] =	ssyncadd.remote.s32 $0x1  }
0xbe: {  	_ =	sfence.sel $0xFFFF  }
0xbf: {  	[dreg:$0x0] =	wrdreg $0xFFFFFFFF;
	(pc) =	sbr.abs _section_cstart, $3  }
0xc0: {  	[dreg:$0x1] =	wrdreg $0xFFFFFFFF  }
0xc1: {  	_ =	task.clear_ibuf [dreg:s6], $0x2FFFF;
	_ =	strace $0x9FFFFFFF  }
0xc2: {  	(tm) =	ssettm $0x7FFFFFFF  }
0xc3: {  	_ =	shalt  }
tec
execute0_lowered:
.L_overlay_start_1:
0x0: {  	(tag) =	ssettag $0x1  }
0x1: {  	s0 =	srdreg.scid;
	s6 =	rddreg [dreg:$0x0]  }
0x2: {  	s2 =	rddreg [dreg:$0x1];
	s3 =	simm.s32 $0x0;
	s16 =	simm.s32 $0x3  }
0x3: {  	s17 =	simm.s32 $0x4EC0;
	s18 =	simm.s32 $0x9D80;
	s19 =	simm.s32 $0x60  }
0x4: {  	s20 =	simm.s32 $0xB580;
	s21 =	simm.s32 $0x1;
	s22 =	simm.s32 $0x2  }
0x5: {  	s23 =	simm.s32 $0x4E60;
	s24 =	simm.s32 $0x9CC0;
	s25 =	simm.s32 $0x9D20  }
0x6: {  	s26 =	simm.s32 $0x0;
	s5 =	sand.u32 $0x1, s0;
	s0 =	stileid.u32  }
0x7: {  	[smem:$0x7FF] =	sst s3;
	s4 =	sadd.s32 $0x4D600, s6;
	s8 =	smul.u32 $0x1400, s0  }
0x8: {  	s1 =	sshll.u32 s5, $0x4;
	s9 =	smul.u32 $0x14000, s5;
	_ =	strace $0x80000050  }
0x9: {  	s10 =	smul.u32 $0x28000, s0;
	s5 =	ssub.s32 $0x2, s5;
	s1 =	sor.u32 s0, s1  }
0xa: {  	s31 =	sshrl.u32 s5, $0x1;
	s7 =	smul.u32 $0x9D8, s1;
	s8 =	sadd.s32 s8, s9  }
0xb: {  	s10 =	sshrl.u32 s10, $0x2;
	s15 =	ssub.s32 s5, s31;
	s14 =	sadd.s32 s8, s6  }
0xc: {  	s5 =	sadd.s32 s10, s2;
	s15 =	smax.u32 s15, $0x1;
	s7 =	sadd.s32 s7, s6  }
0xd: {  	s8 =	sadd.s32 $0x1800, s5;
	s9 =	sadd.s32 $0x3000, s5;
	s10 =	sadd.s32 $0x4800, s5  }
0xe: {  	s11 =	sadd.s32 $0x6000, s5;
	s12 =	sadd.s32 $0x7800, s5;
	s13 =	sadd.s32 $0x9000, s5  }
0xf: {  	v0 =	vimm.f32 $0.0e+00;
	s14 =	sadd.s32 $0x75600, s14;
	s6 =	sadd.s32 $0x25E00, s7;
	s7 =	sadd.s32 $0x39A00, s7  }
.LBB2_1:
0x10: {  	[tilespmem:s3], [sflag:$0x3] =	stream.linear.gather [hbm4b:s6+s3], $0x4EC0, $0x38;
	[tilespmem:$0x16D80] =	vst v63  }
0x11: {  	_ =	swait.ge [sflag:s16], $0x4EC0  }
0x12: {  	[sflag:s16] =	ssyncset.done $0x0  }
0x13: {  	[sflag:s16] =	ssyncadd.s32 $0xFFFFB140  }
0x14: {  	[tilespmem:s17], [sflag:$0x3] =	stream.linear.gather [hbm4b:s7+s3], $0x4EC0, $0x38;
	[tilespmem:$0x16D80] =	vst v63  }
0x15: {  	_ =	swait.ge [sflag:s16], $0x4EC0  }
0x16: {  	[sflag:s16] =	ssyncset.done $0x0  }
0x17: {  	s29 =	simm.s32 $0x100;
	s28 =	simm.s32 $0x0;
	[sflag:s16] =	ssyncadd.s32 $0xFFFFB140  }
.LBB2_2:
0x18: {  	p0 =	sne.s32 s29, $0x5F00;
	[tilespmem:s28+$0x9DB0] =	vst v0;
	s30 =	smov.u32 s29;
	s29 =	sadd.s32 $0x100, s29  }
.Ltmp0:
0x19: {  	[tilespmem:s28+$0x9DA0] =	vst v0;
	(pc) =	sbr.rel @p0 .LBB2_2-.Ltmp0, $3  }
0x1a: {  	[tilespmem:s28+$0x9D80] =	vst v0  }
0x1b: {  	[tilespmem:s28+$0x9D90] =	vst v0;
	_ =	sdelay $0x1  }
0x1c: {  	s28 =	sshra.s32 s30, $0x2  }
0x1d: {  	[tilespmem:s28+$0x9DB0] =	vst v0  }
0x1e: {  	[tilespmem:s28+$0x9DA0] =	vst v0  }
0x1f: {  	[tilespmem:s28+$0x9D80] =	vst v0  }
0x20: {  	[tilespmem:s28+$0x9D90] =	vst v0  }
0x21: {  	[spmem:s5] =	stream.linear.scatter [tilespmem:s18], [sflag:$0x3], $0x1800, $0x38;
	[tilespmem:$0x16D80] =	vst v63  }
0x22: {  	_ =	swait.ge [sflag:s16], $0x1800  }
0x23: {  	[sflag:s16] =	ssyncset.done $0x0  }
0x24: {  	[sflag:s16] =	ssyncadd.s32 $0xFFFFE800  }
0x25: {  	[spmem:s8] =	stream.linear.scatter [tilespmem:s18], [sflag:$0x3], $0x1800, $0x38;
	[tilespmem:$0x16D80] =	vst v63  }
0x26: {  	_ =	swait.ge [sflag:s16], $0x1800  }
0x27: {  	[sflag:s16] =	ssyncset.done $0x0  }
0x28: {  	[sflag:s16] =	ssyncadd.s32 $0xFFFFE800  }
0x29: {  	[spmem:s9] =	stream.linear.scatter [tilespmem:s18], [sflag:$0x3], $0x1800, $0x38;
	[tilespmem:$0x16D80] =	vst v63  }
0x2a: {  	_ =	swait.ge [sflag:s16], $0x1800  }
0x2b: {  	[sflag:s16] =	ssyncset.done $0x0  }
0x2c: {  	[sflag:s16] =	ssyncadd.s32 $0xFFFFE800  }
0x2d: {  	[spmem:s10] =	stream.linear.scatter [tilespmem:s18], [sflag:$0x3], $0x1800, $0x38;
	[tilespmem:$0x16D80] =	vst v63  }
0x2e: {  	_ =	swait.ge [sflag:s16], $0x1800  }
0x2f: {  	[sflag:s16] =	ssyncset.done $0x0  }
0x30: {  	[sflag:s16] =	ssyncadd.s32 $0xFFFFE800  }
0x31: {  	[spmem:s11] =	stream.linear.scatter [tilespmem:s18], [sflag:$0x3], $0x1800, $0x38;
	[tilespmem:$0x16D80] =	vst v63  }
0x32: {  	_ =	swait.ge [sflag:s16], $0x1800  }
0x33: {  	[sflag:s16] =	ssyncset.done $0x0  }
0x34: {  	[sflag:s16] =	ssyncadd.s32 $0xFFFFE800  }
0x35: {  	[spmem:s12] =	stream.linear.scatter [tilespmem:s18], [sflag:$0x3], $0x1800, $0x38;
	[tilespmem:$0x16D80] =	vst v63  }
0x36: {  	_ =	swait.ge [sflag:s16], $0x1800  }
0x37: {  	[sflag:s16] =	ssyncset.done $0x0  }
0x38: {  	[sflag:s16] =	ssyncadd.s32 $0xFFFFE800  }
0x39: {  	[spmem:s13] =	stream.linear.scatter [tilespmem:s18], [sflag:$0x3], $0x1000, $0x38;
	[tilespmem:$0x16D80] =	vst v63  }
0x3a: {  	_ =	swait.ge [sflag:s16], $0x1000  }
0x3b: {  	[sflag:s16] =	ssyncset.done $0x0  }
0x3c: {  	[sflag:s16] =	ssyncadd.s32 $0xFFFFF000  }
0x3d: {  	s28 =	simm.s32 $0x0;
	[bflag:$0x0] =	sbarrier.arrive $0xFFFF  }
0x3e: {  	[tilespmem:s18], [sflag:$0x1] =	stream.indirect.gather [hbm4b:s4+s19], $0x40, s28, s19, $0xb8;
	[tilespmem:$0x16D80] =	vst v63  }
0x3f: {  	s28 =	simm.s32 $0x60  }
0x40: {  	[tilespmem:s20], [sflag:$0x2] =	stream.indirect.gather [hbm4b:s4+s19], $0x40, s28, s19, $0xb8;
	[tilespmem:$0x16D80] =	vst v63  }
0x41: {  	_ =	swait.ge [sflag:s21], $0x1800  }
0x42: {  	[sflag:s21] =	ssyncset.done $0x0  }
0x43: {  	s28 =	simm.s32 $0x4EC0;
	[sflag:s21] =	ssyncadd.s32 $0xFFFFE800  }
0x44: {  	[spmem:s2] =	stream.indirect.scatter.add.f32 [tilespmem:s18], [sflag:$0x3], $0x40, s28, s19, $0xb8;
	[tilespmem:$0x16D80] =	vst v63  }
0x45: {  	_ =	swait.ge [sflag:s16], $0x1800  }
0x46: {  	[sflag:s16] =	ssyncset.done $0x0  }
0x47: {  	s28 =	simm.s32 $0xC0;
	[sflag:s16] =	ssyncadd.s32 $0xFFFFE800  }
0x48: {  	[tilespmem:s18], [sflag:$0x1] =	stream.indirect.gather [hbm4b:s4+s19], $0x40, s28, s19, $0xb8;
	[tilespmem:$0x16D80] =	vst v63  }
0x49: {  	_ =	swait.ge [sflag:s22], $0x1800  }
0x4a: {  	[sflag:s22] =	ssyncset.done $0x0  }
0x4b: {  	s28 =	simm.s32 $0x4F20;
	[sflag:s22] =	ssyncadd.s32 $0xFFFFE800  }
0x4c: {  	[spmem:s2] =	stream.indirect.scatter.add.f32 [tilespmem:s20], [sflag:$0x3], $0x40, s28, s19, $0xb8;
	[tilespmem:$0x16D80] =	vst v63  }
0x4d: {  	_ =	swait.ge [sflag:s16], $0x1800  }
0x4e: {  	s29 =	simm.s32 $0x600;
	s28 =	simm.s32 $0xC0;
	[sflag:s16] =	ssyncset.done $0x0  }
.LBB2_4:
0x4f: {  	s30 =	sadd.s32 $0x60, s28  }
0x50: {  	[sflag:s16] =	ssyncadd.s32 $0xFFFFE800;
	s31 =	smov.u32 s29;
	s1 =	sadd.s32 $0x300, s29  }
0x51: {  	[tilespmem:s20], [sflag:$0x2] =	stream.indirect.gather [hbm4b:s4+s19], $0x40, s30, s19, $0xb8;
	[tilespmem:$0x16D80] =	vst v63  }
0x52: {  	p0 =	sne.s32 s29, $0x13500;
	_ =	swait.ge [sflag:s21], $0x1800  }
0x53: {  	[sflag:s21] =	ssyncset.done $0x0  }
0x54: {  	s29 =	sadd.s32 $0x4EC0, s28;
	[sflag:s21] =	ssyncadd.s32 $0xFFFFE800  }
0x55: {  	[spmem:s2] =	stream.indirect.scatter.add.f32 [tilespmem:s18], [sflag:$0x3], $0x40, s29, s19, $0xb8;
	[tilespmem:$0x16D80] =	vst v63  }
0x56: {  	_ =	swait.ge [sflag:s16], $0x1800  }
0x57: {  	[sflag:s16] =	ssyncset.done $0x0  }
0x58: {  	s29 =	sadd.s32 $0xC0, s28;
	[sflag:s16] =	ssyncadd.s32 $0xFFFFE800  }
0x59: {  	[tilespmem:s18], [sflag:$0x1] =	stream.indirect.gather [hbm4b:s4+s19], $0x40, s29, s19, $0xb8;
	[tilespmem:$0x16D80] =	vst v63  }
0x5a: {  	_ =	swait.ge [sflag:s22], $0x1800  }
.Ltmp1:
0x5b: {  	[sflag:s22] =	ssyncset.done $0x0;
	(pc) =	sbr.rel @p0 .LBB2_4-.Ltmp1, $4  }
0x5c: {  	s28 =	sadd.s32 $0x4F20, s28;
	[sflag:s22] =	ssyncadd.s32 $0xFFFFE800  }
0x5d: {  	[spmem:s2] =	stream.indirect.scatter.add.f32 [tilespmem:s20], [sflag:$0x3], $0x40, s28, s19, $0xb8;
	[tilespmem:$0x16D80] =	vst v63  }
0x5e: {  	_ =	swait.ge [sflag:s16], $0x1800  }
0x5f: {  	s29 =	smov.u32 s1;
	s28 =	sshra.s32 s31, $0x2;
	[sflag:s16] =	ssyncset.done $0x0  }
0x60: {  	s1 =	sadd.s32 $0x60, s28;
	[sflag:s16] =	ssyncadd.s32 $0xFFFFE800  }
0x61: {  	[tilespmem:s20], [sflag:$0x2] =	stream.indirect.gather [hbm4b:s4+s19], $0x40, s1, s19, $0xb8;
	[tilespmem:$0x16D80] =	vst v63  }
0x62: {  	_ =	swait.ge [sflag:s21], $0x1800  }
0x63: {  	[sflag:s21] =	ssyncset.done $0x0  }
0x64: {  	s30 =	sadd.s32 $0x4EC0, s28;
	[sflag:s21] =	ssyncadd.s32 $0xFFFFE800  }
0x65: {  	[spmem:s2] =	stream.indirect.scatter.add.f32 [tilespmem:s18], [sflag:$0x3], $0x40, s30, s19, $0xb8;
	[tilespmem:$0x16D80] =	vst v63  }
0x66: {  	_ =	swait.ge [sflag:s16], $0x1800  }
0x67: {  	[sflag:s16] =	ssyncset.done $0x0  }
0x68: {  	s31 =	sadd.s32 $0xC0, s28;
	[sflag:s16] =	ssyncadd.s32 $0xFFFFE800  }
0x69: {  	[tilespmem:s18], [sflag:$0x1] =	stream.indirect.gather [hbm4b:s4+s19], $0x40, s31, s19, $0xb8;
	[tilespmem:$0x16D80] =	vst v63  }
0x6a: {  	_ =	swait.ge [sflag:s22], $0x1800  }
0x6b: {  	[sflag:s22] =	ssyncset.done $0x0  }
0x6c: {  	s29 =	sadd.s32 $0x4F20, s28;
	[sflag:s22] =	ssyncadd.s32 $0xFFFFE800  }
0x6d: {  	[spmem:s2] =	stream.indirect.scatter.add.f32 [tilespmem:s20], [sflag:$0x3], $0x40, s29, s19, $0xb8;
	[tilespmem:$0x16D80] =	vst v63  }
0x6e: {  	_ =	swait.ge [sflag:s16], $0x1800  }
0x6f: {  	[sflag:s16] =	ssyncset.done $0x0  }
0x70: {  	[sflag:s16] =	ssyncadd.s32 $0xFFFFE800  }
0x71: {  	[tilespmem:s20], [sflag:$0x2] =	stream.indirect.gather [hbm4b:s4+s19], $0x40, s23, s19, $0xb8;
	[tilespmem:$0x16D80] =	vst v63  }
0x72: {  	_ =	swait.ge [sflag:s21], $0x1800  }
0x73: {  	[sflag:s21] =	ssyncset.done $0x0  }
0x74: {  	[sflag:s21] =	ssyncadd.s32 $0xFFFFE800  }
0x75: {  	[spmem:s2] =	stream.indirect.scatter.add.f32 [tilespmem:s18], [sflag:$0x3], $0x40, s24, s19, $0xb8;
	[tilespmem:$0x16D80] =	vst v63  }
0x76: {  	_ =	swait.ge [sflag:s16], $0x1800  }
0x77: {  	[sflag:s16] =	ssyncset.done $0x0  }
0x78: {  	[sflag:s16] =	ssyncadd.s32 $0xFFFFE800  }
0x79: {  	_ =	swait.ge [sflag:s22], $0x1800  }
0x7a: {  	[sflag:s22] =	ssyncset.done $0x0  }
0x7b: {  	[sflag:s22] =	ssyncadd.s32 $0xFFFFE800  }
0x7c: {  	[spmem:s2] =	stream.indirect.scatter.add.f32 [tilespmem:s20], [sflag:$0x3], $0x40, s25, s19, $0xb8;
	[tilespmem:$0x16D80] =	vst v63  }
0x7d: {  	_ =	swait.ge [sflag:s16], $0x1800  }
0x7e: {  	s26 =	sadd.s32 $0x1, s26;
	s30 =	sshll.u32 s0, $0x6;
	[sflag:s16] =	ssyncset.done $0x0  }
0x7f: {  	p0 =	sne.s32 s26, s15;
	s1 =	sor.u32 $0x1C03, s30;
	[sflag:s16] =	ssyncadd.s32 $0xFFFFE800  }
.Ltmp2:
0x80: {  	s31 =	sshrl.u32 s5, $0x3;
	[bflag:$0x0] =	sbarrier.arrive $0xFFFF;
	(pc) =	sbr.rel @p0 .LBB2_1-.Ltmp2, $4  }
0x81: {  	[hbm:s14], [sflag:s1] =	dma.local [spmem:s31], $0x1400  }
0x82: {  	_ =	swait.ge [sflag:s16], $0x1400  }
0x83: {  	[sflag:s16] =	ssyncset.done $0x0  }
0x84: {  	[sflag:s16] =	ssyncadd.s32 $0xFFFFEC00  }
0x85: {  	_ =	sfence.sel $0x180000  }
0x86: {  	[bflag:$0x0] =	sbarrier.arrive $0xFFFF  }
0x87: {  	_ =	strace $0x90000050  }
0x88: {  	[bflag:$0x2] =	sbarrier.arrive $0xFFFF  }
0x89: {  	p0 =	sne.s32 s0, $0x0;
	s0 =	rddreg [dreg:$0x2]  }
0x8a: {  	s0 =	sadd.s32 @!p0 $0x100000, s0  }
0x8b: {  	[sflag:s0] =	ssyncadd.tile.s32 @!p0 $0x1;
	_ =	shalt  }
.Lfunc_end2:
_tile_overlayer_lowered:
.L_overlay_start_2:
0x8c: {  	(tag) =	ssettag $0x2  }
0x8d: {  	s0 =	rddreg [dreg:$0x0];
	s2 =	stileid.u32  }
0x8e: {  	s1 =	rddreg [dreg:$0x1];
	p0 =	sne.s32 s2, $0x0  }
0x8f: {  	s3 =	rddreg [dreg:$0x2];
	[bflag:$0x3] =	sbarrier.arrive $0xFFFF;
	s2 =	simm.s32 @!p0 $0x1C03  }
0x90: {  	[timem:s3], [sflag:s2] =	dma.local @!p0 [hbm:s0], s1  }
0x91: {  	s0 =	simm.s32 @!p0 $0x3  }
0x92: {  	_ =	swait.ge @!p0 [sflag:s0], s1  }
0x93: {  	s1 =	ssub.s32 @!p0 $0x0, s1;
	[sflag:s0] =	ssyncset.done @!p0 $0x0  }
0x94: {  	[sflag:s0] =	ssyncadd.s32 @!p0 s1  }
0x95: {  	[bflag:$0x3] =	sbarrier.arrive $0xFFFF  }
0x96: {  	_ =	shalt  }

</sc_bundles>
